<compile_context>
chip_gen: v7x
topology: tpu7x:2x2x1
jax: 0.10.2.dev20260603
libtpu: 0.0.44.dev20260713+nightly
codegen_flags: <defaults>
</compile_context>

<pallas_src>
import functools

import jax
import jax.numpy as jnp
from jax import lax
from jax.experimental import pallas as pl
from jax.experimental.pallas import tpu as pltpu
from jax.experimental.pallas import tpu_sc as plsc

_CH = 64


def _sc_copy(nrows, d, dtype):
    info = plsc.get_sparse_core_info()
    nc, ns = info.num_cores, info.num_subcores
    nw = nc * ns
    rows_w = nrows // nw
    ch = min(_CH, rows_w)
    nch = rows_w // ch
    mesh = plsc.VectorSubcoreMesh(core_axis_name="c", subcore_axis_name="s")

    @functools.partial(
        pl.kernel,
        mesh=mesh,
        out_type=jax.ShapeDtypeStruct((nrows, d), dtype),
        scratch_types=[
            pltpu.VMEM((2, ch, d), dtype),
            pltpu.SemaphoreType.DMA,
            pltpu.SemaphoreType.DMA,
            pltpu.SemaphoreType.DMA,
            pltpu.SemaphoreType.DMA,
        ],
    )
    def k(x_hbm, out_hbm, buf, in0, in1, out0, out1):
        wid = lax.axis_index("s") * nc + lax.axis_index("c")
        base = wid * rows_w
        insems = (in0, in1)
        outsems = (out0, out1)

        def in_copy(j):
            b = j % 2
            return pltpu.make_async_copy(
                x_hbm.at[pl.ds(base + j * ch, ch)], buf.at[b], insems[b])

        def out_copy(j):
            b = j % 2
            return pltpu.make_async_copy(
                buf.at[b], out_hbm.at[pl.ds(base + j * ch, ch)], outsems[b])

        in_copy(0).start()
        for j in range(nch):
            if j + 1 < nch:
                if j >= 1:
                    out_copy(j - 1).wait()
                in_copy(j + 1).start()
            in_copy(j).wait()
            out_copy(j).start()
        for j in range(max(0, nch - 2), nch):
            out_copy(j).wait()

    return k


def _mask_body(mask_ref):
    mask_ref[...] = jnp.ones(mask_ref.shape, dtype=jnp.bool_)


def kernel(bags):
    b, s, d = bags.shape
    flat = bags.reshape(b * s, d)
    padded = _sc_copy(b * s, d, bags.dtype)(flat).reshape(b, s, d)
    mask = pl.pallas_call(
        _mask_body,
        out_shape=jax.ShapeDtypeStruct((b, s), jnp.bool_),
    )()
    return (padded, mask)

# --- scband reference (transcript-rebuilt; emitter-appended) ---
"""Pipeline reference for scband-bag-of-features-padder-65730179498494 (READ-ONLY COPY).

The authoritative reference and input builder live on the scoring server;
editing this copy changes nothing except your own understanding.
"""

import jax, jax.numpy as jnp
import numpy as np

B, S, D = 16, 4096, 512


def setup_inputs(seed: int = 0) -> dict:
    key = jax.random.key(seed)
    bags = jax.random.normal(key, (B, S, D), dtype=jnp.float32)
    return {"bags": bags}


def reference(bags):
    # Faithful translation of BagOfFeaturesPadder.forward.
    # The harness passes `bags` as a single float32[B, S, D] tensor; iterating it
    # (as the torch module does with `for bag in bags`) yields B bags each of
    # shape [S, D]. Every bag is 2-D, so the unsqueeze branch never fires.
    # max_size = max over bag.size(0) = S for every bag, hence padding_needed = 0
    # for all bags: each padded bag is the bag itself and each mask is all-True.
    # torch.stack over the B padded bags reconstructs the [B, S, D] tensor; the
    # stacked masks form an all-True [B, S] boolean tensor.
    b, s, d = bags.shape
    max_size = s
    padded = bags  # stack of identity-padded bags
    mask = jnp.ones((b, max_size), dtype=jnp.bool_)
    return (padded, mask)

if __name__ == "__main__":
    import jax
    _d = setup_inputs()
    print(jax.jit(kernel)(*tuple(_d.values())))

</pallas_src>

<mosaic_0001>
#map = affine_map<(d0, d1) -> (0, 0)>
module attributes {stable_mosaic.version = 14 : i64} {
  func.func @k(%arg0: i32, %arg1: i32, %arg2: memref<65536x512xf32, #tpu.memory_space<hbm>>, %arg3: memref<65536x512xf32, #tpu.memory_space<hbm>>, %arg4: memref<2x64x512xf32, #tpu.memory_space<vmem>>, %arg5: memref<!tpu.dma_semaphore, #tpu.memory_space<semaphore_mem>>, %arg6: memref<!tpu.dma_semaphore, #tpu.memory_space<semaphore_mem>>, %arg7: memref<!tpu.dma_semaphore, #tpu.memory_space<semaphore_mem>>, %arg8: memref<!tpu.dma_semaphore, #tpu.memory_space<semaphore_mem>>) attributes {dimension_semantics = [#tpu.dimension_semantics<core_parallel>, #tpu.dimension_semantics<subcore_parallel>], iteration_bounds = array<i64: 2, 16>, scalar_prefetch = 0 : i64, scratch_operands = 5 : i64, tpu.core_type = #tpu.core_type<sc_vector_subcore>, window_params = [{transform_indices = #map}, {transform_indices = #map}]} {
    %mul3A = arith.constant 2 : i32
    %mul3A_0 = arith.muli %arg1, %mul3A : i32
    %add3A = arith.addi %mul3A_0, %arg0 : i32
    %mul3A_1 = arith.constant 2048 : i32
    %mul3A_2 = arith.muli %add3A, %mul3A_1 : i32
    %add3A_3 = arith.constant 0 : i32
    %add3A_4 = arith.addi %mul3A_2, %add3A_3 : i32
    %dma_start3A = arith.constant 0 : i32
    %dma_start3A_5 = arith.constant 0 : i32
    %dma_start3A_6 = arith.constant 0 : i32
    %dma_start3A_7 = tpu.memref_slice %arg4[%dma_start3A, %dma_start3A_5, %dma_start3A_6] : memref<2x64x512xf32, #tpu.memory_space<vmem>> -> memref<1x64x512xf32, #tpu.memory_space<vmem>>
    %dma_start3A_8 = tpu.memref_squeeze %dma_start3A_7 : memref<1x64x512xf32, #tpu.memory_space<vmem>> -> memref<64x512xf32, #tpu.memory_space<vmem>>
    %dma_start3A_9 = arith.constant 0 : i32
    %dma_start3A_10 = tpu.memref_slice %arg2[%add3A_4, %dma_start3A_9] : memref<65536x512xf32, #tpu.memory_space<hbm>> -> memref<64x512xf32, #tpu.memory_space<hbm>>
    %dma_start3A_11 = arith.constant 0 : i32
    %dma_start3A_12 = arith.constant 0 : i32
    %dma_start3A_13 = tpu.memref_slice %arg4[%dma_start3A, %dma_start3A_11, %dma_start3A_12] : memref<2x64x512xf32, #tpu.memory_space<vmem>> -> memref<1x64x512xf32, #tpu.memory_space<vmem>>
    %dma_start3A_14 = tpu.memref_squeeze %dma_start3A_13 : memref<1x64x512xf32, #tpu.memory_space<vmem>> -> memref<64x512xf32, #tpu.memory_space<vmem>>
    %dma_start3A_15 = arith.constant 0 : i32
    %dma_start3A_16 = tpu.memref_slice %arg2[%add3A_4, %dma_start3A_15] : memref<65536x512xf32, #tpu.memory_space<hbm>> -> memref<64x512xf32, #tpu.memory_space<hbm>>
    tpu.enqueue_dma source(%dma_start3A_16 : memref<64x512xf32, #tpu.memory_space<hbm>>) target(%dma_start3A_14 : memref<64x512xf32, #tpu.memory_space<vmem>>) target_semaphore(%arg5 : memref<!tpu.dma_semaphore, #tpu.memory_space<semaphore_mem>>)
    %add3A_17 = arith.constant 64 : i32
    %add3A_18 = arith.addi %mul3A_2, %add3A_17 : i32
    %dma_start3A_19 = arith.constant 1 : i32
    %dma_start3A_20 = arith.constant 0 : i32
    %dma_start3A_21 = arith.constant 0 : i32
    %dma_start3A_22 = tpu.memref_slice %arg4[%dma_start3A_19, %dma_start3A_20, %dma_start3A_21] : memref<2x64x512xf32, #tpu.memory_space<vmem>> -> memref<1x64x512xf32, #tpu.memory_space<vmem>>
    %dma_start3A_23 = tpu.memref_squeeze %dma_start3A_22 : memref<1x64x512xf32, #tpu.memory_space<vmem>> -> memref<64x512xf32, #tpu.memory_space<vmem>>
    %dma_start3A_24 = arith.constant 0 : i32
    %dma_start3A_25 = tpu.memref_slice %arg2[%add3A_18, %dma_start3A_24] : memref<65536x512xf32, #tpu.memory_space<hbm>> -> memref<64x512xf32, #tpu.memory_space<hbm>>
    %dma_start3A_26 = arith.constant 0 : i32
    %dma_start3A_27 = arith.constant 0 : i32
    %dma_start3A_28 = tpu.memref_slice %arg4[%dma_start3A_19, %dma_start3A_26, %dma_start3A_27] : memref<2x64x512xf32, #tpu.memory_space<vmem>> -> memref<1x64x512xf32, #tpu.memory_space<vmem>>
    %dma_start3A_29 = tpu.memref_squeeze %dma_start3A_28 : memref<1x64x512xf32, #tpu.memory_space<vmem>> -> memref<64x512xf32, #tpu.memory_space<vmem>>
    %dma_start3A_30 = arith.constant 0 : i32
    %dma_start3A_31 = tpu.memref_slice %arg2[%add3A_18, %dma_start3A_30] : memref<65536x512xf32, #tpu.memory_space<hbm>> -> memref<64x512xf32, #tpu.memory_space<hbm>>
    tpu.enqueue_dma source(%dma_start3A_31 : memref<64x512xf32, #tpu.memory_space<hbm>>) target(%dma_start3A_29 : memref<64x512xf32, #tpu.memory_space<vmem>>) target_semaphore(%arg6 : memref<!tpu.dma_semaphore, #tpu.memory_space<semaphore_mem>>)
    %add3A_32 = arith.constant 0 : i32
    %add3A_33 = arith.addi %mul3A_2, %add3A_32 : i32
    %dma_wait3A = arith.constant 0 : i32
    %dma_wait3A_34 = arith.constant 0 : i32
    %dma_wait3A_35 = arith.constant 0 : i32
    %dma_wait3A_36 = tpu.memref_slice %arg4[%dma_wait3A, %dma_wait3A_34, %dma_wait3A_35] : memref<2x64x512xf32, #tpu.memory_space<vmem>> -> memref<1x64x512xf32, #tpu.memory_space<vmem>>
    %dma_wait3A_37 = tpu.memref_squeeze %dma_wait3A_36 : memref<1x64x512xf32, #tpu.memory_space<vmem>> -> memref<64x512xf32, #tpu.memory_space<vmem>>
    %dma_wait3A_38 = arith.constant 0 : i32
    %dma_wait3A_39 = tpu.memref_slice %arg2[%add3A_33, %dma_wait3A_38] : memref<65536x512xf32, #tpu.memory_space<hbm>> -> memref<64x512xf32, #tpu.memory_space<hbm>>
    %dma_wait3A_40 = arith.constant 0 : i32
    %dma_wait3A_41 = arith.constant 0 : i32
    %dma_wait3A_42 = tpu.memref_slice %arg4[%dma_wait3A, %dma_wait3A_40, %dma_wait3A_41] : memref<2x64x512xf32, #tpu.memory_space<vmem>> -> memref<1x64x512xf32, #tpu.memory_space<vmem>>
    %dma_wait3A_43 = tpu.memref_squeeze %dma_wait3A_42 : memref<1x64x512xf32, #tpu.memory_space<vmem>> -> memref<64x512xf32, #tpu.memory_space<vmem>>
    %dma_wait3A_44 = arith.constant 0 : i32
    %dma_wait3A_45 = tpu.memref_slice %arg2[%add3A_33, %dma_wait3A_44] : memref<65536x512xf32, #tpu.memory_space<hbm>> -> memref<64x512xf32, #tpu.memory_space<hbm>>
    tpu.wait_dma2 semaphore(%arg5 : memref<!tpu.dma_semaphore, #tpu.memory_space<semaphore_mem>>) src(%dma_wait3A_45 : memref<64x512xf32, #tpu.memory_space<hbm>>) dst(%dma_wait3A_43 : memref<64x512xf32, #tpu.memory_space<vmem>>)
    %add3A_46 = arith.constant 0 : i32
    %add3A_47 = arith.addi %mul3A_2, %add3A_46 : i32
    %dma_start3A_48 = arith.constant 0 : i32
    %dma_start3A_49 = arith.constant 0 : i32
    %dma_start3A_50 = arith.constant 0 : i32
    %dma_start3A_51 = tpu.memref_slice %arg4[%dma_start3A_48, %dma_start3A_49, %dma_start3A_50] : memref<2x64x512xf32, #tpu.memory_space<vmem>> -> memref<1x64x512xf32, #tpu.memory_space<vmem>>
    %dma_start3A_52 = tpu.memref_squeeze %dma_start3A_51 : memref<1x64x512xf32, #tpu.memory_space<vmem>> -> memref<64x512xf32, #tpu.memory_space<vmem>>
    %dma_start3A_53 = arith.constant 0 : i32
    %dma_start3A_54 = tpu.memref_slice %arg3[%add3A_47, %dma_start3A_53] : memref<65536x512xf32, #tpu.memory_space<hbm>> -> memref<64x512xf32, #tpu.memory_space<hbm>>
    %dma_start3A_55 = arith.constant 0 : i32
    %dma_start3A_56 = tpu.memref_slice %arg3[%add3A_47, %dma_start3A_55] : memref<65536x512xf32, #tpu.memory_space<hbm>> -> memref<64x512xf32, #tpu.memory_space<hbm>>
    %dma_start3A_57 = arith.constant 0 : i32
    %dma_start3A_58 = arith.constant 0 : i32
    %dma_start3A_59 = tpu.memref_slice %arg4[%dma_start3A_48, %dma_start3A_57, %dma_start3A_58] : memref<2x64x512xf32, #tpu.memory_space<vmem>> -> memref<1x64x512xf32, #tpu.memory_space<vmem>>
    %dma_start3A_60 = tpu.memref_squeeze %dma_start3A_59 : memref<1x64x512xf32, #tpu.memory_space<vmem>> -> memref<64x512xf32, #tpu.memory_space<vmem>>
    tpu.enqueue_dma source(%dma_start3A_60 : memref<64x512xf32, #tpu.memory_space<vmem>>) target(%dma_start3A_56 : memref<64x512xf32, #tpu.memory_space<hbm>>) target_semaphore(%arg7 : memref<!tpu.dma_semaphore, #tpu.memory_space<semaphore_mem>>)
    %add3A_61 = arith.constant 0 : i32
    %add3A_62 = arith.addi %mul3A_2, %add3A_61 : i32
    %dma_wait3A_63 = arith.constant 0 : i32
    %dma_wait3A_64 = arith.constant 0 : i32
    %dma_wait3A_65 = arith.constant 0 : i32
    %dma_wait3A_66 = tpu.memref_slice %arg4[%dma_wait3A_63, %dma_wait3A_64, %dma_wait3A_65] : memref<2x64x512xf32, #tpu.memory_space<vmem>> -> memref<1x64x512xf32, #tpu.memory_space<vmem>>
    %dma_wait3A_67 = tpu.memref_squeeze %dma_wait3A_66 : memref<1x64x512xf32, #tpu.memory_space<vmem>> -> memref<64x512xf32, #tpu.memory_space<vmem>>
    %dma_wait3A_68 = arith.constant 0 : i32
    %dma_wait3A_69 = tpu.memref_slice %arg3[%add3A_62, %dma_wait3A_68] : memref<65536x512xf32, #tpu.memory_space<hbm>> -> memref<64x512xf32, #tpu.memory_space<hbm>>
    %dma_wait3A_70 = arith.constant 0 : i32
    %dma_wait3A_71 = tpu.memref_slice %arg3[%add3A_62, %dma_wait3A_70] : memref<65536x512xf32, #tpu.memory_space<hbm>> -> memref<64x512xf32, #tpu.memory_space<hbm>>
    %dma_wait3A_72 = arith.constant 0 : i32
    %dma_wait3A_73 = arith.constant 0 : i32
    %dma_wait3A_74 = tpu.memref_slice %arg4[%dma_wait3A_63, %dma_wait3A_72, %dma_wait3A_73] : memref<2x64x512xf32, #tpu.memory_space<vmem>> -> memref<1x64x512xf32, #tpu.memory_space<vmem>>
    %dma_wait3A_75 = tpu.memref_squeeze %dma_wait3A_74 : memref<1x64x512xf32, #tpu.memory_space<vmem>> -> memref<64x512xf32, #tpu.memory_space<vmem>>
    tpu.wait_dma2 semaphore(%arg7 : memref<!tpu.dma_semaphore, #tpu.memory_space<semaphore_mem>>) src(%dma_wait3A_75 : memref<64x512xf32, #tpu.memory_space<vmem>>) dst(%dma_wait3A_71 : memref<64x512xf32, #tpu.memory_space<hbm>>)
    %add3A_76 = arith.constant 128 : i32
    %add3A_77 = arith.addi %mul3A_2, %add3A_76 : i32
    %dma_start3A_78 = arith.constant 0 : i32
    %dma_start3A_79 = arith.constant 0 : i32
    %dma_start3A_80 = arith.constant 0 : i32
    %dma_start3A_81 = tpu.memref_slice %arg4[%dma_start3A_78, %dma_start3A_79, %dma_start3A_80] : memref<2x64x512xf32, #tpu.memory_space<vmem>> -> memref<1x64x512xf32, #tpu.memory_space<vmem>>
    %dma_start3A_82 = tpu.memref_squeeze %dma_start3A_81 : memref<1x64x512xf32, #tpu.memory_space<vmem>> -> memref<64x512xf32, #tpu.memory_space<vmem>>
    %dma_start3A_83 = arith.constant 0 : i32
    %dma_start3A_84 = tpu.memref_slice %arg2[%add3A_77, %dma_start3A_83] : memref<65536x512xf32, #tpu.memory_space<hbm>> -> memref<64x512xf32, #tpu.memory_space<hbm>>
    %dma_start3A_85 = arith.constant 0 : i32
    %dma_start3A_86 = arith.constant 0 : i32
    %dma_start3A_87 = tpu.memref_slice %arg4[%dma_start3A_78, %dma_start3A_85, %dma_start3A_86] : memref<2x64x512xf32, #tpu.memory_space<vmem>> -> memref<1x64x512xf32, #tpu.memory_space<vmem>>
    %dma_start3A_88 = tpu.memref_squeeze %dma_start3A_87 : memref<1x64x512xf32, #tpu.memory_space<vmem>> -> memref<64x512xf32, #tpu.memory_space<vmem>>
    %dma_start3A_89 = arith.constant 0 : i32
    %dma_start3A_90 = tpu.memref_slice %arg2[%add3A_77, %dma_start3A_89] : memref<65536x512xf32, #tpu.memory_space<hbm>> -> memref<64x512xf32, #tpu.memory_space<hbm>>
    tpu.enqueue_dma source(%dma_start3A_90 : memref<64x512xf32, #tpu.memory_space<hbm>>) target(%dma_start3A_88 : memref<64x512xf32, #tpu.memory_space<vmem>>) target_semaphore(%arg5 : memref<!tpu.dma_semaphore, #tpu.memory_space<semaphore_mem>>)
    %add3A_91 = arith.constant 64 : i32
    %add3A_92 = arith.addi %mul3A_2, %add3A_91 : i32
    %dma_wait3A_93 = arith.constant 1 : i32
    %dma_wait3A_94 = arith.constant 0 : i32
    %dma_wait3A_95 = arith.constant 0 : i32
    %dma_wait3A_96 = tpu.memref_slice %arg4[%dma_wait3A_93, %dma_wait3A_94, %dma_wait3A_95] : memref<2x64x512xf32, #tpu.memory_space<vmem>> -> memref<1x64x512xf32, #tpu.memory_space<vmem>>
    %dma_wait3A_97 = tpu.memref_squeeze %dma_wait3A_96 : memref<1x64x512xf32, #tpu.memory_space<vmem>> -> memref<64x512xf32, #tpu.memory_space<vmem>>
    %dma_wait3A_98 = arith.constant 0 : i32
    %dma_wait3A_99 = tpu.memref_slice %arg2[%add3A_92, %dma_wait3A_98] : memref<65536x512xf32, #tpu.memory_space<hbm>> -> memref<64x512xf32, #tpu.memory_space<hbm>>
    %dma_wait3A_100 = arith.constant 0 : i32
    %dma_wait3A_101 = arith.constant 0 : i32
    %dma_wait3A_102 = tpu.memref_slice %arg4[%dma_wait3A_93, %dma_wait3A_100, %dma_wait3A_101] : memref<2x64x512xf32, #tpu.memory_space<vmem>> -> memref<1x64x512xf32, #tpu.memory_space<vmem>>
    %dma_wait3A_103 = tpu.memref_squeeze %dma_wait3A_102 : memref<1x64x512xf32, #tpu.memory_space<vmem>> -> memref<64x512xf32, #tpu.memory_space<vmem>>
    %dma_wait3A_104 = arith.constant 0 : i32
    %dma_wait3A_105 = tpu.memref_slice %arg2[%add3A_92, %dma_wait3A_104] : memref<65536x512xf32, #tpu.memory_space<hbm>> -> memref<64x512xf32, #tpu.memory_space<hbm>>
    tpu.wait_dma2 semaphore(%arg6 : memref<!tpu.dma_semaphore, #tpu.memory_space<semaphore_mem>>) src(%dma_wait3A_105 : memref<64x512xf32, #tpu.memory_space<hbm>>) dst(%dma_wait3A_103 : memref<64x512xf32, #tpu.memory_space<vmem>>)
    %add3A_106 = arith.constant 64 : i32
    %add3A_107 = arith.addi %mul3A_2, %add3A_106 : i32
    %dma_start3A_108 = arith.constant 1 : i32
    %dma_start3A_109 = arith.constant 0 : i32
    %dma_start3A_110 = arith.constant 0 : i32
    %dma_start3A_111 = tpu.memref_slice %arg4[%dma_start3A_108, %dma_start3A_109, %dma_start3A_110] : memref<2x64x512xf32, #tpu.memory_space<vmem>> -> memref<1x64x512xf32, #tpu.memory_space<vmem>>
    %dma_start3A_112 = tpu.memref_squeeze %dma_start3A_111 : memref<1x64x512xf32, #tpu.memory_space<vmem>> -> memref<64x512xf32, #tpu.memory_space<vmem>>
    %dma_start3A_113 = arith.constant 0 : i32
    %dma_start3A_114 = tpu.memref_slice %arg3[%add3A_107, %dma_start3A_113] : memref<65536x512xf32, #tpu.memory_space<hbm>> -> memref<64x512xf32, #tpu.memory_space<hbm>>
    %dma_start3A_115 = arith.constant 0 : i32
    %dma_start3A_116 = tpu.memref_slice %arg3[%add3A_107, %dma_start3A_115] : memref<65536x512xf32, #tpu.memory_space<hbm>> -> memref<64x512xf32, #tpu.memory_space<hbm>>
    %dma_start3A_117 = arith.constant 0 : i32
    %dma_start3A_118 = arith.constant 0 : i32
    %dma_start3A_119 = tpu.memref_slice %arg4[%dma_start3A_108, %dma_start3A_117, %dma_start3A_118] : memref<2x64x512xf32, #tpu.memory_space<vmem>> -> memref<1x64x512xf32, #tpu.memory_space<vmem>>
    %dma_start3A_120 = tpu.memref_squeeze %dma_start3A_119 : memref<1x64x512xf32, #tpu.memory_space<vmem>> -> memref<64x512xf32, #tpu.memory_space<vmem>>
    tpu.enqueue_dma source(%dma_start3A_120 : memref<64x512xf32, #tpu.memory_space<vmem>>) target(%dma_start3A_116 : memref<64x512xf32, #tpu.memory_space<hbm>>) target_semaphore(%arg8 : memref<!tpu.dma_semaphore, #tpu.memory_space<semaphore_mem>>)
    %add3A_121 = arith.constant 64 : i32
    %add3A_122 = arith.addi %mul3A_2, %add3A_121 : i32
    %dma_wait3A_123 = arith.constant 1 : i32
    %dma_wait3A_124 = arith.constant 0 : i32
    %dma_wait3A_125 = arith.constant 0 : i32
    %dma_wait3A_126 = tpu.memref_slice %arg4[%dma_wait3A_123, %dma_wait3A_124, %dma_wait3A_125] : memref<2x64x512xf32, #tpu.memory_space<vmem>> -> memref<1x64x512xf32, #tpu.memory_space<vmem>>
    %dma_wait3A_127 = tpu.memref_squeeze %dma_wait3A_126 : memref<1x64x512xf32, #tpu.memory_space<vmem>> -> memref<64x512xf32, #tpu.memory_space<vmem>>
    %dma_wait3A_128 = arith.constant 0 : i32
    %dma_wait3A_129 = tpu.memref_slice %arg3[%add3A_122, %dma_wait3A_128] : memref<65536x512xf32, #tpu.memory_space<hbm>> -> memref<64x512xf32, #tpu.memory_space<hbm>>
    %dma_wait3A_130 = arith.constant 0 : i32
    %dma_wait3A_131 = tpu.memref_slice %arg3[%add3A_122, %dma_wait3A_130] : memref<65536x512xf32, #tpu.memory_space<hbm>> -> memref<64x512xf32, #tpu.memory_space<hbm>>
    %dma_wait3A_132 = arith.constant 0 : i32
    %dma_wait3A_133 = arith.constant 0 : i32
    %dma_wait3A_134 = tpu.memref_slice %arg4[%dma_wait3A_123, %dma_wait3A_132, %dma_wait3A_133] : memref<2x64x512xf32, #tpu.memory_space<vmem>> -> memref<1x64x512xf32, #tpu.memory_space<vmem>>
    %dma_wait3A_135 = tpu.memref_squeeze %dma_wait3A_134 : memref<1x64x512xf32, #tpu.memory_space<vmem>> -> memref<64x512xf32, #tpu.memory_space<vmem>>
    tpu.wait_dma2 semaphore(%arg8 : memref<!tpu.dma_semaphore, #tpu.memory_space<semaphore_mem>>) src(%dma_wait3A_135 : memref<64x512xf32, #tpu.memory_space<vmem>>) dst(%dma_wait3A_131 : memref<64x512xf32, #tpu.memory_space<hbm>>)
    %add3A_136 = arith.constant 192 : i32
    %add3A_137 = arith.addi %mul3A_2, %add3A_136 : i32
    %dma_start3A_138 = arith.constant 1 : i32
    %dma_start3A_139 = arith.constant 0 : i32
    %dma_start3A_140 = arith.constant 0 : i32
    %dma_start3A_141 = tpu.memref_slice %arg4[%dma_start3A_138, %dma_start3A_139, %dma_start3A_140] : memref<2x64x512xf32, #tpu.memory_space<vmem>> -> memref<1x64x512xf32, #tpu.memory_space<vmem>>
    %dma_start3A_142 = tpu.memref_squeeze %dma_start3A_141 : memref<1x64x512xf32, #tpu.memory_space<vmem>> -> memref<64x512xf32, #tpu.memory_space<vmem>>
    %dma_start3A_143 = arith.constant 0 : i32
    %dma_start3A_144 = tpu.memref_slice %arg2[%add3A_137, %dma_start3A_143] : memref<65536x512xf32, #tpu.memory_space<hbm>> -> memref<64x512xf32, #tpu.memory_space<hbm>>
    %dma_start3A_145 = arith.constant 0 : i32
    %dma_start3A_146 = arith.constant 0 : i32
    %dma_start3A_147 = tpu.memref_slice %arg4[%dma_start3A_138, %dma_start3A_145, %dma_start3A_146] : memref<2x64x512xf32, #tpu.memory_space<vmem>> -> memref<1x64x512xf32, #tpu.memory_space<vmem>>
    %dma_start3A_148 = tpu.memref_squeeze %dma_start3A_147 : memref<1x64x512xf32, #tpu.memory_space<vmem>> -> memref<64x512xf32, #tpu.memory_space<vmem>>
    %dma_start3A_149 = arith.constant 0 : i32
    %dma_start3A_150 = tpu.memref_slice %arg2[%add3A_137, %dma_start3A_149] : memref<65536x512xf32, #tpu.memory_space<hbm>> -> memref<64x512xf32, #tpu.memory_space<hbm>>
    tpu.enqueue_dma source(%dma_start3A_150 : memref<64x512xf32, #tpu.memory_space<hbm>>) target(%dma_start3A_148 : memref<64x512xf32, #tpu.memory_space<vmem>>) target_semaphore(%arg6 : memref<!tpu.dma_semaphore, #tpu.memory_space<semaphore_mem>>)
    %add3A_151 = arith.constant 128 : i32
    %add3A_152 = arith.addi %mul3A_2, %add3A_151 : i32
    %dma_wait3A_153 = arith.constant 0 : i32
    %dma_wait3A_154 = arith.constant 0 : i32
    %dma_wait3A_155 = arith.constant 0 : i32
    %dma_wait3A_156 = tpu.memref_slice %arg4[%dma_wait3A_153, %dma_wait3A_154, %dma_wait3A_155] : memref<2x64x512xf32, #tpu.memory_space<vmem>> -> memref<1x64x512xf32, #tpu.memory_space<vmem>>
    %dma_wait3A_157 = tpu.memref_squeeze %dma_wait3A_156 : memref<1x64x512xf32, #tpu.memory_space<vmem>> -> memref<64x512xf32, #tpu.memory_space<vmem>>
    %dma_wait3A_158 = arith.constant 0 : i32
    %dma_wait3A_159 = tpu.memref_slice %arg2[%add3A_152, %dma_wait3A_158] : memref<65536x512xf32, #tpu.memory_space<hbm>> -> memref<64x512xf32, #tpu.memory_space<hbm>>
    %dma_wait3A_160 = arith.constant 0 : i32
    %dma_wait3A_161 = arith.constant 0 : i32
    %dma_wait3A_162 = tpu.memref_slice %arg4[%dma_wait3A_153, %dma_wait3A_160, %dma_wait3A_161] : memref<2x64x512xf32, #tpu.memory_space<vmem>> -> memref<1x64x512xf32, #tpu.memory_space<vmem>>
    %dma_wait3A_163 = tpu.memref_squeeze %dma_wait3A_162 : memref<1x64x512xf32, #tpu.memory_space<vmem>> -> memref<64x512xf32, #tpu.memory_space<vmem>>
    %dma_wait3A_164 = arith.constant 0 : i32
    %dma_wait3A_165 = tpu.memref_slice %arg2[%add3A_152, %dma_wait3A_164] : memref<65536x512xf32, #tpu.memory_space<hbm>> -> memref<64x512xf32, #tpu.memory_space<hbm>>
    tpu.wait_dma2 semaphore(%arg5 : memref<!tpu.dma_semaphore, #tpu.memory_space<semaphore_mem>>) src(%dma_wait3A_165 : memref<64x512xf32, #tpu.memory_space<hbm>>) dst(%dma_wait3A_163 : memref<64x512xf32, #tpu.memory_space<vmem>>)
    %add3A_166 = arith.constant 128 : i32
    %add3A_167 = arith.addi %mul3A_2, %add3A_166 : i32
    %dma_start3A_168 = arith.constant 0 : i32
    %dma_start3A_169 = arith.constant 0 : i32
    %dma_start3A_170 = arith.constant 0 : i32
    %dma_start3A_171 = tpu.memref_slice %arg4[%dma_start3A_168, %dma_start3A_169, %dma_start3A_170] : memref<2x64x512xf32, #tpu.memory_space<vmem>> -> memref<1x64x512xf32, #tpu.memory_space<vmem>>
    %dma_start3A_172 = tpu.memref_squeeze %dma_start3A_171 : memref<1x64x512xf32, #tpu.memory_space<vmem>> -> memref<64x512xf32, #tpu.memory_space<vmem>>
    %dma_start3A_173 = arith.constant 0 : i32
    %dma_start3A_174 = tpu.memref_slice %arg3[%add3A_167, %dma_start3A_173] : memref<65536x512xf32, #tpu.memory_space<hbm>> -> memref<64x512xf32, #tpu.memory_space<hbm>>
    %dma_start3A_175 = arith.constant 0 : i32
    %dma_start3A_176 = tpu.memref_slice %arg3[%add3A_167, %dma_start3A_175] : memref<65536x512xf32, #tpu.memory_space<hbm>> -> memref<64x512xf32, #tpu.memory_space<hbm>>
    %dma_start3A_177 = arith.constant 0 : i32
    %dma_start3A_178 = arith.constant 0 : i32
    %dma_start3A_179 = tpu.memref_slice %arg4[%dma_start3A_168, %dma_start3A_177, %dma_start3A_178] : memref<2x64x512xf32, #tpu.memory_space<vmem>> -> memref<1x64x512xf32, #tpu.memory_space<vmem>>
    %dma_start3A_180 = tpu.memref_squeeze %dma_start3A_179 : memref<1x64x512xf32, #tpu.memory_space<vmem>> -> memref<64x512xf32, #tpu.memory_space<vmem>>
    tpu.enqueue_dma source(%dma_start3A_180 : memref<64x512xf32, #tpu.memory_space<vmem>>) target(%dma_start3A_176 : memref<64x512xf32, #tpu.memory_space<hbm>>) target_semaphore(%arg7 : memref<!tpu.dma_semaphore, #tpu.memory_space<semaphore_mem>>)
    %add3A_181 = arith.constant 128 : i32
    %add3A_182 = arith.addi %mul3A_2, %add3A_181 : i32
    %dma_wait3A_183 = arith.constant 0 : i32
    %dma_wait3A_184 = arith.constant 0 : i32
    %dma_wait3A_185 = arith.constant 0 : i32
    %dma_wait3A_186 = tpu.memref_slice %arg4[%dma_wait3A_183, %dma_wait3A_184, %dma_wait3A_185] : memref<2x64x512xf32, #tpu.memory_space<vmem>> -> memref<1x64x512xf32, #tpu.memory_space<vmem>>
    %dma_wait3A_187 = tpu.memref_squeeze %dma_wait3A_186 : memref<1x64x512xf32, #tpu.memory_space<vmem>> -> memref<64x512xf32, #tpu.memory_space<vmem>>
    %dma_wait3A_188 = arith.constant 0 : i32
    %dma_wait3A_189 = tpu.memref_slice %arg3[%add3A_182, %dma_wait3A_188] : memref<65536x512xf32, #tpu.memory_space<hbm>> -> memref<64x512xf32, #tpu.memory_space<hbm>>
    %dma_wait3A_190 = arith.constant 0 : i32
    %dma_wait3A_191 = tpu.memref_slice %arg3[%add3A_182, %dma_wait3A_190] : memref<65536x512xf32, #tpu.memory_space<hbm>> -> memref<64x512xf32, #tpu.memory_space<hbm>>
    %dma_wait3A_192 = arith.constant 0 : i32
    %dma_wait3A_193 = arith.constant 0 : i32
    %dma_wait3A_194 = tpu.memref_slice %arg4[%dma_wait3A_183, %dma_wait3A_192, %dma_wait3A_193] : memref<2x64x512xf32, #tpu.memory_space<vmem>> -> memref<1x64x512xf32, #tpu.memory_space<vmem>>
    %dma_wait3A_195 = tpu.memref_squeeze %dma_wait3A_194 : memref<1x64x512xf32, #tpu.memory_space<vmem>> -> memref<64x512xf32, #tpu.memory_space<vmem>>
    tpu.wait_dma2 semaphore(%arg7 : memref<!tpu.dma_semaphore, #tpu.memory_space<semaphore_mem>>) src(%dma_wait3A_195 : memref<64x512xf32, #tpu.memory_space<vmem>>) dst(%dma_wait3A_191 : memref<64x512xf32, #tpu.memory_space<hbm>>)
    %add3A_196 = arith.constant 256 : i32
    %add3A_197 = arith.addi %mul3A_2, %add3A_196 : i32
    %dma_start3A_198 = arith.constant 0 : i32
    %dma_start3A_199 = arith.constant 0 : i32
    %dma_start3A_200 = arith.constant 0 : i32
    %dma_start3A_201 = tpu.memref_slice %arg4[%dma_start3A_198, %dma_start3A_199, %dma_start3A_200] : memref<2x64x512xf32, #tpu.memory_space<vmem>> -> memref<1x64x512xf32, #tpu.memory_space<vmem>>
    %dma_start3A_202 = tpu.memref_squeeze %dma_start3A_201 : memref<1x64x512xf32, #tpu.memory_space<vmem>> -> memref<64x512xf32, #tpu.memory_space<vmem>>
    %dma_start3A_203 = arith.constant 0 : i32
    %dma_start3A_204 = tpu.memref_slice %arg2[%add3A_197, %dma_start3A_203] : memref<65536x512xf32, #tpu.memory_space<hbm>> -> memref<64x512xf32, #tpu.memory_space<hbm>>
    %dma_start3A_205 = arith.constant 0 : i32
    %dma_start3A_206 = arith.constant 0 : i32
    %dma_start3A_207 = tpu.memref_slice %arg4[%dma_start3A_198, %dma_start3A_205, %dma_start3A_206] : memref<2x64x512xf32, #tpu.memory_space<vmem>> -> memref<1x64x512xf32, #tpu.memory_space<vmem>>
    %dma_start3A_208 = tpu.memref_squeeze %dma_start3A_207 : memref<1x64x512xf32, #tpu.memory_space<vmem>> -> memref<64x512xf32, #tpu.memory_space<vmem>>
    %dma_start3A_209 = arith.constant 0 : i32
    %dma_start3A_210 = tpu.memref_slice %arg2[%add3A_197, %dma_start3A_209] : memref<65536x512xf32, #tpu.memory_space<hbm>> -> memref<64x512xf32, #tpu.memory_space<hbm>>
    tpu.enqueue_dma source(%dma_start3A_210 : memref<64x512xf32, #tpu.memory_space<hbm>>) target(%dma_start3A_208 : memref<64x512xf32, #tpu.memory_space<vmem>>) target_semaphore(%arg5 : memref<!tpu.dma_semaphore, #tpu.memory_space<semaphore_mem>>)
    %add3A_211 = arith.constant 192 : i32
    %add3A_212 = arith.addi %mul3A_2, %add3A_211 : i32
    %dma_wait3A_213 = arith.constant 1 : i32
    %dma_wait3A_214 = arith.constant 0 : i32
    %dma_wait3A_215 = arith.constant 0 : i32
    %dma_wait3A_216 = tpu.memref_slice %arg4[%dma_wait3A_213, %dma_wait3A_214, %dma_wait3A_215] : memref<2x64x512xf32, #tpu.memory_space<vmem>> -> memref<1x64x512xf32, #tpu.memory_space<vmem>>
    %dma_wait3A_217 = tpu.memref_squeeze %dma_wait3A_216 : memref<1x64x512xf32, #tpu.memory_space<vmem>> -> memref<64x512xf32, #tpu.memory_space<vmem>>
    %dma_wait3A_218 = arith.constant 0 : i32
    %dma_wait3A_219 = tpu.memref_slice %arg2[%add3A_212, %dma_wait3A_218] : memref<65536x512xf32, #tpu.memory_space<hbm>> -> memref<64x512xf32, #tpu.memory_space<hbm>>
    %dma_wait3A_220 = arith.constant 0 : i32
    %dma_wait3A_221 = arith.constant 0 : i32
    %dma_wait3A_222 = tpu.memref_slice %arg4[%dma_wait3A_213, %dma_wait3A_220, %dma_wait3A_221] : memref<2x64x512xf32, #tpu.memory_space<vmem>> -> memref<1x64x512xf32, #tpu.memory_space<vmem>>
    %dma_wait3A_223 = tpu.memref_squeeze %dma_wait3A_222 : memref<1x64x512xf32, #tpu.memory_space<vmem>> -> memref<64x512xf32, #tpu.memory_space<vmem>>
    %dma_wait3A_224 = arith.constant 0 : i32
    %dma_wait3A_225 = tpu.memref_slice %arg2[%add3A_212, %dma_wait3A_224] : memref<65536x512xf32, #tpu.memory_space<hbm>> -> memref<64x512xf32, #tpu.memory_space<hbm>>
    tpu.wait_dma2 semaphore(%arg6 : memref<!tpu.dma_semaphore, #tpu.memory_space<semaphore_mem>>) src(%dma_wait3A_225 : memref<64x512xf32, #tpu.memory_space<hbm>>) dst(%dma_wait3A_223 : memref<64x512xf32, #tpu.memory_space<vmem>>)
    %add3A_226 = arith.constant 192 : i32
    %add3A_227 = arith.addi %mul3A_2, %add3A_226 : i32
    %dma_start3A_228 = arith.constant 1 : i32
    %dma_start3A_229 = arith.constant 0 : i32
    %dma_start3A_230 = arith.constant 0 : i32
    %dma_start3A_231 = tpu.memref_slice %arg4[%dma_start3A_228, %dma_start3A_229, %dma_start3A_230] : memref<2x64x512xf32, #tpu.memory_space<vmem>> -> memref<1x64x512xf32, #tpu.memory_space<vmem>>
    %dma_start3A_232 = tpu.memref_squeeze %dma_start3A_231 : memref<1x64x512xf32, #tpu.memory_space<vmem>> -> memref<64x512xf32, #tpu.memory_space<vmem>>
    %dma_start3A_233 = arith.constant 0 : i32
    %dma_start3A_234 = tpu.memref_slice %arg3[%add3A_227, %dma_start3A_233] : memref<65536x512xf32, #tpu.memory_space<hbm>> -> memref<64x512xf32, #tpu.memory_space<hbm>>
    %dma_start3A_235 = arith.constant 0 : i32
    %dma_start3A_236 = tpu.memref_slice %arg3[%add3A_227, %dma_start3A_235] : memref<65536x512xf32, #tpu.memory_space<hbm>> -> memref<64x512xf32, #tpu.memory_space<hbm>>
    %dma_start3A_237 = arith.constant 0 : i32
    %dma_start3A_238 = arith.constant 0 : i32
    %dma_start3A_239 = tpu.memref_slice %arg4[%dma_start3A_228, %dma_start3A_237, %dma_start3A_238] : memref<2x64x512xf32, #tpu.memory_space<vmem>> -> memref<1x64x512xf32, #tpu.memory_space<vmem>>
    %dma_start3A_240 = tpu.memref_squeeze %dma_start3A_239 : memref<1x64x512xf32, #tpu.memory_space<vmem>> -> memref<64x512xf32, #tpu.memory_space<vmem>>
    tpu.enqueue_dma source(%dma_start3A_240 : memref<64x512xf32, #tpu.memory_space<vmem>>) target(%dma_start3A_236 : memref<64x512xf32, #tpu.memory_space<hbm>>) target_semaphore(%arg8 : memref<!tpu.dma_semaphore, #tpu.memory_space<semaphore_mem>>)
    %add3A_241 = arith.constant 192 : i32
    %add3A_242 = arith.addi %mul3A_2, %add3A_241 : i32
    %dma_wait3A_243 = arith.constant 1 : i32
    %dma_wait3A_244 = arith.constant 0 : i32
    %dma_wait3A_245 = arith.constant 0 : i32
    %dma_wait3A_246 = tpu.memref_slice %arg4[%dma_wait3A_243, %dma_wait3A_244, %dma_wait3A_245] : memref<2x64x512xf32, #tpu.memory_space<vmem>> -> memref<1x64x512xf32, #tpu.memory_space<vmem>>
    %dma_wait3A_247 = tpu.memref_squeeze %dma_wait3A_246 : memref<1x64x512xf32, #tpu.memory_space<vmem>> -> memref<64x512xf32, #tpu.memory_space<vmem>>
    %dma_wait3A_248 = arith.constant 0 : i32
    %dma_wait3A_249 = tpu.memref_slice %arg3[%add3A_242, %dma_wait3A_248] : memref<65536x512xf32, #tpu.memory_space<hbm>> -> memref<64x512xf32, #tpu.memory_space<hbm>>
    %dma_wait3A_250 = arith.constant 0 : i32
    %dma_wait3A_251 = tpu.memref_slice %arg3[%add3A_242, %dma_wait3A_250] : memref<65536x512xf32, #tpu.memory_space<hbm>> -> memref<64x512xf32, #tpu.memory_space<hbm>>
    %dma_wait3A_252 = arith.constant 0 : i32
    %dma_wait3A_253 = arith.constant 0 : i32
    %dma_wait3A_254 = tpu.memref_slice %arg4[%dma_wait3A_243, %dma_wait3A_252, %dma_wait3A_253] : memref<2x64x512xf32, #tpu.memory_space<vmem>> -> memref<1x64x512xf32, #tpu.memory_space<vmem>>
    %dma_wait3A_255 = tpu.memref_squeeze %dma_wait3A_254 : memref<1x64x512xf32, #tpu.memory_space<vmem>> -> memref<64x512xf32, #tpu.memory_space<vmem>>
    tpu.wait_dma2 semaphore(%arg8 : memref<!tpu.dma_semaphore, #tpu.memory_space<semaphore_mem>>) src(%dma_wait3A_255 : memref<64x512xf32, #tpu.memory_space<vmem>>) dst(%dma_wait3A_251 : memref<64x512xf32, #tpu.memory_space<hbm>>)
    %add3A_256 = arith.constant 320 : i32
    %add3A_257 = arith.addi %mul3A_2, %add3A_256 : i32
    %dma_start3A_258 = arith.constant 1 : i32
    %dma_start3A_259 = arith.constant 0 : i32
    %dma_start3A_260 = arith.constant 0 : i32
    %dma_start3A_261 = tpu.memref_slice %arg4[%dma_start3A_258, %dma_start3A_259, %dma_start3A_260] : memref<2x64x512xf32, #tpu.memory_space<vmem>> -> memref<1x64x512xf32, #tpu.memory_space<vmem>>
    %dma_start3A_262 = tpu.memref_squeeze %dma_start3A_261 : memref<1x64x512xf32, #tpu.memory_space<vmem>> -> memref<64x512xf32, #tpu.memory_space<vmem>>
    %dma_start3A_263 = arith.constant 0 : i32
    %dma_start3A_264 = tpu.memref_slice %arg2[%add3A_257, %dma_start3A_263] : memref<65536x512xf32, #tpu.memory_space<hbm>> -> memref<64x512xf32, #tpu.memory_space<hbm>>
    %dma_start3A_265 = arith.constant 0 : i32
    %dma_start3A_266 = arith.constant 0 : i32
    %dma_start3A_267 = tpu.memref_slice %arg4[%dma_start3A_258, %dma_start3A_265, %dma_start3A_266] : memref<2x64x512xf32, #tpu.memory_space<vmem>> -> memref<1x64x512xf32, #tpu.memory_space<vmem>>
    %dma_start3A_268 = tpu.memref_squeeze %dma_start3A_267 : memref<1x64x512xf32, #tpu.memory_space<vmem>> -> memref<64x512xf32, #tpu.memory_space<vmem>>
    %dma_start3A_269 = arith.constant 0 : i32
    %dma_start3A_270 = tpu.memref_slice %arg2[%add3A_257, %dma_start3A_269] : memref<65536x512xf32, #tpu.memory_space<hbm>> -> memref<64x512xf32, #tpu.memory_space<hbm>>
    tpu.enqueue_dma source(%dma_start3A_270 : memref<64x512xf32, #tpu.memory_space<hbm>>) target(%dma_start3A_268 : memref<64x512xf32, #tpu.memory_space<vmem>>) target_semaphore(%arg6 : memref<!tpu.dma_semaphore, #tpu.memory_space<semaphore_mem>>)
    %add3A_271 = arith.constant 256 : i32
    %add3A_272 = arith.addi %mul3A_2, %add3A_271 : i32
    %dma_wait3A_273 = arith.constant 0 : i32
    %dma_wait3A_274 = arith.constant 0 : i32
    %dma_wait3A_275 = arith.constant 0 : i32
    %dma_wait3A_276 = tpu.memref_slice %arg4[%dma_wait3A_273, %dma_wait3A_274, %dma_wait3A_275] : memref<2x64x512xf32, #tpu.memory_space<vmem>> -> memref<1x64x512xf32, #tpu.memory_space<vmem>>
    %dma_wait3A_277 = tpu.memref_squeeze %dma_wait3A_276 : memref<1x64x512xf32, #tpu.memory_space<vmem>> -> memref<64x512xf32, #tpu.memory_space<vmem>>
    %dma_wait3A_278 = arith.constant 0 : i32
    %dma_wait3A_279 = tpu.memref_slice %arg2[%add3A_272, %dma_wait3A_278] : memref<65536x512xf32, #tpu.memory_space<hbm>> -> memref<64x512xf32, #tpu.memory_space<hbm>>
    %dma_wait3A_280 = arith.constant 0 : i32
    %dma_wait3A_281 = arith.constant 0 : i32
    %dma_wait3A_282 = tpu.memref_slice %arg4[%dma_wait3A_273, %dma_wait3A_280, %dma_wait3A_281] : memref<2x64x512xf32, #tpu.memory_space<vmem>> -> memref<1x64x512xf32, #tpu.memory_space<vmem>>
    %dma_wait3A_283 = tpu.memref_squeeze %dma_wait3A_282 : memref<1x64x512xf32, #tpu.memory_space<vmem>> -> memref<64x512xf32, #tpu.memory_space<vmem>>
    %dma_wait3A_284 = arith.constant 0 : i32
    %dma_wait3A_285 = tpu.memref_slice %arg2[%add3A_272, %dma_wait3A_284] : memref<65536x512xf32, #tpu.memory_space<hbm>> -> memref<64x512xf32, #tpu.memory_space<hbm>>
    tpu.wait_dma2 semaphore(%arg5 : memref<!tpu.dma_semaphore, #tpu.memory_space<semaphore_mem>>) src(%dma_wait3A_285 : memref<64x512xf32, #tpu.memory_space<hbm>>) dst(%dma_wait3A_283 : memref<64x512xf32, #tpu.memory_space<vmem>>)
    %add3A_286 = arith.constant 256 : i32
    %add3A_287 = arith.addi %mul3A_2, %add3A_286 : i32
    %dma_start3A_288 = arith.constant 0 : i32
    %dma_start3A_289 = arith.constant 0 : i32
    %dma_start3A_290 = arith.constant 0 : i32
    %dma_start3A_291 = tpu.memref_slice %arg4[%dma_start3A_288, %dma_start3A_289, %dma_start3A_290] : memref<2x64x512xf32, #tpu.memory_space<vmem>> -> memref<1x64x512xf32, #tpu.memory_space<vmem>>
    %dma_start3A_292 = tpu.memref_squeeze %dma_start3A_291 : memref<1x64x512xf32, #tpu.memory_space<vmem>> -> memref<64x512xf32, #tpu.memory_space<vmem>>
    %dma_start3A_293 = arith.constant 0 : i32
    %dma_start3A_294 = tpu.memref_slice %arg3[%add3A_287, %dma_start3A_293] : memref<65536x512xf32, #tpu.memory_space<hbm>> -> memref<64x512xf32, #tpu.memory_space<hbm>>
    %dma_start3A_295 = arith.constant 0 : i32
    %dma_start3A_296 = tpu.memref_slice %arg3[%add3A_287, %dma_start3A_295] : memref<65536x512xf32, #tpu.memory_space<hbm>> -> memref<64x512xf32, #tpu.memory_space<hbm>>
    %dma_start3A_297 = arith.constant 0 : i32
    %dma_start3A_298 = arith.constant 0 : i32
    %dma_start3A_299 = tpu.memref_slice %arg4[%dma_start3A_288, %dma_start3A_297, %dma_start3A_298] : memref<2x64x512xf32, #tpu.memory_space<vmem>> -> memref<1x64x512xf32, #tpu.memory_space<vmem>>
    %dma_start3A_300 = tpu.memref_squeeze %dma_start3A_299 : memref<1x64x512xf32, #tpu.memory_space<vmem>> -> memref<64x512xf32, #tpu.memory_space<vmem>>
    tpu.enqueue_dma source(%dma_start3A_300 : memref<64x512xf32, #tpu.memory_space<vmem>>) target(%dma_start3A_296 : memref<64x512xf32, #tpu.memory_space<hbm>>) target_semaphore(%arg7 : memref<!tpu.dma_semaphore, #tpu.memory_space<semaphore_mem>>)
    %add3A_301 = arith.constant 256 : i32
    %add3A_302 = arith.addi %mul3A_2, %add3A_301 : i32
    %dma_wait3A_303 = arith.constant 0 : i32
    %dma_wait3A_304 = arith.constant 0 : i32
    %dma_wait3A_305 = arith.constant 0 : i32
    %dma_wait3A_306 = tpu.memref_slice %arg4[%dma_wait3A_303, %dma_wait3A_304, %dma_wait3A_305] : memref<2x64x512xf32, #tpu.memory_space<vmem>> -> memref<1x64x512xf32, #tpu.memory_space<vmem>>
    %dma_wait3A_307 = tpu.memref_squeeze %dma_wait3A_306 : memref<1x64x512xf32, #tpu.memory_space<vmem>> -> memref<64x512xf32, #tpu.memory_space<vmem>>
    %dma_wait3A_308 = arith.constant 0 : i32
    %dma_wait3A_309 = tpu.memref_slice %arg3[%add3A_302, %dma_wait3A_308] : memref<65536x512xf32, #tpu.memory_space<hbm>> -> memref<64x512xf32, #tpu.memory_space<hbm>>
    %dma_wait3A_310 = arith.constant 0 : i32
    %dma_wait3A_311 = tpu.memref_slice %arg3[%add3A_302, %dma_wait3A_310] : memref<65536x512xf32, #tpu.memory_space<hbm>> -> memref<64x512xf32, #tpu.memory_space<hbm>>
    %dma_wait3A_312 = arith.constant 0 : i32
    %dma_wait3A_313 = arith.constant 0 : i32
    %dma_wait3A_314 = tpu.memref_slice %arg4[%dma_wait3A_303, %dma_wait3A_312, %dma_wait3A_313] : memref<2x64x512xf32, #tpu.memory_space<vmem>> -> memref<1x64x512xf32, #tpu.memory_space<vmem>>
    %dma_wait3A_315 = tpu.memref_squeeze %dma_wait3A_314 : memref<1x64x512xf32, #tpu.memory_space<vmem>> -> memref<64x512xf32, #tpu.memory_space<vmem>>
    tpu.wait_dma2 semaphore(%arg7 : memref<!tpu.dma_semaphore, #tpu.memory_space<semaphore_mem>>) src(%dma_wait3A_315 : memref<64x512xf32, #tpu.memory_space<vmem>>) dst(%dma_wait3A_311 : memref<64x512xf32, #tpu.memory_space<hbm>>)
    %add3A_316 = arith.constant 384 : i32
    %add3A_317 = arith.addi %mul3A_2, %add3A_316 : i32
    %dma_start3A_318 = arith.constant 0 : i32
    %dma_start3A_319 = arith.constant 0 : i32
    %dma_start3A_320 = arith.constant 0 : i32
    %dma_start3A_321 = tpu.memref_slice %arg4[%dma_start3A_318, %dma_start3A_319, %dma_start3A_320] : memref<2x64x512xf32, #tpu.memory_space<vmem>> -> memref<1x64x512xf32, #tpu.memory_space<vmem>>
    %dma_start3A_322 = tpu.memref_squeeze %dma_start3A_321 : memref<1x64x512xf32, #tpu.memory_space<vmem>> -> memref<64x512xf32, #tpu.memory_space<vmem>>
    %dma_start3A_323 = arith.constant 0 : i32
    %dma_start3A_324 = tpu.memref_slice %arg2[%add3A_317, %dma_start3A_323] : memref<65536x512xf32, #tpu.memory_space<hbm>> -> memref<64x512xf32, #tpu.memory_space<hbm>>
    %dma_start3A_325 = arith.constant 0 : i32
    %dma_start3A_326 = arith.constant 0 : i32
    %dma_start3A_327 = tpu.memref_slice %arg4[%dma_start3A_318, %dma_start3A_325, %dma_start3A_326] : memref<2x64x512xf32, #tpu.memory_space<vmem>> -> memref<1x64x512xf32, #tpu.memory_space<vmem>>
    %dma_start3A_328 = tpu.memref_squeeze %dma_start3A_327 : memref<1x64x512xf32, #tpu.memory_space<vmem>> -> memref<64x512xf32, #tpu.memory_space<vmem>>
    %dma_start3A_329 = arith.constant 0 : i32
    %dma_start3A_330 = tpu.memref_slice %arg2[%add3A_317, %dma_start3A_329] : memref<65536x512xf32, #tpu.memory_space<hbm>> -> memref<64x512xf32, #tpu.memory_space<hbm>>
    tpu.enqueue_dma source(%dma_start3A_330 : memref<64x512xf32, #tpu.memory_space<hbm>>) target(%dma_start3A_328 : memref<64x512xf32, #tpu.memory_space<vmem>>) target_semaphore(%arg5 : memref<!tpu.dma_semaphore, #tpu.memory_space<semaphore_mem>>)
    %add3A_331 = arith.constant 320 : i32
    %add3A_332 = arith.addi %mul3A_2, %add3A_331 : i32
    %dma_wait3A_333 = arith.constant 1 : i32
    %dma_wait3A_334 = arith.constant 0 : i32
    %dma_wait3A_335 = arith.constant 0 : i32
    %dma_wait3A_336 = tpu.memref_slice %arg4[%dma_wait3A_333, %dma_wait3A_334, %dma_wait3A_335] : memref<2x64x512xf32, #tpu.memory_space<vmem>> -> memref<1x64x512xf32, #tpu.memory_space<vmem>>
    %dma_wait3A_337 = tpu.memref_squeeze %dma_wait3A_336 : memref<1x64x512xf32, #tpu.memory_space<vmem>> -> memref<64x512xf32, #tpu.memory_space<vmem>>
    %dma_wait3A_338 = arith.constant 0 : i32
    %dma_wait3A_339 = tpu.memref_slice %arg2[%add3A_332, %dma_wait3A_338] : memref<65536x512xf32, #tpu.memory_space<hbm>> -> memref<64x512xf32, #tpu.memory_space<hbm>>
    %dma_wait3A_340 = arith.constant 0 : i32
    %dma_wait3A_341 = arith.constant 0 : i32
    %dma_wait3A_342 = tpu.memref_slice %arg4[%dma_wait3A_333, %dma_wait3A_340, %dma_wait3A_341] : memref<2x64x512xf32, #tpu.memory_space<vmem>> -> memref<1x64x512xf32, #tpu.memory_space<vmem>>
    %dma_wait3A_343 = tpu.memref_squeeze %dma_wait3A_342 : memref<1x64x512xf32, #tpu.memory_space<vmem>> -> memref<64x512xf32, #tpu.memory_space<vmem>>
    %dma_wait3A_344 = arith.constant 0 : i32
    %dma_wait3A_345 = tpu.memref_slice %arg2[%add3A_332, %dma_wait3A_344] : memref<65536x512xf32, #tpu.memory_space<hbm>> -> memref<64x512xf32, #tpu.memory_space<hbm>>
    tpu.wait_dma2 semaphore(%arg6 : memref<!tpu.dma_semaphore, #tpu.memory_space<semaphore_mem>>) src(%dma_wait3A_345 : memref<64x512xf32, #tpu.memory_space<hbm>>) dst(%dma_wait3A_343 : memref<64x512xf32, #tpu.memory_space<vmem>>)
    %add3A_346 = arith.constant 320 : i32
    %add3A_347 = arith.addi %mul3A_2, %add3A_346 : i32
    %dma_start3A_348 = arith.constant 1 : i32
    %dma_start3A_349 = arith.constant 0 : i32
    %dma_start3A_350 = arith.constant 0 : i32
    %dma_start3A_351 = tpu.memref_slice %arg4[%dma_start3A_348, %dma_start3A_349, %dma_start3A_350] : memref<2x64x512xf32, #tpu.memory_space<vmem>> -> memref<1x64x512xf32, #tpu.memory_space<vmem>>
    %dma_start3A_352 = tpu.memref_squeeze %dma_start3A_351 : memref<1x64x512xf32, #tpu.memory_space<vmem>> -> memref<64x512xf32, #tpu.memory_space<vmem>>
    %dma_start3A_353 = arith.constant 0 : i32
    %dma_start3A_354 = tpu.memref_slice %arg3[%add3A_347, %dma_start3A_353] : memref<65536x512xf32, #tpu.memory_space<hbm>> -> memref<64x512xf32, #tpu.memory_space<hbm>>
    %dma_start3A_355 = arith.constant 0 : i32
    %dma_start3A_356 = tpu.memref_slice %arg3[%add3A_347, %dma_start3A_355] : memref<65536x512xf32, #tpu.memory_space<hbm>> -> memref<64x512xf32, #tpu.memory_space<hbm>>
    %dma_start3A_357 = arith.constant 0 : i32
    %dma_start3A_358 = arith.constant 0 : i32
    %dma_start3A_359 = tpu.memref_slice %arg4[%dma_start3A_348, %dma_start3A_357, %dma_start3A_358] : memref<2x64x512xf32, #tpu.memory_space<vmem>> -> memref<1x64x512xf32, #tpu.memory_space<vmem>>
    %dma_start3A_360 = tpu.memref_squeeze %dma_start3A_359 : memref<1x64x512xf32, #tpu.memory_space<vmem>> -> memref<64x512xf32, #tpu.memory_space<vmem>>
    tpu.enqueue_dma source(%dma_start3A_360 : memref<64x512xf32, #tpu.memory_space<vmem>>) target(%dma_start3A_356 : memref<64x512xf32, #tpu.memory_space<hbm>>) target_semaphore(%arg8 : memref<!tpu.dma_semaphore, #tpu.memory_space<semaphore_mem>>)
    %add3A_361 = arith.constant 320 : i32
    %add3A_362 = arith.addi %mul3A_2, %add3A_361 : i32
    %dma_wait3A_363 = arith.constant 1 : i32
    %dma_wait3A_364 = arith.constant 0 : i32
    %dma_wait3A_365 = arith.constant 0 : i32
    %dma_wait3A_366 = tpu.memref_slice %arg4[%dma_wait3A_363, %dma_wait3A_364, %dma_wait3A_365] : memref<2x64x512xf32, #tpu.memory_space<vmem>> -> memref<1x64x512xf32, #tpu.memory_space<vmem>>
    %dma_wait3A_367 = tpu.memref_squeeze %dma_wait3A_366 : memref<1x64x512xf32, #tpu.memory_space<vmem>> -> memref<64x512xf32, #tpu.memory_space<vmem>>
    %dma_wait3A_368 = arith.constant 0 : i32
    %dma_wait3A_369 = tpu.memref_slice %arg3[%add3A_362, %dma_wait3A_368] : memref<65536x512xf32, #tpu.memory_space<hbm>> -> memref<64x512xf32, #tpu.memory_space<hbm>>
    %dma_wait3A_370 = arith.constant 0 : i32
    %dma_wait3A_371 = tpu.memref_slice %arg3[%add3A_362, %dma_wait3A_370] : memref<65536x512xf32, #tpu.memory_space<hbm>> -> memref<64x512xf32, #tpu.memory_space<hbm>>
    %dma_wait3A_372 = arith.constant 0 : i32
    %dma_wait3A_373 = arith.constant 0 : i32
    %dma_wait3A_374 = tpu.memref_slice %arg4[%dma_wait3A_363, %dma_wait3A_372, %dma_wait3A_373] : memref<2x64x512xf32, #tpu.memory_space<vmem>> -> memref<1x64x512xf32, #tpu.memory_space<vmem>>
    %dma_wait3A_375 = tpu.memref_squeeze %dma_wait3A_374 : memref<1x64x512xf32, #tpu.memory_space<vmem>> -> memref<64x512xf32, #tpu.memory_space<vmem>>
    tpu.wait_dma2 semaphore(%arg8 : memref<!tpu.dma_semaphore, #tpu.memory_space<semaphore_mem>>) src(%dma_wait3A_375 : memref<64x512xf32, #tpu.memory_space<vmem>>) dst(%dma_wait3A_371 : memref<64x512xf32, #tpu.memory_space<hbm>>)
    %add3A_376 = arith.constant 448 : i32
    %add3A_377 = arith.addi %mul3A_2, %add3A_376 : i32
    %dma_start3A_378 = arith.constant 1 : i32
    %dma_start3A_379 = arith.constant 0 : i32
    %dma_start3A_380 = arith.constant 0 : i32
    %dma_start3A_381 = tpu.memref_slice %arg4[%dma_start3A_378, %dma_start3A_379, %dma_start3A_380] : memref<2x64x512xf32, #tpu.memory_space<vmem>> -> memref<1x64x512xf32, #tpu.memory_space<vmem>>
    %dma_start3A_382 = tpu.memref_squeeze %dma_start3A_381 : memref<1x64x512xf32, #tpu.memory_space<vmem>> -> memref<64x512xf32, #tpu.memory_space<vmem>>
    %dma_start3A_383 = arith.constant 0 : i32
    %dma_start3A_384 = tpu.memref_slice %arg2[%add3A_377, %dma_start3A_383] : memref<65536x512xf32, #tpu.memory_space<hbm>> -> memref<64x512xf32, #tpu.memory_space<hbm>>
    %dma_start3A_385 = arith.constant 0 : i32
    %dma_start3A_386 = arith.constant 0 : i32
    %dma_start3A_387 = tpu.memref_slice %arg4[%dma_start3A_378, %dma_start3A_385, %dma_start3A_386] : memref<2x64x512xf32, #tpu.memory_space<vmem>> -> memref<1x64x512xf32, #tpu.memory_space<vmem>>
    %dma_start3A_388 = tpu.memref_squeeze %dma_start3A_387 : memref<1x64x512xf32, #tpu.memory_space<vmem>> -> memref<64x512xf32, #tpu.memory_space<vmem>>
    %dma_start3A_389 = arith.constant 0 : i32
    %dma_start3A_390 = tpu.memref_slice %arg2[%add3A_377, %dma_start3A_389] : memref<65536x512xf32, #tpu.memory_space<hbm>> -> memref<64x512xf32, #tpu.memory_space<hbm>>
    tpu.enqueue_dma source(%dma_start3A_390 : memref<64x512xf32, #tpu.memory_space<hbm>>) target(%dma_start3A_388 : memref<64x512xf32, #tpu.memory_space<vmem>>) target_semaphore(%arg6 : memref<!tpu.dma_semaphore, #tpu.memory_space<semaphore_mem>>)
    %add3A_391 = arith.constant 384 : i32
    %add3A_392 = arith.addi %mul3A_2, %add3A_391 : i32
    %dma_wait3A_393 = arith.constant 0 : i32
    %dma_wait3A_394 = arith.constant 0 : i32
    %dma_wait3A_395 = arith.constant 0 : i32
    %dma_wait3A_396 = tpu.memref_slice %arg4[%dma_wait3A_393, %dma_wait3A_394, %dma_wait3A_395] : memref<2x64x512xf32, #tpu.memory_space<vmem>> -> memref<1x64x512xf32, #tpu.memory_space<vmem>>
    %dma_wait3A_397 = tpu.memref_squeeze %dma_wait3A_396 : memref<1x64x512xf32, #tpu.memory_space<vmem>> -> memref<64x512xf32, #tpu.memory_space<vmem>>
    %dma_wait3A_398 = arith.constant 0 : i32
    %dma_wait3A_399 = tpu.memref_slice %arg2[%add3A_392, %dma_wait3A_398] : memref<65536x512xf32, #tpu.memory_space<hbm>> -> memref<64x512xf32, #tpu.memory_space<hbm>>
    %dma_wait3A_400 = arith.constant 0 : i32
    %dma_wait3A_401 = arith.constant 0 : i32
    %dma_wait3A_402 = tpu.memref_slice %arg4[%dma_wait3A_393, %dma_wait3A_400, %dma_wait3A_401] : memref<2x64x512xf32, #tpu.memory_space<vmem>> -> memref<1x64x512xf32, #tpu.memory_space<vmem>>
    %dma_wait3A_403 = tpu.memref_squeeze %dma_wait3A_402 : memref<1x64x512xf32, #tpu.memory_space<vmem>> -> memref<64x512xf32, #tpu.memory_space<vmem>>
    %dma_wait3A_404 = arith.constant 0 : i32
    %dma_wait3A_405 = tpu.memref_slice %arg2[%add3A_392, %dma_wait3A_404] : memref<65536x512xf32, #tpu.memory_space<hbm>> -> memref<64x512xf32, #tpu.memory_space<hbm>>
    tpu.wait_dma2 semaphore(%arg5 : memref<!tpu.dma_semaphore, #tpu.memory_space<semaphore_mem>>) src(%dma_wait3A_405 : memref<64x512xf32, #tpu.memory_space<hbm>>) dst(%dma_wait3A_403 : memref<64x512xf32, #tpu.memory_space<vmem>>)
    %add3A_406 = arith.constant 384 : i32
    %add3A_407 = arith.addi %mul3A_2, %add3A_406 : i32
    %dma_start3A_408 = arith.constant 0 : i32
    %dma_start3A_409 = arith.constant 0 : i32
    %dma_start3A_410 = arith.constant 0 : i32
    %dma_start3A_411 = tpu.memref_slice %arg4[%dma_start3A_408, %dma_start3A_409, %dma_start3A_410] : memref<2x64x512xf32, #tpu.memory_space<vmem>> -> memref<1x64x512xf32, #tpu.memory_space<vmem>>
    %dma_start3A_412 = tpu.memref_squeeze %dma_start3A_411 : memref<1x64x512xf32, #tpu.memory_space<vmem>> -> memref<64x512xf32, #tpu.memory_space<vmem>>
    %dma_start3A_413 = arith.constant 0 : i32
    %dma_start3A_414 = tpu.memref_slice %arg3[%add3A_407, %dma_start3A_413] : memref<65536x512xf32, #tpu.memory_space<hbm>> -> memref<64x512xf32, #tpu.memory_space<hbm>>
    %dma_start3A_415 = arith.constant 0 : i32
    %dma_start3A_416 = tpu.memref_slice %arg3[%add3A_407, %dma_start3A_415] : memref<65536x512xf32, #tpu.memory_space<hbm>> -> memref<64x512xf32, #tpu.memory_space<hbm>>
    %dma_start3A_417 = arith.constant 0 : i32
    %dma_start3A_418 = arith.constant 0 : i32
    %dma_start3A_419 = tpu.memref_slice %arg4[%dma_start3A_408, %dma_start3A_417, %dma_start3A_418] : memref<2x64x512xf32, #tpu.memory_space<vmem>> -> memref<1x64x512xf32, #tpu.memory_space<vmem>>
    %dma_start3A_420 = tpu.memref_squeeze %dma_start3A_419 : memref<1x64x512xf32, #tpu.memory_space<vmem>> -> memref<64x512xf32, #tpu.memory_space<vmem>>
    tpu.enqueue_dma source(%dma_start3A_420 : memref<64x512xf32, #tpu.memory_space<vmem>>) target(%dma_start3A_416 : memref<64x512xf32, #tpu.memory_space<hbm>>) target_semaphore(%arg7 : memref<!tpu.dma_semaphore, #tpu.memory_space<semaphore_mem>>)
    %add3A_421 = arith.constant 384 : i32
    %add3A_422 = arith.addi %mul3A_2, %add3A_421 : i32
    %dma_wait3A_423 = arith.constant 0 : i32
    %dma_wait3A_424 = arith.constant 0 : i32
    %dma_wait3A_425 = arith.constant 0 : i32
    %dma_wait3A_426 = tpu.memref_slice %arg4[%dma_wait3A_423, %dma_wait3A_424, %dma_wait3A_425] : memref<2x64x512xf32, #tpu.memory_space<vmem>> -> memref<1x64x512xf32, #tpu.memory_space<vmem>>
    %dma_wait3A_427 = tpu.memref_squeeze %dma_wait3A_426 : memref<1x64x512xf32, #tpu.memory_space<vmem>> -> memref<64x512xf32, #tpu.memory_space<vmem>>
    %dma_wait3A_428 = arith.constant 0 : i32
    %dma_wait3A_429 = tpu.memref_slice %arg3[%add3A_422, %dma_wait3A_428] : memref<65536x512xf32, #tpu.memory_space<hbm>> -> memref<64x512xf32, #tpu.memory_space<hbm>>
    %dma_wait3A_430 = arith.constant 0 : i32
    %dma_wait3A_431 = tpu.memref_slice %arg3[%add3A_422, %dma_wait3A_430] : memref<65536x512xf32, #tpu.memory_space<hbm>> -> memref<64x512xf32, #tpu.memory_space<hbm>>
    %dma_wait3A_432 = arith.constant 0 : i32
    %dma_wait3A_433 = arith.constant 0 : i32
    %dma_wait3A_434 = tpu.memref_slice %arg4[%dma_wait3A_423, %dma_wait3A_432, %dma_wait3A_433] : memref<2x64x512xf32, #tpu.memory_space<vmem>> -> memref<1x64x512xf32, #tpu.memory_space<vmem>>
    %dma_wait3A_435 = tpu.memref_squeeze %dma_wait3A_434 : memref<1x64x512xf32, #tpu.memory_space<vmem>> -> memref<64x512xf32, #tpu.memory_space<vmem>>
    tpu.wait_dma2 semaphore(%arg7 : memref<!tpu.dma_semaphore, #tpu.memory_space<semaphore_mem>>) src(%dma_wait3A_435 : memref<64x512xf32, #tpu.memory_space<vmem>>) dst(%dma_wait3A_431 : memref<64x512xf32, #tpu.memory_space<hbm>>)
    %add3A_436 = arith.constant 512 : i32
    %add3A_437 = arith.addi %mul3A_2, %add3A_436 : i32
    %dma_start3A_438 = arith.constant 0 : i32
    %dma_start3A_439 = arith.constant 0 : i32
    %dma_start3A_440 = arith.constant 0 : i32
    %dma_start3A_441 = tpu.memref_slice %arg4[%dma_start3A_438, %dma_start3A_439, %dma_start3A_440] : memref<2x64x512xf32, #tpu.memory_space<vmem>> -> memref<1x64x512xf32, #tpu.memory_space<vmem>>
    %dma_start3A_442 = tpu.memref_squeeze %dma_start3A_441 : memref<1x64x512xf32, #tpu.memory_space<vmem>> -> memref<64x512xf32, #tpu.memory_space<vmem>>
    %dma_start3A_443 = arith.constant 0 : i32
    %dma_start3A_444 = tpu.memref_slice %arg2[%add3A_437, %dma_start3A_443] : memref<65536x512xf32, #tpu.memory_space<hbm>> -> memref<64x512xf32, #tpu.memory_space<hbm>>
    %dma_start3A_445 = arith.constant 0 : i32
    %dma_start3A_446 = arith.constant 0 : i32
    %dma_start3A_447 = tpu.memref_slice %arg4[%dma_start3A_438, %dma_start3A_445, %dma_start3A_446] : memref<2x64x512xf32, #tpu.memory_space<vmem>> -> memref<1x64x512xf32, #tpu.memory_space<vmem>>
    %dma_start3A_448 = tpu.memref_squeeze %dma_start3A_447 : memref<1x64x512xf32, #tpu.memory_space<vmem>> -> memref<64x512xf32, #tpu.memory_space<vmem>>
    %dma_start3A_449 = arith.constant 0 : i32
    %dma_start3A_450 = tpu.memref_slice %arg2[%add3A_437, %dma_start3A_449] : memref<65536x512xf32, #tpu.memory_space<hbm>> -> memref<64x512xf32, #tpu.memory_space<hbm>>
    tpu.enqueue_dma source(%dma_start3A_450 : memref<64x512xf32, #tpu.memory_space<hbm>>) target(%dma_start3A_448 : memref<64x512xf32, #tpu.memory_space<vmem>>) target_semaphore(%arg5 : memref<!tpu.dma_semaphore, #tpu.memory_space<semaphore_mem>>)
    %add3A_451 = arith.constant 448 : i32
    %add3A_452 = arith.addi %mul3A_2, %add3A_451 : i32
    %dma_wait3A_453 = arith.constant 1 : i32
    %dma_wait3A_454 = arith.constant 0 : i32
    %dma_wait3A_455 = arith.constant 0 : i32
    %dma_wait3A_456 = tpu.memref_slice %arg4[%dma_wait3A_453, %dma_wait3A_454, %dma_wait3A_455] : memref<2x64x512xf32, #tpu.memory_space<vmem>> -> memref<1x64x512xf32, #tpu.memory_space<vmem>>
    %dma_wait3A_457 = tpu.memref_squeeze %dma_wait3A_456 : memref<1x64x512xf32, #tpu.memory_space<vmem>> -> memref<64x512xf32, #tpu.memory_space<vmem>>
    %dma_wait3A_458 = arith.constant 0 : i32
    %dma_wait3A_459 = tpu.memref_slice %arg2[%add3A_452, %dma_wait3A_458] : memref<65536x512xf32, #tpu.memory_space<hbm>> -> memref<64x512xf32, #tpu.memory_space<hbm>>
    %dma_wait3A_460 = arith.constant 0 : i32
    %dma_wait3A_461 = arith.constant 0 : i32
    %dma_wait3A_462 = tpu.memref_slice %arg4[%dma_wait3A_453, %dma_wait3A_460, %dma_wait3A_461] : memref<2x64x512xf32, #tpu.memory_space<vmem>> -> memref<1x64x512xf32, #tpu.memory_space<vmem>>
    %dma_wait3A_463 = tpu.memref_squeeze %dma_wait3A_462 : memref<1x64x512xf32, #tpu.memory_space<vmem>> -> memref<64x512xf32, #tpu.memory_space<vmem>>
    %dma_wait3A_464 = arith.constant 0 : i32
    %dma_wait3A_465 = tpu.memref_slice %arg2[%add3A_452, %dma_wait3A_464] : memref<65536x512xf32, #tpu.memory_space<hbm>> -> memref<64x512xf32, #tpu.memory_space<hbm>>
    tpu.wait_dma2 semaphore(%arg6 : memref<!tpu.dma_semaphore, #tpu.memory_space<semaphore_mem>>) src(%dma_wait3A_465 : memref<64x512xf32, #tpu.memory_space<hbm>>) dst(%dma_wait3A_463 : memref<64x512xf32, #tpu.memory_space<vmem>>)
    %add3A_466 = arith.constant 448 : i32
    %add3A_467 = arith.addi %mul3A_2, %add3A_466 : i32
    %dma_start3A_468 = arith.constant 1 : i32
    %dma_start3A_469 = arith.constant 0 : i32
    %dma_start3A_470 = arith.constant 0 : i32
    %dma_start3A_471 = tpu.memref_slice %arg4[%dma_start3A_468, %dma_start3A_469, %dma_start3A_470] : memref<2x64x512xf32, #tpu.memory_space<vmem>> -> memref<1x64x512xf32, #tpu.memory_space<vmem>>
    %dma_start3A_472 = tpu.memref_squeeze %dma_start3A_471 : memref<1x64x512xf32, #tpu.memory_space<vmem>> -> memref<64x512xf32, #tpu.memory_space<vmem>>
    %dma_start3A_473 = arith.constant 0 : i32
    %dma_start3A_474 = tpu.memref_slice %arg3[%add3A_467, %dma_start3A_473] : memref<65536x512xf32, #tpu.memory_space<hbm>> -> memref<64x512xf32, #tpu.memory_space<hbm>>
    %dma_start3A_475 = arith.constant 0 : i32
    %dma_start3A_476 = tpu.memref_slice %arg3[%add3A_467, %dma_start3A_475] : memref<65536x512xf32, #tpu.memory_space<hbm>> -> memref<64x512xf32, #tpu.memory_space<hbm>>
    %dma_start3A_477 = arith.constant 0 : i32
    %dma_start3A_478 = arith.constant 0 : i32
    %dma_start3A_479 = tpu.memref_slice %arg4[%dma_start3A_468, %dma_start3A_477, %dma_start3A_478] : memref<2x64x512xf32, #tpu.memory_space<vmem>> -> memref<1x64x512xf32, #tpu.memory_space<vmem>>
    %dma_start3A_480 = tpu.memref_squeeze %dma_start3A_479 : memref<1x64x512xf32, #tpu.memory_space<vmem>> -> memref<64x512xf32, #tpu.memory_space<vmem>>
    tpu.enqueue_dma source(%dma_start3A_480 : memref<64x512xf32, #tpu.memory_space<vmem>>) target(%dma_start3A_476 : memref<64x512xf32, #tpu.memory_space<hbm>>) target_semaphore(%arg8 : memref<!tpu.dma_semaphore, #tpu.memory_space<semaphore_mem>>)
    %add3A_481 = arith.constant 448 : i32
    %add3A_482 = arith.addi %mul3A_2, %add3A_481 : i32
    %dma_wait3A_483 = arith.constant 1 : i32
    %dma_wait3A_484 = arith.constant 0 : i32
    %dma_wait3A_485 = arith.constant 0 : i32
    %dma_wait3A_486 = tpu.memref_slice %arg4[%dma_wait3A_483, %dma_wait3A_484, %dma_wait3A_485] : memref<2x64x512xf32, #tpu.memory_space<vmem>> -> memref<1x64x512xf32, #tpu.memory_space<vmem>>
    %dma_wait3A_487 = tpu.memref_squeeze %dma_wait3A_486 : memref<1x64x512xf32, #tpu.memory_space<vmem>> -> memref<64x512xf32, #tpu.memory_space<vmem>>
    %dma_wait3A_488 = arith.constant 0 : i32
    %dma_wait3A_489 = tpu.memref_slice %arg3[%add3A_482, %dma_wait3A_488] : memref<65536x512xf32, #tpu.memory_space<hbm>> -> memref<64x512xf32, #tpu.memory_space<hbm>>
    %dma_wait3A_490 = arith.constant 0 : i32
    %dma_wait3A_491 = tpu.memref_slice %arg3[%add3A_482, %dma_wait3A_490] : memref<65536x512xf32, #tpu.memory_space<hbm>> -> memref<64x512xf32, #tpu.memory_space<hbm>>
    %dma_wait3A_492 = arith.constant 0 : i32
    %dma_wait3A_493 = arith.constant 0 : i32
    %dma_wait3A_494 = tpu.memref_slice %arg4[%dma_wait3A_483, %dma_wait3A_492, %dma_wait3A_493] : memref<2x64x512xf32, #tpu.memory_space<vmem>> -> memref<1x64x512xf32, #tpu.memory_space<vmem>>
    %dma_wait3A_495 = tpu.memref_squeeze %dma_wait3A_494 : memref<1x64x512xf32, #tpu.memory_space<vmem>> -> memref<64x512xf32, #tpu.memory_space<vmem>>
    tpu.wait_dma2 semaphore(%arg8 : memref<!tpu.dma_semaphore, #tpu.memory_space<semaphore_mem>>) src(%dma_wait3A_495 : memref<64x512xf32, #tpu.memory_space<vmem>>) dst(%dma_wait3A_491 : memref<64x512xf32, #tpu.memory_space<hbm>>)
    %add3A_496 = arith.constant 576 : i32
    %add3A_497 = arith.addi %mul3A_2, %add3A_496 : i32
    %dma_start3A_498 = arith.constant 1 : i32
    %dma_start3A_499 = arith.constant 0 : i32
    %dma_start3A_500 = arith.constant 0 : i32
    %dma_start3A_501 = tpu.memref_slice %arg4[%dma_start3A_498, %dma_start3A_499, %dma_start3A_500] : memref<2x64x512xf32, #tpu.memory_space<vmem>> -> memref<1x64x512xf32, #tpu.memory_space<vmem>>
    %dma_start3A_502 = tpu.memref_squeeze %dma_start3A_501 : memref<1x64x512xf32, #tpu.memory_space<vmem>> -> memref<64x512xf32, #tpu.memory_space<vmem>>
    %dma_start3A_503 = arith.constant 0 : i32
    %dma_start3A_504 = tpu.memref_slice %arg2[%add3A_497, %dma_start3A_503] : memref<65536x512xf32, #tpu.memory_space<hbm>> -> memref<64x512xf32, #tpu.memory_space<hbm>>
    %dma_start3A_505 = arith.constant 0 : i32
    %dma_start3A_506 = arith.constant 0 : i32
    %dma_start3A_507 = tpu.memref_slice %arg4[%dma_start3A_498, %dma_start3A_505, %dma_start3A_506] : memref<2x64x512xf32, #tpu.memory_space<vmem>> -> memref<1x64x512xf32, #tpu.memory_space<vmem>>
    %dma_start3A_508 = tpu.memref_squeeze %dma_start3A_507 : memref<1x64x512xf32, #tpu.memory_space<vmem>> -> memref<64x512xf32, #tpu.memory_space<vmem>>
    %dma_start3A_509 = arith.constant 0 : i32
    %dma_start3A_510 = tpu.memref_slice %arg2[%add3A_497, %dma_start3A_509] : memref<65536x512xf32, #tpu.memory_space<hbm>> -> memref<64x512xf32, #tpu.memory_space<hbm>>
    tpu.enqueue_dma source(%dma_start3A_510 : memref<64x512xf32, #tpu.memory_space<hbm>>) target(%dma_start3A_508 : memref<64x512xf32, #tpu.memory_space<vmem>>) target_semaphore(%arg6 : memref<!tpu.dma_semaphore, #tpu.memory_space<semaphore_mem>>)
    %add3A_511 = arith.constant 512 : i32
    %add3A_512 = arith.addi %mul3A_2, %add3A_511 : i32
    %dma_wait3A_513 = arith.constant 0 : i32
    %dma_wait3A_514 = arith.constant 0 : i32
    %dma_wait3A_515 = arith.constant 0 : i32
    %dma_wait3A_516 = tpu.memref_slice %arg4[%dma_wait3A_513, %dma_wait3A_514, %dma_wait3A_515] : memref<2x64x512xf32, #tpu.memory_space<vmem>> -> memref<1x64x512xf32, #tpu.memory_space<vmem>>
    %dma_wait3A_517 = tpu.memref_squeeze %dma_wait3A_516 : memref<1x64x512xf32, #tpu.memory_space<vmem>> -> memref<64x512xf32, #tpu.memory_space<vmem>>
    %dma_wait3A_518 = arith.constant 0 : i32
    %dma_wait3A_519 = tpu.memref_slice %arg2[%add3A_512, %dma_wait3A_518] : memref<65536x512xf32, #tpu.memory_space<hbm>> -> memref<64x512xf32, #tpu.memory_space<hbm>>
    %dma_wait3A_520 = arith.constant 0 : i32
    %dma_wait3A_521 = arith.constant 0 : i32
    %dma_wait3A_522 = tpu.memref_slice %arg4[%dma_wait3A_513, %dma_wait3A_520, %dma_wait3A_521] : memref<2x64x512xf32, #tpu.memory_space<vmem>> -> memref<1x64x512xf32, #tpu.memory_space<vmem>>
    %dma_wait3A_523 = tpu.memref_squeeze %dma_wait3A_522 : memref<1x64x512xf32, #tpu.memory_space<vmem>> -> memref<64x512xf32, #tpu.memory_space<vmem>>
    %dma_wait3A_524 = arith.constant 0 : i32
    %dma_wait3A_525 = tpu.memref_slice %arg2[%add3A_512, %dma_wait3A_524] : memref<65536x512xf32, #tpu.memory_space<hbm>> -> memref<64x512xf32, #tpu.memory_space<hbm>>
    tpu.wait_dma2 semaphore(%arg5 : memref<!tpu.dma_semaphore, #tpu.memory_space<semaphore_mem>>) src(%dma_wait3A_525 : memref<64x512xf32, #tpu.memory_space<hbm>>) dst(%dma_wait3A_523 : memref<64x512xf32, #tpu.memory_space<vmem>>)
    %add3A_526 = arith.constant 512 : i32
    %add3A_527 = arith.addi %mul3A_2, %add3A_526 : i32
    %dma_start3A_528 = arith.constant 0 : i32
    %dma_start3A_529 = arith.constant 0 : i32
    %dma_start3A_530 = arith.constant 0 : i32
    %dma_start3A_531 = tpu.memref_slice %arg4[%dma_start3A_528, %dma_start3A_529, %dma_start3A_530] : memref<2x64x512xf32, #tpu.memory_space<vmem>> -> memref<1x64x512xf32, #tpu.memory_space<vmem>>
    %dma_start3A_532 = tpu.memref_squeeze %dma_start3A_531 : memref<1x64x512xf32, #tpu.memory_space<vmem>> -> memref<64x512xf32, #tpu.memory_space<vmem>>
    %dma_start3A_533 = arith.constant 0 : i32
    %dma_start3A_534 = tpu.memref_slice %arg3[%add3A_527, %dma_start3A_533] : memref<65536x512xf32, #tpu.memory_space<hbm>> -> memref<64x512xf32, #tpu.memory_space<hbm>>
    %dma_start3A_535 = arith.constant 0 : i32
    %dma_start3A_536 = tpu.memref_slice %arg3[%add3A_527, %dma_start3A_535] : memref<65536x512xf32, #tpu.memory_space<hbm>> -> memref<64x512xf32, #tpu.memory_space<hbm>>
    %dma_start3A_537 = arith.constant 0 : i32
    %dma_start3A_538 = arith.constant 0 : i32
    %dma_start3A_539 = tpu.memref_slice %arg4[%dma_start3A_528, %dma_start3A_537, %dma_start3A_538] : memref<2x64x512xf32, #tpu.memory_space<vmem>> -> memref<1x64x512xf32, #tpu.memory_space<vmem>>
    %dma_start3A_540 = tpu.memref_squeeze %dma_start3A_539 : memref<1x64x512xf32, #tpu.memory_space<vmem>> -> memref<64x512xf32, #tpu.memory_space<vmem>>
    tpu.enqueue_dma source(%dma_start3A_540 : memref<64x512xf32, #tpu.memory_space<vmem>>) target(%dma_start3A_536 : memref<64x512xf32, #tpu.memory_space<hbm>>) target_semaphore(%arg7 : memref<!tpu.dma_semaphore, #tpu.memory_space<semaphore_mem>>)
    %add3A_541 = arith.constant 512 : i32
    %add3A_542 = arith.addi %mul3A_2, %add3A_541 : i32
    %dma_wait3A_543 = arith.constant 0 : i32
    %dma_wait3A_544 = arith.constant 0 : i32
    %dma_wait3A_545 = arith.constant 0 : i32
    %dma_wait3A_546 = tpu.memref_slice %arg4[%dma_wait3A_543, %dma_wait3A_544, %dma_wait3A_545] : memref<2x64x512xf32, #tpu.memory_space<vmem>> -> memref<1x64x512xf32, #tpu.memory_space<vmem>>
    %dma_wait3A_547 = tpu.memref_squeeze %dma_wait3A_546 : memref<1x64x512xf32, #tpu.memory_space<vmem>> -> memref<64x512xf32, #tpu.memory_space<vmem>>
    %dma_wait3A_548 = arith.constant 0 : i32
    %dma_wait3A_549 = tpu.memref_slice %arg3[%add3A_542, %dma_wait3A_548] : memref<65536x512xf32, #tpu.memory_space<hbm>> -> memref<64x512xf32, #tpu.memory_space<hbm>>
    %dma_wait3A_550 = arith.constant 0 : i32
    %dma_wait3A_551 = tpu.memref_slice %arg3[%add3A_542, %dma_wait3A_550] : memref<65536x512xf32, #tpu.memory_space<hbm>> -> memref<64x512xf32, #tpu.memory_space<hbm>>
    %dma_wait3A_552 = arith.constant 0 : i32
    %dma_wait3A_553 = arith.constant 0 : i32
    %dma_wait3A_554 = tpu.memref_slice %arg4[%dma_wait3A_543, %dma_wait3A_552, %dma_wait3A_553] : memref<2x64x512xf32, #tpu.memory_space<vmem>> -> memref<1x64x512xf32, #tpu.memory_space<vmem>>
    %dma_wait3A_555 = tpu.memref_squeeze %dma_wait3A_554 : memref<1x64x512xf32, #tpu.memory_space<vmem>> -> memref<64x512xf32, #tpu.memory_space<vmem>>
    tpu.wait_dma2 semaphore(%arg7 : memref<!tpu.dma_semaphore, #tpu.memory_space<semaphore_mem>>) src(%dma_wait3A_555 : memref<64x512xf32, #tpu.memory_space<vmem>>) dst(%dma_wait3A_551 : memref<64x512xf32, #tpu.memory_space<hbm>>)
    %add3A_556 = arith.constant 640 : i32
    %add3A_557 = arith.addi %mul3A_2, %add3A_556 : i32
    %dma_start3A_558 = arith.constant 0 : i32
    %dma_start3A_559 = arith.constant 0 : i32
    %dma_start3A_560 = arith.constant 0 : i32
    %dma_start3A_561 = tpu.memref_slice %arg4[%dma_start3A_558, %dma_start3A_559, %dma_start3A_560] : memref<2x64x512xf32, #tpu.memory_space<vmem>> -> memref<1x64x512xf32, #tpu.memory_space<vmem>>
    %dma_start3A_562 = tpu.memref_squeeze %dma_start3A_561 : memref<1x64x512xf32, #tpu.memory_space<vmem>> -> memref<64x512xf32, #tpu.memory_space<vmem>>
    %dma_start3A_563 = arith.constant 0 : i32
    %dma_start3A_564 = tpu.memref_slice %arg2[%add3A_557, %dma_start3A_563] : memref<65536x512xf32, #tpu.memory_space<hbm>> -> memref<64x512xf32, #tpu.memory_space<hbm>>
    %dma_start3A_565 = arith.constant 0 : i32
    %dma_start3A_566 = arith.constant 0 : i32
    %dma_start3A_567 = tpu.memref_slice %arg4[%dma_start3A_558, %dma_start3A_565, %dma_start3A_566] : memref<2x64x512xf32, #tpu.memory_space<vmem>> -> memref<1x64x512xf32, #tpu.memory_space<vmem>>
    %dma_start3A_568 = tpu.memref_squeeze %dma_start3A_567 : memref<1x64x512xf32, #tpu.memory_space<vmem>> -> memref<64x512xf32, #tpu.memory_space<vmem>>
    %dma_start3A_569 = arith.constant 0 : i32
    %dma_start3A_570 = tpu.memref_slice %arg2[%add3A_557, %dma_start3A_569] : memref<65536x512xf32, #tpu.memory_space<hbm>> -> memref<64x512xf32, #tpu.memory_space<hbm>>
    tpu.enqueue_dma source(%dma_start3A_570 : memref<64x512xf32, #tpu.memory_space<hbm>>) target(%dma_start3A_568 : memref<64x512xf32, #tpu.memory_space<vmem>>) target_semaphore(%arg5 : memref<!tpu.dma_semaphore, #tpu.memory_space<semaphore_mem>>)
    %add3A_571 = arith.constant 576 : i32
    %add3A_572 = arith.addi %mul3A_2, %add3A_571 : i32
    %dma_wait3A_573 = arith.constant 1 : i32
    %dma_wait3A_574 = arith.constant 0 : i32
    %dma_wait3A_575 = arith.constant 0 : i32
    %dma_wait3A_576 = tpu.memref_slice %arg4[%dma_wait3A_573, %dma_wait3A_574, %dma_wait3A_575] : memref<2x64x512xf32, #tpu.memory_space<vmem>> -> memref<1x64x512xf32, #tpu.memory_space<vmem>>
    %dma_wait3A_577 = tpu.memref_squeeze %dma_wait3A_576 : memref<1x64x512xf32, #tpu.memory_space<vmem>> -> memref<64x512xf32, #tpu.memory_space<vmem>>
    %dma_wait3A_578 = arith.constant 0 : i32
    %dma_wait3A_579 = tpu.memref_slice %arg2[%add3A_572, %dma_wait3A_578] : memref<65536x512xf32, #tpu.memory_space<hbm>> -> memref<64x512xf32, #tpu.memory_space<hbm>>
    %dma_wait3A_580 = arith.constant 0 : i32
    %dma_wait3A_581 = arith.constant 0 : i32
    %dma_wait3A_582 = tpu.memref_slice %arg4[%dma_wait3A_573, %dma_wait3A_580, %dma_wait3A_581] : memref<2x64x512xf32, #tpu.memory_space<vmem>> -> memref<1x64x512xf32, #tpu.memory_space<vmem>>
    %dma_wait3A_583 = tpu.memref_squeeze %dma_wait3A_582 : memref<1x64x512xf32, #tpu.memory_space<vmem>> -> memref<64x512xf32, #tpu.memory_space<vmem>>
    %dma_wait3A_584 = arith.constant 0 : i32
    %dma_wait3A_585 = tpu.memref_slice %arg2[%add3A_572, %dma_wait3A_584] : memref<65536x512xf32, #tpu.memory_space<hbm>> -> memref<64x512xf32, #tpu.memory_space<hbm>>
    tpu.wait_dma2 semaphore(%arg6 : memref<!tpu.dma_semaphore, #tpu.memory_space<semaphore_mem>>) src(%dma_wait3A_585 : memref<64x512xf32, #tpu.memory_space<hbm>>) dst(%dma_wait3A_583 : memref<64x512xf32, #tpu.memory_space<vmem>>)
    %add3A_586 = arith.constant 576 : i32
    %add3A_587 = arith.addi %mul3A_2, %add3A_586 : i32
    %dma_start3A_588 = arith.constant 1 : i32
    %dma_start3A_589 = arith.constant 0 : i32
    %dma_start3A_590 = arith.constant 0 : i32
    %dma_start3A_591 = tpu.memref_slice %arg4[%dma_start3A_588, %dma_start3A_589, %dma_start3A_590] : memref<2x64x512xf32, #tpu.memory_space<vmem>> -> memref<1x64x512xf32, #tpu.memory_space<vmem>>
    %dma_start3A_592 = tpu.memref_squeeze %dma_start3A_591 : memref<1x64x512xf32, #tpu.memory_space<vmem>> -> memref<64x512xf32, #tpu.memory_space<vmem>>
    %dma_start3A_593 = arith.constant 0 : i32
    %dma_start3A_594 = tpu.memref_slice %arg3[%add3A_587, %dma_start3A_593] : memref<65536x512xf32, #tpu.memory_space<hbm>> -> memref<64x512xf32, #tpu.memory_space<hbm>>
    %dma_start3A_595 = arith.constant 0 : i32
    %dma_start3A_596 = tpu.memref_slice %arg3[%add3A_587, %dma_start3A_595] : memref<65536x512xf32, #tpu.memory_space<hbm>> -> memref<64x512xf32, #tpu.memory_space<hbm>>
    %dma_start3A_597 = arith.constant 0 : i32
    %dma_start3A_598 = arith.constant 0 : i32
    %dma_start3A_599 = tpu.memref_slice %arg4[%dma_start3A_588, %dma_start3A_597, %dma_start3A_598] : memref<2x64x512xf32, #tpu.memory_space<vmem>> -> memref<1x64x512xf32, #tpu.memory_space<vmem>>
    %dma_start3A_600 = tpu.memref_squeeze %dma_start3A_599 : memref<1x64x512xf32, #tpu.memory_space<vmem>> -> memref<64x512xf32, #tpu.memory_space<vmem>>
    tpu.enqueue_dma source(%dma_start3A_600 : memref<64x512xf32, #tpu.memory_space<vmem>>) target(%dma_start3A_596 : memref<64x512xf32, #tpu.memory_space<hbm>>) target_semaphore(%arg8 : memref<!tpu.dma_semaphore, #tpu.memory_space<semaphore_mem>>)
    %add3A_601 = arith.constant 576 : i32
    %add3A_602 = arith.addi %mul3A_2, %add3A_601 : i32
    %dma_wait3A_603 = arith.constant 1 : i32
    %dma_wait3A_604 = arith.constant 0 : i32
    %dma_wait3A_605 = arith.constant 0 : i32
    %dma_wait3A_606 = tpu.memref_slice %arg4[%dma_wait3A_603, %dma_wait3A_604, %dma_wait3A_605] : memref<2x64x512xf32, #tpu.memory_space<vmem>> -> memref<1x64x512xf32, #tpu.memory_space<vmem>>
    %dma_wait3A_607 = tpu.memref_squeeze %dma_wait3A_606 : memref<1x64x512xf32, #tpu.memory_space<vmem>> -> memref<64x512xf32, #tpu.memory_space<vmem>>
    %dma_wait3A_608 = arith.constant 0 : i32
    %dma_wait3A_609 = tpu.memref_slice %arg3[%add3A_602, %dma_wait3A_608] : memref<65536x512xf32, #tpu.memory_space<hbm>> -> memref<64x512xf32, #tpu.memory_space<hbm>>
    %dma_wait3A_610 = arith.constant 0 : i32
    %dma_wait3A_611 = tpu.memref_slice %arg3[%add3A_602, %dma_wait3A_610] : memref<65536x512xf32, #tpu.memory_space<hbm>> -> memref<64x512xf32, #tpu.memory_space<hbm>>
    %dma_wait3A_612 = arith.constant 0 : i32
    %dma_wait3A_613 = arith.constant 0 : i32
    %dma_wait3A_614 = tpu.memref_slice %arg4[%dma_wait3A_603, %dma_wait3A_612, %dma_wait3A_613] : memref<2x64x512xf32, #tpu.memory_space<vmem>> -> memref<1x64x512xf32, #tpu.memory_space<vmem>>
    %dma_wait3A_615 = tpu.memref_squeeze %dma_wait3A_614 : memref<1x64x512xf32, #tpu.memory_space<vmem>> -> memref<64x512xf32, #tpu.memory_space<vmem>>
    tpu.wait_dma2 semaphore(%arg8 : memref<!tpu.dma_semaphore, #tpu.memory_space<semaphore_mem>>) src(%dma_wait3A_615 : memref<64x512xf32, #tpu.memory_space<vmem>>) dst(%dma_wait3A_611 : memref<64x512xf32, #tpu.memory_space<hbm>>)
    %add3A_616 = arith.constant 704 : i32
    %add3A_617 = arith.addi %mul3A_2, %add3A_616 : i32
    %dma_start3A_618 = arith.constant 1 : i32
    %dma_start3A_619 = arith.constant 0 : i32
    %dma_start3A_620 = arith.constant 0 : i32
    %dma_start3A_621 = tpu.memref_slice %arg4[%dma_start3A_618, %dma_start3A_619, %dma_start3A_620] : memref<2x64x512xf32, #tpu.memory_space<vmem>> -> memref<1x64x512xf32, #tpu.memory_space<vmem>>
    %dma_start3A_622 = tpu.memref_squeeze %dma_start3A_621 : memref<1x64x512xf32, #tpu.memory_space<vmem>> -> memref<64x512xf32, #tpu.memory_space<vmem>>
    %dma_start3A_623 = arith.constant 0 : i32
    %dma_start3A_624 = tpu.memref_slice %arg2[%add3A_617, %dma_start3A_623] : memref<65536x512xf32, #tpu.memory_space<hbm>> -> memref<64x512xf32, #tpu.memory_space<hbm>>
    %dma_start3A_625 = arith.constant 0 : i32
    %dma_start3A_626 = arith.constant 0 : i32
    %dma_start3A_627 = tpu.memref_slice %arg4[%dma_start3A_618, %dma_start3A_625, %dma_start3A_626] : memref<2x64x512xf32, #tpu.memory_space<vmem>> -> memref<1x64x512xf32, #tpu.memory_space<vmem>>
    %dma_start3A_628 = tpu.memref_squeeze %dma_start3A_627 : memref<1x64x512xf32, #tpu.memory_space<vmem>> -> memref<64x512xf32, #tpu.memory_space<vmem>>
    %dma_start3A_629 = arith.constant 0 : i32
    %dma_start3A_630 = tpu.memref_slice %arg2[%add3A_617, %dma_start3A_629] : memref<65536x512xf32, #tpu.memory_space<hbm>> -> memref<64x512xf32, #tpu.memory_space<hbm>>
    tpu.enqueue_dma source(%dma_start3A_630 : memref<64x512xf32, #tpu.memory_space<hbm>>) target(%dma_start3A_628 : memref<64x512xf32, #tpu.memory_space<vmem>>) target_semaphore(%arg6 : memref<!tpu.dma_semaphore, #tpu.memory_space<semaphore_mem>>)
    %add3A_631 = arith.constant 640 : i32
    %add3A_632 = arith.addi %mul3A_2, %add3A_631 : i32
    %dma_wait3A_633 = arith.constant 0 : i32
    %dma_wait3A_634 = arith.constant 0 : i32
    %dma_wait3A_635 = arith.constant 0 : i32
    %dma_wait3A_636 = tpu.memref_slice %arg4[%dma_wait3A_633, %dma_wait3A_634, %dma_wait3A_635] : memref<2x64x512xf32, #tpu.memory_space<vmem>> -> memref<1x64x512xf32, #tpu.memory_space<vmem>>
    %dma_wait3A_637 = tpu.memref_squeeze %dma_wait3A_636 : memref<1x64x512xf32, #tpu.memory_space<vmem>> -> memref<64x512xf32, #tpu.memory_space<vmem>>
    %dma_wait3A_638 = arith.constant 0 : i32
    %dma_wait3A_639 = tpu.memref_slice %arg2[%add3A_632, %dma_wait3A_638] : memref<65536x512xf32, #tpu.memory_space<hbm>> -> memref<64x512xf32, #tpu.memory_space<hbm>>
    %dma_wait3A_640 = arith.constant 0 : i32
    %dma_wait3A_641 = arith.constant 0 : i32
    %dma_wait3A_642 = tpu.memref_slice %arg4[%dma_wait3A_633, %dma_wait3A_640, %dma_wait3A_641] : memref<2x64x512xf32, #tpu.memory_space<vmem>> -> memref<1x64x512xf32, #tpu.memory_space<vmem>>
    %dma_wait3A_643 = tpu.memref_squeeze %dma_wait3A_642 : memref<1x64x512xf32, #tpu.memory_space<vmem>> -> memref<64x512xf32, #tpu.memory_space<vmem>>
    %dma_wait3A_644 = arith.constant 0 : i32
    %dma_wait3A_645 = tpu.memref_slice %arg2[%add3A_632, %dma_wait3A_644] : memref<65536x512xf32, #tpu.memory_space<hbm>> -> memref<64x512xf32, #tpu.memory_space<hbm>>
    tpu.wait_dma2 semaphore(%arg5 : memref<!tpu.dma_semaphore, #tpu.memory_space<semaphore_mem>>) src(%dma_wait3A_645 : memref<64x512xf32, #tpu.memory_space<hbm>>) dst(%dma_wait3A_643 : memref<64x512xf32, #tpu.memory_space<vmem>>)
    %add3A_646 = arith.constant 640 : i32
    %add3A_647 = arith.addi %mul3A_2, %add3A_646 : i32
    %dma_start3A_648 = arith.constant 0 : i32
    %dma_start3A_649 = arith.constant 0 : i32
    %dma_start3A_650 = arith.constant 0 : i32
    %dma_start3A_651 = tpu.memref_slice %arg4[%dma_start3A_648, %dma_start3A_649, %dma_start3A_650] : memref<2x64x512xf32, #tpu.memory_space<vmem>> -> memref<1x64x512xf32, #tpu.memory_space<vmem>>
    %dma_start3A_652 = tpu.memref_squeeze %dma_start3A_651 : memref<1x64x512xf32, #tpu.memory_space<vmem>> -> memref<64x512xf32, #tpu.memory_space<vmem>>
    %dma_start3A_653 = arith.constant 0 : i32
    %dma_start3A_654 = tpu.memref_slice %arg3[%add3A_647, %dma_start3A_653] : memref<65536x512xf32, #tpu.memory_space<hbm>> -> memref<64x512xf32, #tpu.memory_space<hbm>>
    %dma_start3A_655 = arith.constant 0 : i32
    %dma_start3A_656 = tpu.memref_slice %arg3[%add3A_647, %dma_start3A_655] : memref<65536x512xf32, #tpu.memory_space<hbm>> -> memref<64x512xf32, #tpu.memory_space<hbm>>
    %dma_start3A_657 = arith.constant 0 : i32
    %dma_start3A_658 = arith.constant 0 : i32
    %dma_start3A_659 = tpu.memref_slice %arg4[%dma_start3A_648, %dma_start3A_657, %dma_start3A_658] : memref<2x64x512xf32, #tpu.memory_space<vmem>> -> memref<1x64x512xf32, #tpu.memory_space<vmem>>
    %dma_start3A_660 = tpu.memref_squeeze %dma_start3A_659 : memref<1x64x512xf32, #tpu.memory_space<vmem>> -> memref<64x512xf32, #tpu.memory_space<vmem>>
    tpu.enqueue_dma source(%dma_start3A_660 : memref<64x512xf32, #tpu.memory_space<vmem>>) target(%dma_start3A_656 : memref<64x512xf32, #tpu.memory_space<hbm>>) target_semaphore(%arg7 : memref<!tpu.dma_semaphore, #tpu.memory_space<semaphore_mem>>)
    %add3A_661 = arith.constant 640 : i32
    %add3A_662 = arith.addi %mul3A_2, %add3A_661 : i32
    %dma_wait3A_663 = arith.constant 0 : i32
    %dma_wait3A_664 = arith.constant 0 : i32
    %dma_wait3A_665 = arith.constant 0 : i32
    %dma_wait3A_666 = tpu.memref_slice %arg4[%dma_wait3A_663, %dma_wait3A_664, %dma_wait3A_665] : memref<2x64x512xf32, #tpu.memory_space<vmem>> -> memref<1x64x512xf32, #tpu.memory_space<vmem>>
    %dma_wait3A_667 = tpu.memref_squeeze %dma_wait3A_666 : memref<1x64x512xf32, #tpu.memory_space<vmem>> -> memref<64x512xf32, #tpu.memory_space<vmem>>
    %dma_wait3A_668 = arith.constant 0 : i32
    %dma_wait3A_669 = tpu.memref_slice %arg3[%add3A_662, %dma_wait3A_668] : memref<65536x512xf32, #tpu.memory_space<hbm>> -> memref<64x512xf32, #tpu.memory_space<hbm>>
    %dma_wait3A_670 = arith.constant 0 : i32
    %dma_wait3A_671 = tpu.memref_slice %arg3[%add3A_662, %dma_wait3A_670] : memref<65536x512xf32, #tpu.memory_space<hbm>> -> memref<64x512xf32, #tpu.memory_space<hbm>>
    %dma_wait3A_672 = arith.constant 0 : i32
    %dma_wait3A_673 = arith.constant 0 : i32
    %dma_wait3A_674 = tpu.memref_slice %arg4[%dma_wait3A_663, %dma_wait3A_672, %dma_wait3A_673] : memref<2x64x512xf32, #tpu.memory_space<vmem>> -> memref<1x64x512xf32, #tpu.memory_space<vmem>>
    %dma_wait3A_675 = tpu.memref_squeeze %dma_wait3A_674 : memref<1x64x512xf32, #tpu.memory_space<vmem>> -> memref<64x512xf32, #tpu.memory_space<vmem>>
    tpu.wait_dma2 semaphore(%arg7 : memref<!tpu.dma_semaphore, #tpu.memory_space<semaphore_mem>>) src(%dma_wait3A_675 : memref<64x512xf32, #tpu.memory_space<vmem>>) dst(%dma_wait3A_671 : memref<64x512xf32, #tpu.memory_space<hbm>>)
    %add3A_676 = arith.constant 768 : i32
    %add3A_677 = arith.addi %mul3A_2, %add3A_676 : i32
    %dma_start3A_678 = arith.constant 0 : i32
    %dma_start3A_679 = arith.constant 0 : i32
    %dma_start3A_680 = arith.constant 0 : i32
    %dma_start3A_681 = tpu.memref_slice %arg4[%dma_start3A_678, %dma_start3A_679, %dma_start3A_680] : memref<2x64x512xf32, #tpu.memory_space<vmem>> -> memref<1x64x512xf32, #tpu.memory_space<vmem>>
    %dma_start3A_682 = tpu.memref_squeeze %dma_start3A_681 : memref<1x64x512xf32, #tpu.memory_space<vmem>> -> memref<64x512xf32, #tpu.memory_space<vmem>>
    %dma_start3A_683 = arith.constant 0 : i32
    %dma_start3A_684 = tpu.memref_slice %arg2[%add3A_677, %dma_start3A_683] : memref<65536x512xf32, #tpu.memory_space<hbm>> -> memref<64x512xf32, #tpu.memory_space<hbm>>
    %dma_start3A_685 = arith.constant 0 : i32
    %dma_start3A_686 = arith.constant 0 : i32
    %dma_start3A_687 = tpu.memref_slice %arg4[%dma_start3A_678, %dma_start3A_685, %dma_start3A_686] : memref<2x64x512xf32, #tpu.memory_space<vmem>> -> memref<1x64x512xf32, #tpu.memory_space<vmem>>
    %dma_start3A_688 = tpu.memref_squeeze %dma_start3A_687 : memref<1x64x512xf32, #tpu.memory_space<vmem>> -> memref<64x512xf32, #tpu.memory_space<vmem>>
    %dma_start3A_689 = arith.constant 0 : i32
    %dma_start3A_690 = tpu.memref_slice %arg2[%add3A_677, %dma_start3A_689] : memref<65536x512xf32, #tpu.memory_space<hbm>> -> memref<64x512xf32, #tpu.memory_space<hbm>>
    tpu.enqueue_dma source(%dma_start3A_690 : memref<64x512xf32, #tpu.memory_space<hbm>>) target(%dma_start3A_688 : memref<64x512xf32, #tpu.memory_space<vmem>>) target_semaphore(%arg5 : memref<!tpu.dma_semaphore, #tpu.memory_space<semaphore_mem>>)
    %add3A_691 = arith.constant 704 : i32
    %add3A_692 = arith.addi %mul3A_2, %add3A_691 : i32
    %dma_wait3A_693 = arith.constant 1 : i32
    %dma_wait3A_694 = arith.constant 0 : i32
    %dma_wait3A_695 = arith.constant 0 : i32
    %dma_wait3A_696 = tpu.memref_slice %arg4[%dma_wait3A_693, %dma_wait3A_694, %dma_wait3A_695] : memref<2x64x512xf32, #tpu.memory_space<vmem>> -> memref<1x64x512xf32, #tpu.memory_space<vmem>>
    %dma_wait3A_697 = tpu.memref_squeeze %dma_wait3A_696 : memref<1x64x512xf32, #tpu.memory_space<vmem>> -> memref<64x512xf32, #tpu.memory_space<vmem>>
    %dma_wait3A_698 = arith.constant 0 : i32
    %dma_wait3A_699 = tpu.memref_slice %arg2[%add3A_692, %dma_wait3A_698] : memref<65536x512xf32, #tpu.memory_space<hbm>> -> memref<64x512xf32, #tpu.memory_space<hbm>>
    %dma_wait3A_700 = arith.constant 0 : i32
    %dma_wait3A_701 = arith.constant 0 : i32
    %dma_wait3A_702 = tpu.memref_slice %arg4[%dma_wait3A_693, %dma_wait3A_700, %dma_wait3A_701] : memref<2x64x512xf32, #tpu.memory_space<vmem>> -> memref<1x64x512xf32, #tpu.memory_space<vmem>>
    %dma_wait3A_703 = tpu.memref_squeeze %dma_wait3A_702 : memref<1x64x512xf32, #tpu.memory_space<vmem>> -> memref<64x512xf32, #tpu.memory_space<vmem>>
    %dma_wait3A_704 = arith.constant 0 : i32
    %dma_wait3A_705 = tpu.memref_slice %arg2[%add3A_692, %dma_wait3A_704] : memref<65536x512xf32, #tpu.memory_space<hbm>> -> memref<64x512xf32, #tpu.memory_space<hbm>>
    tpu.wait_dma2 semaphore(%arg6 : memref<!tpu.dma_semaphore, #tpu.memory_space<semaphore_mem>>) src(%dma_wait3A_705 : memref<64x512xf32, #tpu.memory_space<hbm>>) dst(%dma_wait3A_703 : memref<64x512xf32, #tpu.memory_space<vmem>>)
    %add3A_706 = arith.constant 704 : i32
    %add3A_707 = arith.addi %mul3A_2, %add3A_706 : i32
    %dma_start3A_708 = arith.constant 1 : i32
    %dma_start3A_709 = arith.constant 0 : i32
    %dma_start3A_710 = arith.constant 0 : i32
    %dma_start3A_711 = tpu.memref_slice %arg4[%dma_start3A_708, %dma_start3A_709, %dma_start3A_710] : memref<2x64x512xf32, #tpu.memory_space<vmem>> -> memref<1x64x512xf32, #tpu.memory_space<vmem>>
    %dma_start3A_712 = tpu.memref_squeeze %dma_start3A_711 : memref<1x64x512xf32, #tpu.memory_space<vmem>> -> memref<64x512xf32, #tpu.memory_space<vmem>>
    %dma_start3A_713 = arith.constant 0 : i32
    %dma_start3A_714 = tpu.memref_slice %arg3[%add3A_707, %dma_start3A_713] : memref<65536x512xf32, #tpu.memory_space<hbm>> -> memref<64x512xf32, #tpu.memory_space<hbm>>
    %dma_start3A_715 = arith.constant 0 : i32
    %dma_start3A_716 = tpu.memref_slice %arg3[%add3A_707, %dma_start3A_715] : memref<65536x512xf32, #tpu.memory_space<hbm>> -> memref<64x512xf32, #tpu.memory_space<hbm>>
    %dma_start3A_717 = arith.constant 0 : i32
    %dma_start3A_718 = arith.constant 0 : i32
    %dma_start3A_719 = tpu.memref_slice %arg4[%dma_start3A_708, %dma_start3A_717, %dma_start3A_718] : memref<2x64x512xf32, #tpu.memory_space<vmem>> -> memref<1x64x512xf32, #tpu.memory_space<vmem>>
    %dma_start3A_720 = tpu.memref_squeeze %dma_start3A_719 : memref<1x64x512xf32, #tpu.memory_space<vmem>> -> memref<64x512xf32, #tpu.memory_space<vmem>>
    tpu.enqueue_dma source(%dma_start3A_720 : memref<64x512xf32, #tpu.memory_space<vmem>>) target(%dma_start3A_716 : memref<64x512xf32, #tpu.memory_space<hbm>>) target_semaphore(%arg8 : memref<!tpu.dma_semaphore, #tpu.memory_space<semaphore_mem>>)
    %add3A_721 = arith.constant 704 : i32
    %add3A_722 = arith.addi %mul3A_2, %add3A_721 : i32
    %dma_wait3A_723 = arith.constant 1 : i32
    %dma_wait3A_724 = arith.constant 0 : i32
    %dma_wait3A_725 = arith.constant 0 : i32
    %dma_wait3A_726 = tpu.memref_slice %arg4[%dma_wait3A_723, %dma_wait3A_724, %dma_wait3A_725] : memref<2x64x512xf32, #tpu.memory_space<vmem>> -> memref<1x64x512xf32, #tpu.memory_space<vmem>>
    %dma_wait3A_727 = tpu.memref_squeeze %dma_wait3A_726 : memref<1x64x512xf32, #tpu.memory_space<vmem>> -> memref<64x512xf32, #tpu.memory_space<vmem>>
    %dma_wait3A_728 = arith.constant 0 : i32
    %dma_wait3A_729 = tpu.memref_slice %arg3[%add3A_722, %dma_wait3A_728] : memref<65536x512xf32, #tpu.memory_space<hbm>> -> memref<64x512xf32, #tpu.memory_space<hbm>>
    %dma_wait3A_730 = arith.constant 0 : i32
    %dma_wait3A_731 = tpu.memref_slice %arg3[%add3A_722, %dma_wait3A_730] : memref<65536x512xf32, #tpu.memory_space<hbm>> -> memref<64x512xf32, #tpu.memory_space<hbm>>
    %dma_wait3A_732 = arith.constant 0 : i32
    %dma_wait3A_733 = arith.constant 0 : i32
    %dma_wait3A_734 = tpu.memref_slice %arg4[%dma_wait3A_723, %dma_wait3A_732, %dma_wait3A_733] : memref<2x64x512xf32, #tpu.memory_space<vmem>> -> memref<1x64x512xf32, #tpu.memory_space<vmem>>
    %dma_wait3A_735 = tpu.memref_squeeze %dma_wait3A_734 : memref<1x64x512xf32, #tpu.memory_space<vmem>> -> memref<64x512xf32, #tpu.memory_space<vmem>>
    tpu.wait_dma2 semaphore(%arg8 : memref<!tpu.dma_semaphore, #tpu.memory_space<semaphore_mem>>) src(%dma_wait3A_735 : memref<64x512xf32, #tpu.memory_space<vmem>>) dst(%dma_wait3A_731 : memref<64x512xf32, #tpu.memory_space<hbm>>)
    %add3A_736 = arith.constant 832 : i32
    %add3A_737 = arith.addi %mul3A_2, %add3A_736 : i32
    %dma_start3A_738 = arith.constant 1 : i32
    %dma_start3A_739 = arith.constant 0 : i32
    %dma_start3A_740 = arith.constant 0 : i32
    %dma_start3A_741 = tpu.memref_slice %arg4[%dma_start3A_738, %dma_start3A_739, %dma_start3A_740] : memref<2x64x512xf32, #tpu.memory_space<vmem>> -> memref<1x64x512xf32, #tpu.memory_space<vmem>>
    %dma_start3A_742 = tpu.memref_squeeze %dma_start3A_741 : memref<1x64x512xf32, #tpu.memory_space<vmem>> -> memref<64x512xf32, #tpu.memory_space<vmem>>
    %dma_start3A_743 = arith.constant 0 : i32
    %dma_start3A_744 = tpu.memref_slice %arg2[%add3A_737, %dma_start3A_743] : memref<65536x512xf32, #tpu.memory_space<hbm>> -> memref<64x512xf32, #tpu.memory_space<hbm>>
    %dma_start3A_745 = arith.constant 0 : i32
    %dma_start3A_746 = arith.constant 0 : i32
    %dma_start3A_747 = tpu.memref_slice %arg4[%dma_start3A_738, %dma_start3A_745, %dma_start3A_746] : memref<2x64x512xf32, #tpu.memory_space<vmem>> -> memref<1x64x512xf32, #tpu.memory_space<vmem>>
    %dma_start3A_748 = tpu.memref_squeeze %dma_start3A_747 : memref<1x64x512xf32, #tpu.memory_space<vmem>> -> memref<64x512xf32, #tpu.memory_space<vmem>>
    %dma_start3A_749 = arith.constant 0 : i32
    %dma_start3A_750 = tpu.memref_slice %arg2[%add3A_737, %dma_start3A_749] : memref<65536x512xf32, #tpu.memory_space<hbm>> -> memref<64x512xf32, #tpu.memory_space<hbm>>
    tpu.enqueue_dma source(%dma_start3A_750 : memref<64x512xf32, #tpu.memory_space<hbm>>) target(%dma_start3A_748 : memref<64x512xf32, #tpu.memory_space<vmem>>) target_semaphore(%arg6 : memref<!tpu.dma_semaphore, #tpu.memory_space<semaphore_mem>>)
    %add3A_751 = arith.constant 768 : i32
    %add3A_752 = arith.addi %mul3A_2, %add3A_751 : i32
    %dma_wait3A_753 = arith.constant 0 : i32
    %dma_wait3A_754 = arith.constant 0 : i32
    %dma_wait3A_755 = arith.constant 0 : i32
    %dma_wait3A_756 = tpu.memref_slice %arg4[%dma_wait3A_753, %dma_wait3A_754, %dma_wait3A_755] : memref<2x64x512xf32, #tpu.memory_space<vmem>> -> memref<1x64x512xf32, #tpu.memory_space<vmem>>
    %dma_wait3A_757 = tpu.memref_squeeze %dma_wait3A_756 : memref<1x64x512xf32, #tpu.memory_space<vmem>> -> memref<64x512xf32, #tpu.memory_space<vmem>>
    %dma_wait3A_758 = arith.constant 0 : i32
    %dma_wait3A_759 = tpu.memref_slice %arg2[%add3A_752, %dma_wait3A_758] : memref<65536x512xf32, #tpu.memory_space<hbm>> -> memref<64x512xf32, #tpu.memory_space<hbm>>
    %dma_wait3A_760 = arith.constant 0 : i32
    %dma_wait3A_761 = arith.constant 0 : i32
    %dma_wait3A_762 = tpu.memref_slice %arg4[%dma_wait3A_753, %dma_wait3A_760, %dma_wait3A_761] : memref<2x64x512xf32, #tpu.memory_space<vmem>> -> memref<1x64x512xf32, #tpu.memory_space<vmem>>
    %dma_wait3A_763 = tpu.memref_squeeze %dma_wait3A_762 : memref<1x64x512xf32, #tpu.memory_space<vmem>> -> memref<64x512xf32, #tpu.memory_space<vmem>>
    %dma_wait3A_764 = arith.constant 0 : i32
    %dma_wait3A_765 = tpu.memref_slice %arg2[%add3A_752, %dma_wait3A_764] : memref<65536x512xf32, #tpu.memory_space<hbm>> -> memref<64x512xf32, #tpu.memory_space<hbm>>
    tpu.wait_dma2 semaphore(%arg5 : memref<!tpu.dma_semaphore, #tpu.memory_space<semaphore_mem>>) src(%dma_wait3A_765 : memref<64x512xf32, #tpu.memory_space<hbm>>) dst(%dma_wait3A_763 : memref<64x512xf32, #tpu.memory_space<vmem>>)
    %add3A_766 = arith.constant 768 : i32
    %add3A_767 = arith.addi %mul3A_2, %add3A_766 : i32
    %dma_start3A_768 = arith.constant 0 : i32
    %dma_start3A_769 = arith.constant 0 : i32
    %dma_start3A_770 = arith.constant 0 : i32
    %dma_start3A_771 = tpu.memref_slice %arg4[%dma_start3A_768, %dma_start3A_769, %dma_start3A_770] : memref<2x64x512xf32, #tpu.memory_space<vmem>> -> memref<1x64x512xf32, #tpu.memory_space<vmem>>
    %dma_start3A_772 = tpu.memref_squeeze %dma_start3A_771 : memref<1x64x512xf32, #tpu.memory_space<vmem>> -> memref<64x512xf32, #tpu.memory_space<vmem>>
    %dma_start3A_773 = arith.constant 0 : i32
    %dma_start3A_774 = tpu.memref_slice %arg3[%add3A_767, %dma_start3A_773] : memref<65536x512xf32, #tpu.memory_space<hbm>> -> memref<64x512xf32, #tpu.memory_space<hbm>>
    %dma_start3A_775 = arith.constant 0 : i32
    %dma_start3A_776 = tpu.memref_slice %arg3[%add3A_767, %dma_start3A_775] : memref<65536x512xf32, #tpu.memory_space<hbm>> -> memref<64x512xf32, #tpu.memory_space<hbm>>
    %dma_start3A_777 = arith.constant 0 : i32
    %dma_start3A_778 = arith.constant 0 : i32
    %dma_start3A_779 = tpu.memref_slice %arg4[%dma_start3A_768, %dma_start3A_777, %dma_start3A_778] : memref<2x64x512xf32, #tpu.memory_space<vmem>> -> memref<1x64x512xf32, #tpu.memory_space<vmem>>
    %dma_start3A_780 = tpu.memref_squeeze %dma_start3A_779 : memref<1x64x512xf32, #tpu.memory_space<vmem>> -> memref<64x512xf32, #tpu.memory_space<vmem>>
    tpu.enqueue_dma source(%dma_start3A_780 : memref<64x512xf32, #tpu.memory_space<vmem>>) target(%dma_start3A_776 : memref<64x512xf32, #tpu.memory_space<hbm>>) target_semaphore(%arg7 : memref<!tpu.dma_semaphore, #tpu.memory_space<semaphore_mem>>)
    %add3A_781 = arith.constant 768 : i32
    %add3A_782 = arith.addi %mul3A_2, %add3A_781 : i32
    %dma_wait3A_783 = arith.constant 0 : i32
    %dma_wait3A_784 = arith.constant 0 : i32
    %dma_wait3A_785 = arith.constant 0 : i32
    %dma_wait3A_786 = tpu.memref_slice %arg4[%dma_wait3A_783, %dma_wait3A_784, %dma_wait3A_785] : memref<2x64x512xf32, #tpu.memory_space<vmem>> -> memref<1x64x512xf32, #tpu.memory_space<vmem>>
    %dma_wait3A_787 = tpu.memref_squeeze %dma_wait3A_786 : memref<1x64x512xf32, #tpu.memory_space<vmem>> -> memref<64x512xf32, #tpu.memory_space<vmem>>
    %dma_wait3A_788 = arith.constant 0 : i32
    %dma_wait3A_789 = tpu.memref_slice %arg3[%add3A_782, %dma_wait3A_788] : memref<65536x512xf32, #tpu.memory_space<hbm>> -> memref<64x512xf32, #tpu.memory_space<hbm>>
    %dma_wait3A_790 = arith.constant 0 : i32
    %dma_wait3A_791 = tpu.memref_slice %arg3[%add3A_782, %dma_wait3A_790] : memref<65536x512xf32, #tpu.memory_space<hbm>> -> memref<64x512xf32, #tpu.memory_space<hbm>>
    %dma_wait3A_792 = arith.constant 0 : i32
    %dma_wait3A_793 = arith.constant 0 : i32
    %dma_wait3A_794 = tpu.memref_slice %arg4[%dma_wait3A_783, %dma_wait3A_792, %dma_wait3A_793] : memref<2x64x512xf32, #tpu.memory_space<vmem>> -> memref<1x64x512xf32, #tpu.memory_space<vmem>>
    %dma_wait3A_795 = tpu.memref_squeeze %dma_wait3A_794 : memref<1x64x512xf32, #tpu.memory_space<vmem>> -> memref<64x512xf32, #tpu.memory_space<vmem>>
    tpu.wait_dma2 semaphore(%arg7 : memref<!tpu.dma_semaphore, #tpu.memory_space<semaphore_mem>>) src(%dma_wait3A_795 : memref<64x512xf32, #tpu.memory_space<vmem>>) dst(%dma_wait3A_791 : memref<64x512xf32, #tpu.memory_space<hbm>>)
    %add3A_796 = arith.constant 896 : i32
    %add3A_797 = arith.addi %mul3A_2, %add3A_796 : i32
    %dma_start3A_798 = arith.constant 0 : i32
    %dma_start3A_799 = arith.constant 0 : i32
    %dma_start3A_800 = arith.constant 0 : i32
    %dma_start3A_801 = tpu.memref_slice %arg4[%dma_start3A_798, %dma_start3A_799, %dma_start3A_800] : memref<2x64x512xf32, #tpu.memory_space<vmem>> -> memref<1x64x512xf32, #tpu.memory_space<vmem>>
    %dma_start3A_802 = tpu.memref_squeeze %dma_start3A_801 : memref<1x64x512xf32, #tpu.memory_space<vmem>> -> memref<64x512xf32, #tpu.memory_space<vmem>>
    %dma_start3A_803 = arith.constant 0 : i32
    %dma_start3A_804 = tpu.memref_slice %arg2[%add3A_797, %dma_start3A_803] : memref<65536x512xf32, #tpu.memory_space<hbm>> -> memref<64x512xf32, #tpu.memory_space<hbm>>
    %dma_start3A_805 = arith.constant 0 : i32
    %dma_start3A_806 = arith.constant 0 : i32
    %dma_start3A_807 = tpu.memref_slice %arg4[%dma_start3A_798, %dma_start3A_805, %dma_start3A_806] : memref<2x64x512xf32, #tpu.memory_space<vmem>> -> memref<1x64x512xf32, #tpu.memory_space<vmem>>
    %dma_start3A_808 = tpu.memref_squeeze %dma_start3A_807 : memref<1x64x512xf32, #tpu.memory_space<vmem>> -> memref<64x512xf32, #tpu.memory_space<vmem>>
    %dma_start3A_809 = arith.constant 0 : i32
    %dma_start3A_810 = tpu.memref_slice %arg2[%add3A_797, %dma_start3A_809] : memref<65536x512xf32, #tpu.memory_space<hbm>> -> memref<64x512xf32, #tpu.memory_space<hbm>>
    tpu.enqueue_dma source(%dma_start3A_810 : memref<64x512xf32, #tpu.memory_space<hbm>>) target(%dma_start3A_808 : memref<64x512xf32, #tpu.memory_space<vmem>>) target_semaphore(%arg5 : memref<!tpu.dma_semaphore, #tpu.memory_space<semaphore_mem>>)
    %add3A_811 = arith.constant 832 : i32
    %add3A_812 = arith.addi %mul3A_2, %add3A_811 : i32
    %dma_wait3A_813 = arith.constant 1 : i32
    %dma_wait3A_814 = arith.constant 0 : i32
    %dma_wait3A_815 = arith.constant 0 : i32
    %dma_wait3A_816 = tpu.memref_slice %arg4[%dma_wait3A_813, %dma_wait3A_814, %dma_wait3A_815] : memref<2x64x512xf32, #tpu.memory_space<vmem>> -> memref<1x64x512xf32, #tpu.memory_space<vmem>>
    %dma_wait3A_817 = tpu.memref_squeeze %dma_wait3A_816 : memref<1x64x512xf32, #tpu.memory_space<vmem>> -> memref<64x512xf32, #tpu.memory_space<vmem>>
    %dma_wait3A_818 = arith.constant 0 : i32
    %dma_wait3A_819 = tpu.memref_slice %arg2[%add3A_812, %dma_wait3A_818] : memref<65536x512xf32, #tpu.memory_space<hbm>> -> memref<64x512xf32, #tpu.memory_space<hbm>>
    %dma_wait3A_820 = arith.constant 0 : i32
    %dma_wait3A_821 = arith.constant 0 : i32
    %dma_wait3A_822 = tpu.memref_slice %arg4[%dma_wait3A_813, %dma_wait3A_820, %dma_wait3A_821] : memref<2x64x512xf32, #tpu.memory_space<vmem>> -> memref<1x64x512xf32, #tpu.memory_space<vmem>>
    %dma_wait3A_823 = tpu.memref_squeeze %dma_wait3A_822 : memref<1x64x512xf32, #tpu.memory_space<vmem>> -> memref<64x512xf32, #tpu.memory_space<vmem>>
    %dma_wait3A_824 = arith.constant 0 : i32
    %dma_wait3A_825 = tpu.memref_slice %arg2[%add3A_812, %dma_wait3A_824] : memref<65536x512xf32, #tpu.memory_space<hbm>> -> memref<64x512xf32, #tpu.memory_space<hbm>>
    tpu.wait_dma2 semaphore(%arg6 : memref<!tpu.dma_semaphore, #tpu.memory_space<semaphore_mem>>) src(%dma_wait3A_825 : memref<64x512xf32, #tpu.memory_space<hbm>>) dst(%dma_wait3A_823 : memref<64x512xf32, #tpu.memory_space<vmem>>)
    %add3A_826 = arith.constant 832 : i32
    %add3A_827 = arith.addi %mul3A_2, %add3A_826 : i32
    %dma_start3A_828 = arith.constant 1 : i32
    %dma_start3A_829 = arith.constant 0 : i32
    %dma_start3A_830 = arith.constant 0 : i32
    %dma_start3A_831 = tpu.memref_slice %arg4[%dma_start3A_828, %dma_start3A_829, %dma_start3A_830] : memref<2x64x512xf32, #tpu.memory_space<vmem>> -> memref<1x64x512xf32, #tpu.memory_space<vmem>>
    %dma_start3A_832 = tpu.memref_squeeze %dma_start3A_831 : memref<1x64x512xf32, #tpu.memory_space<vmem>> -> memref<64x512xf32, #tpu.memory_space<vmem>>
    %dma_start3A_833 = arith.constant 0 : i32
    %dma_start3A_834 = tpu.memref_slice %arg3[%add3A_827, %dma_start3A_833] : memref<65536x512xf32, #tpu.memory_space<hbm>> -> memref<64x512xf32, #tpu.memory_space<hbm>>
    %dma_start3A_835 = arith.constant 0 : i32
    %dma_start3A_836 = tpu.memref_slice %arg3[%add3A_827, %dma_start3A_835] : memref<65536x512xf32, #tpu.memory_space<hbm>> -> memref<64x512xf32, #tpu.memory_space<hbm>>
    %dma_start3A_837 = arith.constant 0 : i32
    %dma_start3A_838 = arith.constant 0 : i32
    %dma_start3A_839 = tpu.memref_slice %arg4[%dma_start3A_828, %dma_start3A_837, %dma_start3A_838] : memref<2x64x512xf32, #tpu.memory_space<vmem>> -> memref<1x64x512xf32, #tpu.memory_space<vmem>>
    %dma_start3A_840 = tpu.memref_squeeze %dma_start3A_839 : memref<1x64x512xf32, #tpu.memory_space<vmem>> -> memref<64x512xf32, #tpu.memory_space<vmem>>
    tpu.enqueue_dma source(%dma_start3A_840 : memref<64x512xf32, #tpu.memory_space<vmem>>) target(%dma_start3A_836 : memref<64x512xf32, #tpu.memory_space<hbm>>) target_semaphore(%arg8 : memref<!tpu.dma_semaphore, #tpu.memory_space<semaphore_mem>>)
    %add3A_841 = arith.constant 832 : i32
    %add3A_842 = arith.addi %mul3A_2, %add3A_841 : i32
    %dma_wait3A_843 = arith.constant 1 : i32
    %dma_wait3A_844 = arith.constant 0 : i32
    %dma_wait3A_845 = arith.constant 0 : i32
    %dma_wait3A_846 = tpu.memref_slice %arg4[%dma_wait3A_843, %dma_wait3A_844, %dma_wait3A_845] : memref<2x64x512xf32, #tpu.memory_space<vmem>> -> memref<1x64x512xf32, #tpu.memory_space<vmem>>
    %dma_wait3A_847 = tpu.memref_squeeze %dma_wait3A_846 : memref<1x64x512xf32, #tpu.memory_space<vmem>> -> memref<64x512xf32, #tpu.memory_space<vmem>>
    %dma_wait3A_848 = arith.constant 0 : i32
    %dma_wait3A_849 = tpu.memref_slice %arg3[%add3A_842, %dma_wait3A_848] : memref<65536x512xf32, #tpu.memory_space<hbm>> -> memref<64x512xf32, #tpu.memory_space<hbm>>
    %dma_wait3A_850 = arith.constant 0 : i32
    %dma_wait3A_851 = tpu.memref_slice %arg3[%add3A_842, %dma_wait3A_850] : memref<65536x512xf32, #tpu.memory_space<hbm>> -> memref<64x512xf32, #tpu.memory_space<hbm>>
    %dma_wait3A_852 = arith.constant 0 : i32
    %dma_wait3A_853 = arith.constant 0 : i32
    %dma_wait3A_854 = tpu.memref_slice %arg4[%dma_wait3A_843, %dma_wait3A_852, %dma_wait3A_853] : memref<2x64x512xf32, #tpu.memory_space<vmem>> -> memref<1x64x512xf32, #tpu.memory_space<vmem>>
    %dma_wait3A_855 = tpu.memref_squeeze %dma_wait3A_854 : memref<1x64x512xf32, #tpu.memory_space<vmem>> -> memref<64x512xf32, #tpu.memory_space<vmem>>
    tpu.wait_dma2 semaphore(%arg8 : memref<!tpu.dma_semaphore, #tpu.memory_space<semaphore_mem>>) src(%dma_wait3A_855 : memref<64x512xf32, #tpu.memory_space<vmem>>) dst(%dma_wait3A_851 : memref<64x512xf32, #tpu.memory_space<hbm>>)
    %add3A_856 = arith.constant 960 : i32
    %add3A_857 = arith.addi %mul3A_2, %add3A_856 : i32
    %dma_start3A_858 = arith.constant 1 : i32
    %dma_start3A_859 = arith.constant 0 : i32
    %dma_start3A_860 = arith.constant 0 : i32
    %dma_start3A_861 = tpu.memref_slice %arg4[%dma_start3A_858, %dma_start3A_859, %dma_start3A_860] : memref<2x64x512xf32, #tpu.memory_space<vmem>> -> memref<1x64x512xf32, #tpu.memory_space<vmem>>
    %dma_start3A_862 = tpu.memref_squeeze %dma_start3A_861 : memref<1x64x512xf32, #tpu.memory_space<vmem>> -> memref<64x512xf32, #tpu.memory_space<vmem>>
    %dma_start3A_863 = arith.constant 0 : i32
    %dma_start3A_864 = tpu.memref_slice %arg2[%add3A_857, %dma_start3A_863] : memref<65536x512xf32, #tpu.memory_space<hbm>> -> memref<64x512xf32, #tpu.memory_space<hbm>>
    %dma_start3A_865 = arith.constant 0 : i32
    %dma_start3A_866 = arith.constant 0 : i32
    %dma_start3A_867 = tpu.memref_slice %arg4[%dma_start3A_858, %dma_start3A_865, %dma_start3A_866] : memref<2x64x512xf32, #tpu.memory_space<vmem>> -> memref<1x64x512xf32, #tpu.memory_space<vmem>>
    %dma_start3A_868 = tpu.memref_squeeze %dma_start3A_867 : memref<1x64x512xf32, #tpu.memory_space<vmem>> -> memref<64x512xf32, #tpu.memory_space<vmem>>
    %dma_start3A_869 = arith.constant 0 : i32
    %dma_start3A_870 = tpu.memref_slice %arg2[%add3A_857, %dma_start3A_869] : memref<65536x512xf32, #tpu.memory_space<hbm>> -> memref<64x512xf32, #tpu.memory_space<hbm>>
    tpu.enqueue_dma source(%dma_start3A_870 : memref<64x512xf32, #tpu.memory_space<hbm>>) target(%dma_start3A_868 : memref<64x512xf32, #tpu.memory_space<vmem>>) target_semaphore(%arg6 : memref<!tpu.dma_semaphore, #tpu.memory_space<semaphore_mem>>)
    %add3A_871 = arith.constant 896 : i32
    %add3A_872 = arith.addi %mul3A_2, %add3A_871 : i32
    %dma_wait3A_873 = arith.constant 0 : i32
    %dma_wait3A_874 = arith.constant 0 : i32
    %dma_wait3A_875 = arith.constant 0 : i32
    %dma_wait3A_876 = tpu.memref_slice %arg4[%dma_wait3A_873, %dma_wait3A_874, %dma_wait3A_875] : memref<2x64x512xf32, #tpu.memory_space<vmem>> -> memref<1x64x512xf32, #tpu.memory_space<vmem>>
    %dma_wait3A_877 = tpu.memref_squeeze %dma_wait3A_876 : memref<1x64x512xf32, #tpu.memory_space<vmem>> -> memref<64x512xf32, #tpu.memory_space<vmem>>
    %dma_wait3A_878 = arith.constant 0 : i32
    %dma_wait3A_879 = tpu.memref_slice %arg2[%add3A_872, %dma_wait3A_878] : memref<65536x512xf32, #tpu.memory_space<hbm>> -> memref<64x512xf32, #tpu.memory_space<hbm>>
    %dma_wait3A_880 = arith.constant 0 : i32
    %dma_wait3A_881 = arith.constant 0 : i32
    %dma_wait3A_882 = tpu.memref_slice %arg4[%dma_wait3A_873, %dma_wait3A_880, %dma_wait3A_881] : memref<2x64x512xf32, #tpu.memory_space<vmem>> -> memref<1x64x512xf32, #tpu.memory_space<vmem>>
    %dma_wait3A_883 = tpu.memref_squeeze %dma_wait3A_882 : memref<1x64x512xf32, #tpu.memory_space<vmem>> -> memref<64x512xf32, #tpu.memory_space<vmem>>
    %dma_wait3A_884 = arith.constant 0 : i32
    %dma_wait3A_885 = tpu.memref_slice %arg2[%add3A_872, %dma_wait3A_884] : memref<65536x512xf32, #tpu.memory_space<hbm>> -> memref<64x512xf32, #tpu.memory_space<hbm>>
    tpu.wait_dma2 semaphore(%arg5 : memref<!tpu.dma_semaphore, #tpu.memory_space<semaphore_mem>>) src(%dma_wait3A_885 : memref<64x512xf32, #tpu.memory_space<hbm>>) dst(%dma_wait3A_883 : memref<64x512xf32, #tpu.memory_space<vmem>>)
    %add3A_886 = arith.constant 896 : i32
    %add3A_887 = arith.addi %mul3A_2, %add3A_886 : i32
    %dma_start3A_888 = arith.constant 0 : i32
    %dma_start3A_889 = arith.constant 0 : i32
    %dma_start3A_890 = arith.constant 0 : i32
    %dma_start3A_891 = tpu.memref_slice %arg4[%dma_start3A_888, %dma_start3A_889, %dma_start3A_890] : memref<2x64x512xf32, #tpu.memory_space<vmem>> -> memref<1x64x512xf32, #tpu.memory_space<vmem>>
    %dma_start3A_892 = tpu.memref_squeeze %dma_start3A_891 : memref<1x64x512xf32, #tpu.memory_space<vmem>> -> memref<64x512xf32, #tpu.memory_space<vmem>>
    %dma_start3A_893 = arith.constant 0 : i32
    %dma_start3A_894 = tpu.memref_slice %arg3[%add3A_887, %dma_start3A_893] : memref<65536x512xf32, #tpu.memory_space<hbm>> -> memref<64x512xf32, #tpu.memory_space<hbm>>
    %dma_start3A_895 = arith.constant 0 : i32
    %dma_start3A_896 = tpu.memref_slice %arg3[%add3A_887, %dma_start3A_895] : memref<65536x512xf32, #tpu.memory_space<hbm>> -> memref<64x512xf32, #tpu.memory_space<hbm>>
    %dma_start3A_897 = arith.constant 0 : i32
    %dma_start3A_898 = arith.constant 0 : i32
    %dma_start3A_899 = tpu.memref_slice %arg4[%dma_start3A_888, %dma_start3A_897, %dma_start3A_898] : memref<2x64x512xf32, #tpu.memory_space<vmem>> -> memref<1x64x512xf32, #tpu.memory_space<vmem>>
    %dma_start3A_900 = tpu.memref_squeeze %dma_start3A_899 : memref<1x64x512xf32, #tpu.memory_space<vmem>> -> memref<64x512xf32, #tpu.memory_space<vmem>>
    tpu.enqueue_dma source(%dma_start3A_900 : memref<64x512xf32, #tpu.memory_space<vmem>>) target(%dma_start3A_896 : memref<64x512xf32, #tpu.memory_space<hbm>>) target_semaphore(%arg7 : memref<!tpu.dma_semaphore, #tpu.memory_space<semaphore_mem>>)
    %add3A_901 = arith.constant 896 : i32
    %add3A_902 = arith.addi %mul3A_2, %add3A_901 : i32
    %dma_wait3A_903 = arith.constant 0 : i32
    %dma_wait3A_904 = arith.constant 0 : i32
    %dma_wait3A_905 = arith.constant 0 : i32
    %dma_wait3A_906 = tpu.memref_slice %arg4[%dma_wait3A_903, %dma_wait3A_904, %dma_wait3A_905] : memref<2x64x512xf32, #tpu.memory_space<vmem>> -> memref<1x64x512xf32, #tpu.memory_space<vmem>>
    %dma_wait3A_907 = tpu.memref_squeeze %dma_wait3A_906 : memref<1x64x512xf32, #tpu.memory_space<vmem>> -> memref<64x512xf32, #tpu.memory_space<vmem>>
    %dma_wait3A_908 = arith.constant 0 : i32
    %dma_wait3A_909 = tpu.memref_slice %arg3[%add3A_902, %dma_wait3A_908] : memref<65536x512xf32, #tpu.memory_space<hbm>> -> memref<64x512xf32, #tpu.memory_space<hbm>>
    %dma_wait3A_910 = arith.constant 0 : i32
    %dma_wait3A_911 = tpu.memref_slice %arg3[%add3A_902, %dma_wait3A_910] : memref<65536x512xf32, #tpu.memory_space<hbm>> -> memref<64x512xf32, #tpu.memory_space<hbm>>
    %dma_wait3A_912 = arith.constant 0 : i32
    %dma_wait3A_913 = arith.constant 0 : i32
    %dma_wait3A_914 = tpu.memref_slice %arg4[%dma_wait3A_903, %dma_wait3A_912, %dma_wait3A_913] : memref<2x64x512xf32, #tpu.memory_space<vmem>> -> memref<1x64x512xf32, #tpu.memory_space<vmem>>
    %dma_wait3A_915 = tpu.memref_squeeze %dma_wait3A_914 : memref<1x64x512xf32, #tpu.memory_space<vmem>> -> memref<64x512xf32, #tpu.memory_space<vmem>>
    tpu.wait_dma2 semaphore(%arg7 : memref<!tpu.dma_semaphore, #tpu.memory_space<semaphore_mem>>) src(%dma_wait3A_915 : memref<64x512xf32, #tpu.memory_space<vmem>>) dst(%dma_wait3A_911 : memref<64x512xf32, #tpu.memory_space<hbm>>)
    %add3A_916 = arith.constant 1024 : i32
    %add3A_917 = arith.addi %mul3A_2, %add3A_916 : i32
    %dma_start3A_918 = arith.constant 0 : i32
    %dma_start3A_919 = arith.constant 0 : i32
    %dma_start3A_920 = arith.constant 0 : i32
    %dma_start3A_921 = tpu.memref_slice %arg4[%dma_start3A_918, %dma_start3A_919, %dma_start3A_920] : memref<2x64x512xf32, #tpu.memory_space<vmem>> -> memref<1x64x512xf32, #tpu.memory_space<vmem>>
    %dma_start3A_922 = tpu.memref_squeeze %dma_start3A_921 : memref<1x64x512xf32, #tpu.memory_space<vmem>> -> memref<64x512xf32, #tpu.memory_space<vmem>>
    %dma_start3A_923 = arith.constant 0 : i32
    %dma_start3A_924 = tpu.memref_slice %arg2[%add3A_917, %dma_start3A_923] : memref<65536x512xf32, #tpu.memory_space<hbm>> -> memref<64x512xf32, #tpu.memory_space<hbm>>
    %dma_start3A_925 = arith.constant 0 : i32
    %dma_start3A_926 = arith.constant 0 : i32
    %dma_start3A_927 = tpu.memref_slice %arg4[%dma_start3A_918, %dma_start3A_925, %dma_start3A_926] : memref<2x64x512xf32, #tpu.memory_space<vmem>> -> memref<1x64x512xf32, #tpu.memory_space<vmem>>
    %dma_start3A_928 = tpu.memref_squeeze %dma_start3A_927 : memref<1x64x512xf32, #tpu.memory_space<vmem>> -> memref<64x512xf32, #tpu.memory_space<vmem>>
    %dma_start3A_929 = arith.constant 0 : i32
    %dma_start3A_930 = tpu.memref_slice %arg2[%add3A_917, %dma_start3A_929] : memref<65536x512xf32, #tpu.memory_space<hbm>> -> memref<64x512xf32, #tpu.memory_space<hbm>>
    tpu.enqueue_dma source(%dma_start3A_930 : memref<64x512xf32, #tpu.memory_space<hbm>>) target(%dma_start3A_928 : memref<64x512xf32, #tpu.memory_space<vmem>>) target_semaphore(%arg5 : memref<!tpu.dma_semaphore, #tpu.memory_space<semaphore_mem>>)
    %add3A_931 = arith.constant 960 : i32
    %add3A_932 = arith.addi %mul3A_2, %add3A_931 : i32
    %dma_wait3A_933 = arith.constant 1 : i32
    %dma_wait3A_934 = arith.constant 0 : i32
    %dma_wait3A_935 = arith.constant 0 : i32
    %dma_wait3A_936 = tpu.memref_slice %arg4[%dma_wait3A_933, %dma_wait3A_934, %dma_wait3A_935] : memref<2x64x512xf32, #tpu.memory_space<vmem>> -> memref<1x64x512xf32, #tpu.memory_space<vmem>>
    %dma_wait3A_937 = tpu.memref_squeeze %dma_wait3A_936 : memref<1x64x512xf32, #tpu.memory_space<vmem>> -> memref<64x512xf32, #tpu.memory_space<vmem>>
    %dma_wait3A_938 = arith.constant 0 : i32
    %dma_wait3A_939 = tpu.memref_slice %arg2[%add3A_932, %dma_wait3A_938] : memref<65536x512xf32, #tpu.memory_space<hbm>> -> memref<64x512xf32, #tpu.memory_space<hbm>>
    %dma_wait3A_940 = arith.constant 0 : i32
    %dma_wait3A_941 = arith.constant 0 : i32
    %dma_wait3A_942 = tpu.memref_slice %arg4[%dma_wait3A_933, %dma_wait3A_940, %dma_wait3A_941] : memref<2x64x512xf32, #tpu.memory_space<vmem>> -> memref<1x64x512xf32, #tpu.memory_space<vmem>>
    %dma_wait3A_943 = tpu.memref_squeeze %dma_wait3A_942 : memref<1x64x512xf32, #tpu.memory_space<vmem>> -> memref<64x512xf32, #tpu.memory_space<vmem>>
    %dma_wait3A_944 = arith.constant 0 : i32
    %dma_wait3A_945 = tpu.memref_slice %arg2[%add3A_932, %dma_wait3A_944] : memref<65536x512xf32, #tpu.memory_space<hbm>> -> memref<64x512xf32, #tpu.memory_space<hbm>>
    tpu.wait_dma2 semaphore(%arg6 : memref<!tpu.dma_semaphore, #tpu.memory_space<semaphore_mem>>) src(%dma_wait3A_945 : memref<64x512xf32, #tpu.memory_space<hbm>>) dst(%dma_wait3A_943 : memref<64x512xf32, #tpu.memory_space<vmem>>)
    %add3A_946 = arith.constant 960 : i32
    %add3A_947 = arith.addi %mul3A_2, %add3A_946 : i32
    %dma_start3A_948 = arith.constant 1 : i32
    %dma_start3A_949 = arith.constant 0 : i32
    %dma_start3A_950 = arith.constant 0 : i32
    %dma_start3A_951 = tpu.memref_slice %arg4[%dma_start3A_948, %dma_start3A_949, %dma_start3A_950] : memref<2x64x512xf32, #tpu.memory_space<vmem>> -> memref<1x64x512xf32, #tpu.memory_space<vmem>>
    %dma_start3A_952 = tpu.memref_squeeze %dma_start3A_951 : memref<1x64x512xf32, #tpu.memory_space<vmem>> -> memref<64x512xf32, #tpu.memory_space<vmem>>
    %dma_start3A_953 = arith.constant 0 : i32
    %dma_start3A_954 = tpu.memref_slice %arg3[%add3A_947, %dma_start3A_953] : memref<65536x512xf32, #tpu.memory_space<hbm>> -> memref<64x512xf32, #tpu.memory_space<hbm>>
    %dma_start3A_955 = arith.constant 0 : i32
    %dma_start3A_956 = tpu.memref_slice %arg3[%add3A_947, %dma_start3A_955] : memref<65536x512xf32, #tpu.memory_space<hbm>> -> memref<64x512xf32, #tpu.memory_space<hbm>>
    %dma_start3A_957 = arith.constant 0 : i32
    %dma_start3A_958 = arith.constant 0 : i32
    %dma_start3A_959 = tpu.memref_slice %arg4[%dma_start3A_948, %dma_start3A_957, %dma_start3A_958] : memref<2x64x512xf32, #tpu.memory_space<vmem>> -> memref<1x64x512xf32, #tpu.memory_space<vmem>>
    %dma_start3A_960 = tpu.memref_squeeze %dma_start3A_959 : memref<1x64x512xf32, #tpu.memory_space<vmem>> -> memref<64x512xf32, #tpu.memory_space<vmem>>
    tpu.enqueue_dma source(%dma_start3A_960 : memref<64x512xf32, #tpu.memory_space<vmem>>) target(%dma_start3A_956 : memref<64x512xf32, #tpu.memory_space<hbm>>) target_semaphore(%arg8 : memref<!tpu.dma_semaphore, #tpu.memory_space<semaphore_mem>>)
    %add3A_961 = arith.constant 960 : i32
    %add3A_962 = arith.addi %mul3A_2, %add3A_961 : i32
    %dma_wait3A_963 = arith.constant 1 : i32
    %dma_wait3A_964 = arith.constant 0 : i32
    %dma_wait3A_965 = arith.constant 0 : i32
    %dma_wait3A_966 = tpu.memref_slice %arg4[%dma_wait3A_963, %dma_wait3A_964, %dma_wait3A_965] : memref<2x64x512xf32, #tpu.memory_space<vmem>> -> memref<1x64x512xf32, #tpu.memory_space<vmem>>
    %dma_wait3A_967 = tpu.memref_squeeze %dma_wait3A_966 : memref<1x64x512xf32, #tpu.memory_space<vmem>> -> memref<64x512xf32, #tpu.memory_space<vmem>>
    %dma_wait3A_968 = arith.constant 0 : i32
    %dma_wait3A_969 = tpu.memref_slice %arg3[%add3A_962, %dma_wait3A_968] : memref<65536x512xf32, #tpu.memory_space<hbm>> -> memref<64x512xf32, #tpu.memory_space<hbm>>
    %dma_wait3A_970 = arith.constant 0 : i32
    %dma_wait3A_971 = tpu.memref_slice %arg3[%add3A_962, %dma_wait3A_970] : memref<65536x512xf32, #tpu.memory_space<hbm>> -> memref<64x512xf32, #tpu.memory_space<hbm>>
    %dma_wait3A_972 = arith.constant 0 : i32
    %dma_wait3A_973 = arith.constant 0 : i32
    %dma_wait3A_974 = tpu.memref_slice %arg4[%dma_wait3A_963, %dma_wait3A_972, %dma_wait3A_973] : memref<2x64x512xf32, #tpu.memory_space<vmem>> -> memref<1x64x512xf32, #tpu.memory_space<vmem>>
    %dma_wait3A_975 = tpu.memref_squeeze %dma_wait3A_974 : memref<1x64x512xf32, #tpu.memory_space<vmem>> -> memref<64x512xf32, #tpu.memory_space<vmem>>
    tpu.wait_dma2 semaphore(%arg8 : memref<!tpu.dma_semaphore, #tpu.memory_space<semaphore_mem>>) src(%dma_wait3A_975 : memref<64x512xf32, #tpu.memory_space<vmem>>) dst(%dma_wait3A_971 : memref<64x512xf32, #tpu.memory_space<hbm>>)
    %add3A_976 = arith.constant 1088 : i32
    %add3A_977 = arith.addi %mul3A_2, %add3A_976 : i32
    %dma_start3A_978 = arith.constant 1 : i32
    %dma_start3A_979 = arith.constant 0 : i32
    %dma_start3A_980 = arith.constant 0 : i32
    %dma_start3A_981 = tpu.memref_slice %arg4[%dma_start3A_978, %dma_start3A_979, %dma_start3A_980] : memref<2x64x512xf32, #tpu.memory_space<vmem>> -> memref<1x64x512xf32, #tpu.memory_space<vmem>>
    %dma_start3A_982 = tpu.memref_squeeze %dma_start3A_981 : memref<1x64x512xf32, #tpu.memory_space<vmem>> -> memref<64x512xf32, #tpu.memory_space<vmem>>
    %dma_start3A_983 = arith.constant 0 : i32
    %dma_start3A_984 = tpu.memref_slice %arg2[%add3A_977, %dma_start3A_983] : memref<65536x512xf32, #tpu.memory_space<hbm>> -> memref<64x512xf32, #tpu.memory_space<hbm>>
    %dma_start3A_985 = arith.constant 0 : i32
    %dma_start3A_986 = arith.constant 0 : i32
    %dma_start3A_987 = tpu.memref_slice %arg4[%dma_start3A_978, %dma_start3A_985, %dma_start3A_986] : memref<2x64x512xf32, #tpu.memory_space<vmem>> -> memref<1x64x512xf32, #tpu.memory_space<vmem>>
    %dma_start3A_988 = tpu.memref_squeeze %dma_start3A_987 : memref<1x64x512xf32, #tpu.memory_space<vmem>> -> memref<64x512xf32, #tpu.memory_space<vmem>>
    %dma_start3A_989 = arith.constant 0 : i32
    %dma_start3A_990 = tpu.memref_slice %arg2[%add3A_977, %dma_start3A_989] : memref<65536x512xf32, #tpu.memory_space<hbm>> -> memref<64x512xf32, #tpu.memory_space<hbm>>
    tpu.enqueue_dma source(%dma_start3A_990 : memref<64x512xf32, #tpu.memory_space<hbm>>) target(%dma_start3A_988 : memref<64x512xf32, #tpu.memory_space<vmem>>) target_semaphore(%arg6 : memref<!tpu.dma_semaphore, #tpu.memory_space<semaphore_mem>>)
    %add3A_991 = arith.constant 1024 : i32
    %add3A_992 = arith.addi %mul3A_2, %add3A_991 : i32
    %dma_wait3A_993 = arith.constant 0 : i32
    %dma_wait3A_994 = arith.constant 0 : i32
    %dma_wait3A_995 = arith.constant 0 : i32
    %dma_wait3A_996 = tpu.memref_slice %arg4[%dma_wait3A_993, %dma_wait3A_994, %dma_wait3A_995] : memref<2x64x512xf32, #tpu.memory_space<vmem>> -> memref<1x64x512xf32, #tpu.memory_space<vmem>>
    %dma_wait3A_997 = tpu.memref_squeeze %dma_wait3A_996 : memref<1x64x512xf32, #tpu.memory_space<vmem>> -> memref<64x512xf32, #tpu.memory_space<vmem>>
    %dma_wait3A_998 = arith.constant 0 : i32
    %dma_wait3A_999 = tpu.memref_slice %arg2[%add3A_992, %dma_wait3A_998] : memref<65536x512xf32, #tpu.memory_space<hbm>> -> memref<64x512xf32, #tpu.memory_space<hbm>>
    %dma_wait3A_1000 = arith.constant 0 : i32
    %dma_wait3A_1001 = arith.constant 0 : i32
    %dma_wait3A_1002 = tpu.memref_slice %arg4[%dma_wait3A_993, %dma_wait3A_1000, %dma_wait3A_1001] : memref<2x64x512xf32, #tpu.memory_space<vmem>> -> memref<1x64x512xf32, #tpu.memory_space<vmem>>
    %dma_wait3A_1003 = tpu.memref_squeeze %dma_wait3A_1002 : memref<1x64x512xf32, #tpu.memory_space<vmem>> -> memref<64x512xf32, #tpu.memory_space<vmem>>
    %dma_wait3A_1004 = arith.constant 0 : i32
    %dma_wait3A_1005 = tpu.memref_slice %arg2[%add3A_992, %dma_wait3A_1004] : memref<65536x512xf32, #tpu.memory_space<hbm>> -> memref<64x512xf32, #tpu.memory_space<hbm>>
    tpu.wait_dma2 semaphore(%arg5 : memref<!tpu.dma_semaphore, #tpu.memory_space<semaphore_mem>>) src(%dma_wait3A_1005 : memref<64x512xf32, #tpu.memory_space<hbm>>) dst(%dma_wait3A_1003 : memref<64x512xf32, #tpu.memory_space<vmem>>)
    %add3A_1006 = arith.constant 1024 : i32
    %add3A_1007 = arith.addi %mul3A_2, %add3A_1006 : i32
    %dma_start3A_1008 = arith.constant 0 : i32
    %dma_start3A_1009 = arith.constant 0 : i32
    %dma_start3A_1010 = arith.constant 0 : i32
    %dma_start3A_1011 = tpu.memref_slice %arg4[%dma_start3A_1008, %dma_start3A_1009, %dma_start3A_1010] : memref<2x64x512xf32, #tpu.memory_space<vmem>> -> memref<1x64x512xf32, #tpu.memory_space<vmem>>
    %dma_start3A_1012 = tpu.memref_squeeze %dma_start3A_1011 : memref<1x64x512xf32, #tpu.memory_space<vmem>> -> memref<64x512xf32, #tpu.memory_space<vmem>>
    %dma_start3A_1013 = arith.constant 0 : i32
    %dma_start3A_1014 = tpu.memref_slice %arg3[%add3A_1007, %dma_start3A_1013] : memref<65536x512xf32, #tpu.memory_space<hbm>> -> memref<64x512xf32, #tpu.memory_space<hbm>>
    %dma_start3A_1015 = arith.constant 0 : i32
    %dma_start3A_1016 = tpu.memref_slice %arg3[%add3A_1007, %dma_start3A_1015] : memref<65536x512xf32, #tpu.memory_space<hbm>> -> memref<64x512xf32, #tpu.memory_space<hbm>>
    %dma_start3A_1017 = arith.constant 0 : i32
    %dma_start3A_1018 = arith.constant 0 : i32
    %dma_start3A_1019 = tpu.memref_slice %arg4[%dma_start3A_1008, %dma_start3A_1017, %dma_start3A_1018] : memref<2x64x512xf32, #tpu.memory_space<vmem>> -> memref<1x64x512xf32, #tpu.memory_space<vmem>>
    %dma_start3A_1020 = tpu.memref_squeeze %dma_start3A_1019 : memref<1x64x512xf32, #tpu.memory_space<vmem>> -> memref<64x512xf32, #tpu.memory_space<vmem>>
    tpu.enqueue_dma source(%dma_start3A_1020 : memref<64x512xf32, #tpu.memory_space<vmem>>) target(%dma_start3A_1016 : memref<64x512xf32, #tpu.memory_space<hbm>>) target_semaphore(%arg7 : memref<!tpu.dma_semaphore, #tpu.memory_space<semaphore_mem>>)
    %add3A_1021 = arith.constant 1024 : i32
    %add3A_1022 = arith.addi %mul3A_2, %add3A_1021 : i32
    %dma_wait3A_1023 = arith.constant 0 : i32
    %dma_wait3A_1024 = arith.constant 0 : i32
    %dma_wait3A_1025 = arith.constant 0 : i32
    %dma_wait3A_1026 = tpu.memref_slice %arg4[%dma_wait3A_1023, %dma_wait3A_1024, %dma_wait3A_1025] : memref<2x64x512xf32, #tpu.memory_space<vmem>> -> memref<1x64x512xf32, #tpu.memory_space<vmem>>
    %dma_wait3A_1027 = tpu.memref_squeeze %dma_wait3A_1026 : memref<1x64x512xf32, #tpu.memory_space<vmem>> -> memref<64x512xf32, #tpu.memory_space<vmem>>
    %dma_wait3A_1028 = arith.constant 0 : i32
    %dma_wait3A_1029 = tpu.memref_slice %arg3[%add3A_1022, %dma_wait3A_1028] : memref<65536x512xf32, #tpu.memory_space<hbm>> -> memref<64x512xf32, #tpu.memory_space<hbm>>
    %dma_wait3A_1030 = arith.constant 0 : i32
    %dma_wait3A_1031 = tpu.memref_slice %arg3[%add3A_1022, %dma_wait3A_1030] : memref<65536x512xf32, #tpu.memory_space<hbm>> -> memref<64x512xf32, #tpu.memory_space<hbm>>
    %dma_wait3A_1032 = arith.constant 0 : i32
    %dma_wait3A_1033 = arith.constant 0 : i32
    %dma_wait3A_1034 = tpu.memref_slice %arg4[%dma_wait3A_1023, %dma_wait3A_1032, %dma_wait3A_1033] : memref<2x64x512xf32, #tpu.memory_space<vmem>> -> memref<1x64x512xf32, #tpu.memory_space<vmem>>
    %dma_wait3A_1035 = tpu.memref_squeeze %dma_wait3A_1034 : memref<1x64x512xf32, #tpu.memory_space<vmem>> -> memref<64x512xf32, #tpu.memory_space<vmem>>
    tpu.wait_dma2 semaphore(%arg7 : memref<!tpu.dma_semaphore, #tpu.memory_space<semaphore_mem>>) src(%dma_wait3A_1035 : memref<64x512xf32, #tpu.memory_space<vmem>>) dst(%dma_wait3A_1031 : memref<64x512xf32, #tpu.memory_space<hbm>>)
    %add3A_1036 = arith.constant 1152 : i32
    %add3A_1037 = arith.addi %mul3A_2, %add3A_1036 : i32
    %dma_start3A_1038 = arith.constant 0 : i32
    %dma_start3A_1039 = arith.constant 0 : i32
    %dma_start3A_1040 = arith.constant 0 : i32
    %dma_start3A_1041 = tpu.memref_slice %arg4[%dma_start3A_1038, %dma_start3A_1039, %dma_start3A_1040] : memref<2x64x512xf32, #tpu.memory_space<vmem>> -> memref<1x64x512xf32, #tpu.memory_space<vmem>>
    %dma_start3A_1042 = tpu.memref_squeeze %dma_start3A_1041 : memref<1x64x512xf32, #tpu.memory_space<vmem>> -> memref<64x512xf32, #tpu.memory_space<vmem>>
    %dma_start3A_1043 = arith.constant 0 : i32
    %dma_start3A_1044 = tpu.memref_slice %arg2[%add3A_1037, %dma_start3A_1043] : memref<65536x512xf32, #tpu.memory_space<hbm>> -> memref<64x512xf32, #tpu.memory_space<hbm>>
    %dma_start3A_1045 = arith.constant 0 : i32
    %dma_start3A_1046 = arith.constant 0 : i32
    %dma_start3A_1047 = tpu.memref_slice %arg4[%dma_start3A_1038, %dma_start3A_1045, %dma_start3A_1046] : memref<2x64x512xf32, #tpu.memory_space<vmem>> -> memref<1x64x512xf32, #tpu.memory_space<vmem>>
    %dma_start3A_1048 = tpu.memref_squeeze %dma_start3A_1047 : memref<1x64x512xf32, #tpu.memory_space<vmem>> -> memref<64x512xf32, #tpu.memory_space<vmem>>
    %dma_start3A_1049 = arith.constant 0 : i32
    %dma_start3A_1050 = tpu.memref_slice %arg2[%add3A_1037, %dma_start3A_1049] : memref<65536x512xf32, #tpu.memory_space<hbm>> -> memref<64x512xf32, #tpu.memory_space<hbm>>
    tpu.enqueue_dma source(%dma_start3A_1050 : memref<64x512xf32, #tpu.memory_space<hbm>>) target(%dma_start3A_1048 : memref<64x512xf32, #tpu.memory_space<vmem>>) target_semaphore(%arg5 : memref<!tpu.dma_semaphore, #tpu.memory_space<semaphore_mem>>)
    %add3A_1051 = arith.constant 1088 : i32
    %add3A_1052 = arith.addi %mul3A_2, %add3A_1051 : i32
    %dma_wait3A_1053 = arith.constant 1 : i32
    %dma_wait3A_1054 = arith.constant 0 : i32
    %dma_wait3A_1055 = arith.constant 0 : i32
    %dma_wait3A_1056 = tpu.memref_slice %arg4[%dma_wait3A_1053, %dma_wait3A_1054, %dma_wait3A_1055] : memref<2x64x512xf32, #tpu.memory_space<vmem>> -> memref<1x64x512xf32, #tpu.memory_space<vmem>>
    %dma_wait3A_1057 = tpu.memref_squeeze %dma_wait3A_1056 : memref<1x64x512xf32, #tpu.memory_space<vmem>> -> memref<64x512xf32, #tpu.memory_space<vmem>>
    %dma_wait3A_1058 = arith.constant 0 : i32
    %dma_wait3A_1059 = tpu.memref_slice %arg2[%add3A_1052, %dma_wait3A_1058] : memref<65536x512xf32, #tpu.memory_space<hbm>> -> memref<64x512xf32, #tpu.memory_space<hbm>>
    %dma_wait3A_1060 = arith.constant 0 : i32
    %dma_wait3A_1061 = arith.constant 0 : i32
    %dma_wait3A_1062 = tpu.memref_slice %arg4[%dma_wait3A_1053, %dma_wait3A_1060, %dma_wait3A_1061] : memref<2x64x512xf32, #tpu.memory_space<vmem>> -> memref<1x64x512xf32, #tpu.memory_space<vmem>>
    %dma_wait3A_1063 = tpu.memref_squeeze %dma_wait3A_1062 : memref<1x64x512xf32, #tpu.memory_space<vmem>> -> memref<64x512xf32, #tpu.memory_space<vmem>>
    %dma_wait3A_1064 = arith.constant 0 : i32
    %dma_wait3A_1065 = tpu.memref_slice %arg2[%add3A_1052, %dma_wait3A_1064] : memref<65536x512xf32, #tpu.memory_space<hbm>> -> memref<64x512xf32, #tpu.memory_space<hbm>>
    tpu.wait_dma2 semaphore(%arg6 : memref<!tpu.dma_semaphore, #tpu.memory_space<semaphore_mem>>) src(%dma_wait3A_1065 : memref<64x512xf32, #tpu.memory_space<hbm>>) dst(%dma_wait3A_1063 : memref<64x512xf32, #tpu.memory_space<vmem>>)
    %add3A_1066 = arith.constant 1088 : i32
    %add3A_1067 = arith.addi %mul3A_2, %add3A_1066 : i32
    %dma_start3A_1068 = arith.constant 1 : i32
    %dma_start3A_1069 = arith.constant 0 : i32
    %dma_start3A_1070 = arith.constant 0 : i32
    %dma_start3A_1071 = tpu.memref_slice %arg4[%dma_start3A_1068, %dma_start3A_1069, %dma_start3A_1070] : memref<2x64x512xf32, #tpu.memory_space<vmem>> -> memref<1x64x512xf32, #tpu.memory_space<vmem>>
    %dma_start3A_1072 = tpu.memref_squeeze %dma_start3A_1071 : memref<1x64x512xf32, #tpu.memory_space<vmem>> -> memref<64x512xf32, #tpu.memory_space<vmem>>
    %dma_start3A_1073 = arith.constant 0 : i32
    %dma_start3A_1074 = tpu.memref_slice %arg3[%add3A_1067, %dma_start3A_1073] : memref<65536x512xf32, #tpu.memory_space<hbm>> -> memref<64x512xf32, #tpu.memory_space<hbm>>
    %dma_start3A_1075 = arith.constant 0 : i32
    %dma_start3A_1076 = tpu.memref_slice %arg3[%add3A_1067, %dma_start3A_1075] : memref<65536x512xf32, #tpu.memory_space<hbm>> -> memref<64x512xf32, #tpu.memory_space<hbm>>
    %dma_start3A_1077 = arith.constant 0 : i32
    %dma_start3A_1078 = arith.constant 0 : i32
    %dma_start3A_1079 = tpu.memref_slice %arg4[%dma_start3A_1068, %dma_start3A_1077, %dma_start3A_1078] : memref<2x64x512xf32, #tpu.memory_space<vmem>> -> memref<1x64x512xf32, #tpu.memory_space<vmem>>
    %dma_start3A_1080 = tpu.memref_squeeze %dma_start3A_1079 : memref<1x64x512xf32, #tpu.memory_space<vmem>> -> memref<64x512xf32, #tpu.memory_space<vmem>>
    tpu.enqueue_dma source(%dma_start3A_1080 : memref<64x512xf32, #tpu.memory_space<vmem>>) target(%dma_start3A_1076 : memref<64x512xf32, #tpu.memory_space<hbm>>) target_semaphore(%arg8 : memref<!tpu.dma_semaphore, #tpu.memory_space<semaphore_mem>>)
    %add3A_1081 = arith.constant 1088 : i32
    %add3A_1082 = arith.addi %mul3A_2, %add3A_1081 : i32
    %dma_wait3A_1083 = arith.constant 1 : i32
    %dma_wait3A_1084 = arith.constant 0 : i32
    %dma_wait3A_1085 = arith.constant 0 : i32
    %dma_wait3A_1086 = tpu.memref_slice %arg4[%dma_wait3A_1083, %dma_wait3A_1084, %dma_wait3A_1085] : memref<2x64x512xf32, #tpu.memory_space<vmem>> -> memref<1x64x512xf32, #tpu.memory_space<vmem>>
    %dma_wait3A_1087 = tpu.memref_squeeze %dma_wait3A_1086 : memref<1x64x512xf32, #tpu.memory_space<vmem>> -> memref<64x512xf32, #tpu.memory_space<vmem>>
    %dma_wait3A_1088 = arith.constant 0 : i32
    %dma_wait3A_1089 = tpu.memref_slice %arg3[%add3A_1082, %dma_wait3A_1088] : memref<65536x512xf32, #tpu.memory_space<hbm>> -> memref<64x512xf32, #tpu.memory_space<hbm>>
    %dma_wait3A_1090 = arith.constant 0 : i32
    %dma_wait3A_1091 = tpu.memref_slice %arg3[%add3A_1082, %dma_wait3A_1090] : memref<65536x512xf32, #tpu.memory_space<hbm>> -> memref<64x512xf32, #tpu.memory_space<hbm>>
    %dma_wait3A_1092 = arith.constant 0 : i32
    %dma_wait3A_1093 = arith.constant 0 : i32
    %dma_wait3A_1094 = tpu.memref_slice %arg4[%dma_wait3A_1083, %dma_wait3A_1092, %dma_wait3A_1093] : memref<2x64x512xf32, #tpu.memory_space<vmem>> -> memref<1x64x512xf32, #tpu.memory_space<vmem>>
    %dma_wait3A_1095 = tpu.memref_squeeze %dma_wait3A_1094 : memref<1x64x512xf32, #tpu.memory_space<vmem>> -> memref<64x512xf32, #tpu.memory_space<vmem>>
    tpu.wait_dma2 semaphore(%arg8 : memref<!tpu.dma_semaphore, #tpu.memory_space<semaphore_mem>>) src(%dma_wait3A_1095 : memref<64x512xf32, #tpu.memory_space<vmem>>) dst(%dma_wait3A_1091 : memref<64x512xf32, #tpu.memory_space<hbm>>)
    %add3A_1096 = arith.constant 1216 : i32
    %add3A_1097 = arith.addi %mul3A_2, %add3A_1096 : i32
    %dma_start3A_1098 = arith.constant 1 : i32
    %dma_start3A_1099 = arith.constant 0 : i32
    %dma_start3A_1100 = arith.constant 0 : i32
    %dma_start3A_1101 = tpu.memref_slice %arg4[%dma_start3A_1098, %dma_start3A_1099, %dma_start3A_1100] : memref<2x64x512xf32, #tpu.memory_space<vmem>> -> memref<1x64x512xf32, #tpu.memory_space<vmem>>
    %dma_start3A_1102 = tpu.memref_squeeze %dma_start3A_1101 : memref<1x64x512xf32, #tpu.memory_space<vmem>> -> memref<64x512xf32, #tpu.memory_space<vmem>>
    %dma_start3A_1103 = arith.constant 0 : i32
    %dma_start3A_1104 = tpu.memref_slice %arg2[%add3A_1097, %dma_start3A_1103] : memref<65536x512xf32, #tpu.memory_space<hbm>> -> memref<64x512xf32, #tpu.memory_space<hbm>>
    %dma_start3A_1105 = arith.constant 0 : i32
    %dma_start3A_1106 = arith.constant 0 : i32
    %dma_start3A_1107 = tpu.memref_slice %arg4[%dma_start3A_1098, %dma_start3A_1105, %dma_start3A_1106] : memref<2x64x512xf32, #tpu.memory_space<vmem>> -> memref<1x64x512xf32, #tpu.memory_space<vmem>>
    %dma_start3A_1108 = tpu.memref_squeeze %dma_start3A_1107 : memref<1x64x512xf32, #tpu.memory_space<vmem>> -> memref<64x512xf32, #tpu.memory_space<vmem>>
    %dma_start3A_1109 = arith.constant 0 : i32
    %dma_start3A_1110 = tpu.memref_slice %arg2[%add3A_1097, %dma_start3A_1109] : memref<65536x512xf32, #tpu.memory_space<hbm>> -> memref<64x512xf32, #tpu.memory_space<hbm>>
    tpu.enqueue_dma source(%dma_start3A_1110 : memref<64x512xf32, #tpu.memory_space<hbm>>) target(%dma_start3A_1108 : memref<64x512xf32, #tpu.memory_space<vmem>>) target_semaphore(%arg6 : memref<!tpu.dma_semaphore, #tpu.memory_space<semaphore_mem>>)
    %add3A_1111 = arith.constant 1152 : i32
    %add3A_1112 = arith.addi %mul3A_2, %add3A_1111 : i32
    %dma_wait3A_1113 = arith.constant 0 : i32
    %dma_wait3A_1114 = arith.constant 0 : i32
    %dma_wait3A_1115 = arith.constant 0 : i32
    %dma_wait3A_1116 = tpu.memref_slice %arg4[%dma_wait3A_1113, %dma_wait3A_1114, %dma_wait3A_1115] : memref<2x64x512xf32, #tpu.memory_space<vmem>> -> memref<1x64x512xf32, #tpu.memory_space<vmem>>
    %dma_wait3A_1117 = tpu.memref_squeeze %dma_wait3A_1116 : memref<1x64x512xf32, #tpu.memory_space<vmem>> -> memref<64x512xf32, #tpu.memory_space<vmem>>
    %dma_wait3A_1118 = arith.constant 0 : i32
    %dma_wait3A_1119 = tpu.memref_slice %arg2[%add3A_1112, %dma_wait3A_1118] : memref<65536x512xf32, #tpu.memory_space<hbm>> -> memref<64x512xf32, #tpu.memory_space<hbm>>
    %dma_wait3A_1120 = arith.constant 0 : i32
    %dma_wait3A_1121 = arith.constant 0 : i32
    %dma_wait3A_1122 = tpu.memref_slice %arg4[%dma_wait3A_1113, %dma_wait3A_1120, %dma_wait3A_1121] : memref<2x64x512xf32, #tpu.memory_space<vmem>> -> memref<1x64x512xf32, #tpu.memory_space<vmem>>
    %dma_wait3A_1123 = tpu.memref_squeeze %dma_wait3A_1122 : memref<1x64x512xf32, #tpu.memory_space<vmem>> -> memref<64x512xf32, #tpu.memory_space<vmem>>
    %dma_wait3A_1124 = arith.constant 0 : i32
    %dma_wait3A_1125 = tpu.memref_slice %arg2[%add3A_1112, %dma_wait3A_1124] : memref<65536x512xf32, #tpu.memory_space<hbm>> -> memref<64x512xf32, #tpu.memory_space<hbm>>
    tpu.wait_dma2 semaphore(%arg5 : memref<!tpu.dma_semaphore, #tpu.memory_space<semaphore_mem>>) src(%dma_wait3A_1125 : memref<64x512xf32, #tpu.memory_space<hbm>>) dst(%dma_wait3A_1123 : memref<64x512xf32, #tpu.memory_space<vmem>>)
    %add3A_1126 = arith.constant 1152 : i32
    %add3A_1127 = arith.addi %mul3A_2, %add3A_1126 : i32
    %dma_start3A_1128 = arith.constant 0 : i32
    %dma_start3A_1129 = arith.constant 0 : i32
    %dma_start3A_1130 = arith.constant 0 : i32
    %dma_start3A_1131 = tpu.memref_slice %arg4[%dma_start3A_1128, %dma_start3A_1129, %dma_start3A_1130] : memref<2x64x512xf32, #tpu.memory_space<vmem>> -> memref<1x64x512xf32, #tpu.memory_space<vmem>>
    %dma_start3A_1132 = tpu.memref_squeeze %dma_start3A_1131 : memref<1x64x512xf32, #tpu.memory_space<vmem>> -> memref<64x512xf32, #tpu.memory_space<vmem>>
    %dma_start3A_1133 = arith.constant 0 : i32
    %dma_start3A_1134 = tpu.memref_slice %arg3[%add3A_1127, %dma_start3A_1133] : memref<65536x512xf32, #tpu.memory_space<hbm>> -> memref<64x512xf32, #tpu.memory_space<hbm>>
    %dma_start3A_1135 = arith.constant 0 : i32
    %dma_start3A_1136 = tpu.memref_slice %arg3[%add3A_1127, %dma_start3A_1135] : memref<65536x512xf32, #tpu.memory_space<hbm>> -> memref<64x512xf32, #tpu.memory_space<hbm>>
    %dma_start3A_1137 = arith.constant 0 : i32
    %dma_start3A_1138 = arith.constant 0 : i32
    %dma_start3A_1139 = tpu.memref_slice %arg4[%dma_start3A_1128, %dma_start3A_1137, %dma_start3A_1138] : memref<2x64x512xf32, #tpu.memory_space<vmem>> -> memref<1x64x512xf32, #tpu.memory_space<vmem>>
    %dma_start3A_1140 = tpu.memref_squeeze %dma_start3A_1139 : memref<1x64x512xf32, #tpu.memory_space<vmem>> -> memref<64x512xf32, #tpu.memory_space<vmem>>
    tpu.enqueue_dma source(%dma_start3A_1140 : memref<64x512xf32, #tpu.memory_space<vmem>>) target(%dma_start3A_1136 : memref<64x512xf32, #tpu.memory_space<hbm>>) target_semaphore(%arg7 : memref<!tpu.dma_semaphore, #tpu.memory_space<semaphore_mem>>)
    %add3A_1141 = arith.constant 1152 : i32
    %add3A_1142 = arith.addi %mul3A_2, %add3A_1141 : i32
    %dma_wait3A_1143 = arith.constant 0 : i32
    %dma_wait3A_1144 = arith.constant 0 : i32
    %dma_wait3A_1145 = arith.constant 0 : i32
    %dma_wait3A_1146 = tpu.memref_slice %arg4[%dma_wait3A_1143, %dma_wait3A_1144, %dma_wait3A_1145] : memref<2x64x512xf32, #tpu.memory_space<vmem>> -> memref<1x64x512xf32, #tpu.memory_space<vmem>>
    %dma_wait3A_1147 = tpu.memref_squeeze %dma_wait3A_1146 : memref<1x64x512xf32, #tpu.memory_space<vmem>> -> memref<64x512xf32, #tpu.memory_space<vmem>>
    %dma_wait3A_1148 = arith.constant 0 : i32
    %dma_wait3A_1149 = tpu.memref_slice %arg3[%add3A_1142, %dma_wait3A_1148] : memref<65536x512xf32, #tpu.memory_space<hbm>> -> memref<64x512xf32, #tpu.memory_space<hbm>>
    %dma_wait3A_1150 = arith.constant 0 : i32
    %dma_wait3A_1151 = tpu.memref_slice %arg3[%add3A_1142, %dma_wait3A_1150] : memref<65536x512xf32, #tpu.memory_space<hbm>> -> memref<64x512xf32, #tpu.memory_space<hbm>>
    %dma_wait3A_1152 = arith.constant 0 : i32
    %dma_wait3A_1153 = arith.constant 0 : i32
    %dma_wait3A_1154 = tpu.memref_slice %arg4[%dma_wait3A_1143, %dma_wait3A_1152, %dma_wait3A_1153] : memref<2x64x512xf32, #tpu.memory_space<vmem>> -> memref<1x64x512xf32, #tpu.memory_space<vmem>>
    %dma_wait3A_1155 = tpu.memref_squeeze %dma_wait3A_1154 : memref<1x64x512xf32, #tpu.memory_space<vmem>> -> memref<64x512xf32, #tpu.memory_space<vmem>>
    tpu.wait_dma2 semaphore(%arg7 : memref<!tpu.dma_semaphore, #tpu.memory_space<semaphore_mem>>) src(%dma_wait3A_1155 : memref<64x512xf32, #tpu.memory_space<vmem>>) dst(%dma_wait3A_1151 : memref<64x512xf32, #tpu.memory_space<hbm>>)
    %add3A_1156 = arith.constant 1280 : i32
    %add3A_1157 = arith.addi %mul3A_2, %add3A_1156 : i32
    %dma_start3A_1158 = arith.constant 0 : i32
    %dma_start3A_1159 = arith.constant 0 : i32
    %dma_start3A_1160 = arith.constant 0 : i32
    %dma_start3A_1161 = tpu.memref_slice %arg4[%dma_start3A_1158, %dma_start3A_1159, %dma_start3A_1160] : memref<2x64x512xf32, #tpu.memory_space<vmem>> -> memref<1x64x512xf32, #tpu.memory_space<vmem>>
    %dma_start3A_1162 = tpu.memref_squeeze %dma_start3A_1161 : memref<1x64x512xf32, #tpu.memory_space<vmem>> -> memref<64x512xf32, #tpu.memory_space<vmem>>
    %dma_start3A_1163 = arith.constant 0 : i32
    %dma_start3A_1164 = tpu.memref_slice %arg2[%add3A_1157, %dma_start3A_1163] : memref<65536x512xf32, #tpu.memory_space<hbm>> -> memref<64x512xf32, #tpu.memory_space<hbm>>
    %dma_start3A_1165 = arith.constant 0 : i32
    %dma_start3A_1166 = arith.constant 0 : i32
    %dma_start3A_1167 = tpu.memref_slice %arg4[%dma_start3A_1158, %dma_start3A_1165, %dma_start3A_1166] : memref<2x64x512xf32, #tpu.memory_space<vmem>> -> memref<1x64x512xf32, #tpu.memory_space<vmem>>
    %dma_start3A_1168 = tpu.memref_squeeze %dma_start3A_1167 : memref<1x64x512xf32, #tpu.memory_space<vmem>> -> memref<64x512xf32, #tpu.memory_space<vmem>>
    %dma_start3A_1169 = arith.constant 0 : i32
    %dma_start3A_1170 = tpu.memref_slice %arg2[%add3A_1157, %dma_start3A_1169] : memref<65536x512xf32, #tpu.memory_space<hbm>> -> memref<64x512xf32, #tpu.memory_space<hbm>>
    tpu.enqueue_dma source(%dma_start3A_1170 : memref<64x512xf32, #tpu.memory_space<hbm>>) target(%dma_start3A_1168 : memref<64x512xf32, #tpu.memory_space<vmem>>) target_semaphore(%arg5 : memref<!tpu.dma_semaphore, #tpu.memory_space<semaphore_mem>>)
    %add3A_1171 = arith.constant 1216 : i32
    %add3A_1172 = arith.addi %mul3A_2, %add3A_1171 : i32
    %dma_wait3A_1173 = arith.constant 1 : i32
    %dma_wait3A_1174 = arith.constant 0 : i32
    %dma_wait3A_1175 = arith.constant 0 : i32
    %dma_wait3A_1176 = tpu.memref_slice %arg4[%dma_wait3A_1173, %dma_wait3A_1174, %dma_wait3A_1175] : memref<2x64x512xf32, #tpu.memory_space<vmem>> -> memref<1x64x512xf32, #tpu.memory_space<vmem>>
    %dma_wait3A_1177 = tpu.memref_squeeze %dma_wait3A_1176 : memref<1x64x512xf32, #tpu.memory_space<vmem>> -> memref<64x512xf32, #tpu.memory_space<vmem>>
    %dma_wait3A_1178 = arith.constant 0 : i32
    %dma_wait3A_1179 = tpu.memref_slice %arg2[%add3A_1172, %dma_wait3A_1178] : memref<65536x512xf32, #tpu.memory_space<hbm>> -> memref<64x512xf32, #tpu.memory_space<hbm>>
    %dma_wait3A_1180 = arith.constant 0 : i32
    %dma_wait3A_1181 = arith.constant 0 : i32
    %dma_wait3A_1182 = tpu.memref_slice %arg4[%dma_wait3A_1173, %dma_wait3A_1180, %dma_wait3A_1181] : memref<2x64x512xf32, #tpu.memory_space<vmem>> -> memref<1x64x512xf32, #tpu.memory_space<vmem>>
    %dma_wait3A_1183 = tpu.memref_squeeze %dma_wait3A_1182 : memref<1x64x512xf32, #tpu.memory_space<vmem>> -> memref<64x512xf32, #tpu.memory_space<vmem>>
    %dma_wait3A_1184 = arith.constant 0 : i32
    %dma_wait3A_1185 = tpu.memref_slice %arg2[%add3A_1172, %dma_wait3A_1184] : memref<65536x512xf32, #tpu.memory_space<hbm>> -> memref<64x512xf32, #tpu.memory_space<hbm>>
    tpu.wait_dma2 semaphore(%arg6 : memref<!tpu.dma_semaphore, #tpu.memory_space<semaphore_mem>>) src(%dma_wait3A_1185 : memref<64x512xf32, #tpu.memory_space<hbm>>) dst(%dma_wait3A_1183 : memref<64x512xf32, #tpu.memory_space<vmem>>)
    %add3A_1186 = arith.constant 1216 : i32
    %add3A_1187 = arith.addi %mul3A_2, %add3A_1186 : i32
    %dma_start3A_1188 = arith.constant 1 : i32
    %dma_start3A_1189 = arith.constant 0 : i32
    %dma_start3A_1190 = arith.constant 0 : i32
    %dma_start3A_1191 = tpu.memref_slice %arg4[%dma_start3A_1188, %dma_start3A_1189, %dma_start3A_1190] : memref<2x64x512xf32, #tpu.memory_space<vmem>> -> memref<1x64x512xf32, #tpu.memory_space<vmem>>
    %dma_start3A_1192 = tpu.memref_squeeze %dma_start3A_1191 : memref<1x64x512xf32, #tpu.memory_space<vmem>> -> memref<64x512xf32, #tpu.memory_space<vmem>>
    %dma_start3A_1193 = arith.constant 0 : i32
    %dma_start3A_1194 = tpu.memref_slice %arg3[%add3A_1187, %dma_start3A_1193] : memref<65536x512xf32, #tpu.memory_space<hbm>> -> memref<64x512xf32, #tpu.memory_space<hbm>>
    %dma_start3A_1195 = arith.constant 0 : i32
    %dma_start3A_1196 = tpu.memref_slice %arg3[%add3A_1187, %dma_start3A_1195] : memref<65536x512xf32, #tpu.memory_space<hbm>> -> memref<64x512xf32, #tpu.memory_space<hbm>>
    %dma_start3A_1197 = arith.constant 0 : i32
    %dma_start3A_1198 = arith.constant 0 : i32
    %dma_start3A_1199 = tpu.memref_slice %arg4[%dma_start3A_1188, %dma_start3A_1197, %dma_start3A_1198] : memref<2x64x512xf32, #tpu.memory_space<vmem>> -> memref<1x64x512xf32, #tpu.memory_space<vmem>>
    %dma_start3A_1200 = tpu.memref_squeeze %dma_start3A_1199 : memref<1x64x512xf32, #tpu.memory_space<vmem>> -> memref<64x512xf32, #tpu.memory_space<vmem>>
    tpu.enqueue_dma source(%dma_start3A_1200 : memref<64x512xf32, #tpu.memory_space<vmem>>) target(%dma_start3A_1196 : memref<64x512xf32, #tpu.memory_space<hbm>>) target_semaphore(%arg8 : memref<!tpu.dma_semaphore, #tpu.memory_space<semaphore_mem>>)
    %add3A_1201 = arith.constant 1216 : i32
    %add3A_1202 = arith.addi %mul3A_2, %add3A_1201 : i32
    %dma_wait3A_1203 = arith.constant 1 : i32
    %dma_wait3A_1204 = arith.constant 0 : i32
    %dma_wait3A_1205 = arith.constant 0 : i32
    %dma_wait3A_1206 = tpu.memref_slice %arg4[%dma_wait3A_1203, %dma_wait3A_1204, %dma_wait3A_1205] : memref<2x64x512xf32, #tpu.memory_space<vmem>> -> memref<1x64x512xf32, #tpu.memory_space<vmem>>
    %dma_wait3A_1207 = tpu.memref_squeeze %dma_wait3A_1206 : memref<1x64x512xf32, #tpu.memory_space<vmem>> -> memref<64x512xf32, #tpu.memory_space<vmem>>
    %dma_wait3A_1208 = arith.constant 0 : i32
    %dma_wait3A_1209 = tpu.memref_slice %arg3[%add3A_1202, %dma_wait3A_1208] : memref<65536x512xf32, #tpu.memory_space<hbm>> -> memref<64x512xf32, #tpu.memory_space<hbm>>
    %dma_wait3A_1210 = arith.constant 0 : i32
    %dma_wait3A_1211 = tpu.memref_slice %arg3[%add3A_1202, %dma_wait3A_1210] : memref<65536x512xf32, #tpu.memory_space<hbm>> -> memref<64x512xf32, #tpu.memory_space<hbm>>
    %dma_wait3A_1212 = arith.constant 0 : i32
    %dma_wait3A_1213 = arith.constant 0 : i32
    %dma_wait3A_1214 = tpu.memref_slice %arg4[%dma_wait3A_1203, %dma_wait3A_1212, %dma_wait3A_1213] : memref<2x64x512xf32, #tpu.memory_space<vmem>> -> memref<1x64x512xf32, #tpu.memory_space<vmem>>
    %dma_wait3A_1215 = tpu.memref_squeeze %dma_wait3A_1214 : memref<1x64x512xf32, #tpu.memory_space<vmem>> -> memref<64x512xf32, #tpu.memory_space<vmem>>
    tpu.wait_dma2 semaphore(%arg8 : memref<!tpu.dma_semaphore, #tpu.memory_space<semaphore_mem>>) src(%dma_wait3A_1215 : memref<64x512xf32, #tpu.memory_space<vmem>>) dst(%dma_wait3A_1211 : memref<64x512xf32, #tpu.memory_space<hbm>>)
    %add3A_1216 = arith.constant 1344 : i32
    %add3A_1217 = arith.addi %mul3A_2, %add3A_1216 : i32
    %dma_start3A_1218 = arith.constant 1 : i32
    %dma_start3A_1219 = arith.constant 0 : i32
    %dma_start3A_1220 = arith.constant 0 : i32
    %dma_start3A_1221 = tpu.memref_slice %arg4[%dma_start3A_1218, %dma_start3A_1219, %dma_start3A_1220] : memref<2x64x512xf32, #tpu.memory_space<vmem>> -> memref<1x64x512xf32, #tpu.memory_space<vmem>>
    %dma_start3A_1222 = tpu.memref_squeeze %dma_start3A_1221 : memref<1x64x512xf32, #tpu.memory_space<vmem>> -> memref<64x512xf32, #tpu.memory_space<vmem>>
    %dma_start3A_1223 = arith.constant 0 : i32
    %dma_start3A_1224 = tpu.memref_slice %arg2[%add3A_1217, %dma_start3A_1223] : memref<65536x512xf32, #tpu.memory_space<hbm>> -> memref<64x512xf32, #tpu.memory_space<hbm>>
    %dma_start3A_1225 = arith.constant 0 : i32
    %dma_start3A_1226 = arith.constant 0 : i32
    %dma_start3A_1227 = tpu.memref_slice %arg4[%dma_start3A_1218, %dma_start3A_1225, %dma_start3A_1226] : memref<2x64x512xf32, #tpu.memory_space<vmem>> -> memref<1x64x512xf32, #tpu.memory_space<vmem>>
    %dma_start3A_1228 = tpu.memref_squeeze %dma_start3A_1227 : memref<1x64x512xf32, #tpu.memory_space<vmem>> -> memref<64x512xf32, #tpu.memory_space<vmem>>
    %dma_start3A_1229 = arith.constant 0 : i32
    %dma_start3A_1230 = tpu.memref_slice %arg2[%add3A_1217, %dma_start3A_1229] : memref<65536x512xf32, #tpu.memory_space<hbm>> -> memref<64x512xf32, #tpu.memory_space<hbm>>
    tpu.enqueue_dma source(%dma_start3A_1230 : memref<64x512xf32, #tpu.memory_space<hbm>>) target(%dma_start3A_1228 : memref<64x512xf32, #tpu.memory_space<vmem>>) target_semaphore(%arg6 : memref<!tpu.dma_semaphore, #tpu.memory_space<semaphore_mem>>)
    %add3A_1231 = arith.constant 1280 : i32
    %add3A_1232 = arith.addi %mul3A_2, %add3A_1231 : i32
    %dma_wait3A_1233 = arith.constant 0 : i32
    %dma_wait3A_1234 = arith.constant 0 : i32
    %dma_wait3A_1235 = arith.constant 0 : i32
    %dma_wait3A_1236 = tpu.memref_slice %arg4[%dma_wait3A_1233, %dma_wait3A_1234, %dma_wait3A_1235] : memref<2x64x512xf32, #tpu.memory_space<vmem>> -> memref<1x64x512xf32, #tpu.memory_space<vmem>>
    %dma_wait3A_1237 = tpu.memref_squeeze %dma_wait3A_1236 : memref<1x64x512xf32, #tpu.memory_space<vmem>> -> memref<64x512xf32, #tpu.memory_space<vmem>>
    %dma_wait3A_1238 = arith.constant 0 : i32
    %dma_wait3A_1239 = tpu.memref_slice %arg2[%add3A_1232, %dma_wait3A_1238] : memref<65536x512xf32, #tpu.memory_space<hbm>> -> memref<64x512xf32, #tpu.memory_space<hbm>>
    %dma_wait3A_1240 = arith.constant 0 : i32
    %dma_wait3A_1241 = arith.constant 0 : i32
    %dma_wait3A_1242 = tpu.memref_slice %arg4[%dma_wait3A_1233, %dma_wait3A_1240, %dma_wait3A_1241] : memref<2x64x512xf32, #tpu.memory_space<vmem>> -> memref<1x64x512xf32, #tpu.memory_space<vmem>>
    %dma_wait3A_1243 = tpu.memref_squeeze %dma_wait3A_1242 : memref<1x64x512xf32, #tpu.memory_space<vmem>> -> memref<64x512xf32, #tpu.memory_space<vmem>>
    %dma_wait3A_1244 = arith.constant 0 : i32
    %dma_wait3A_1245 = tpu.memref_slice %arg2[%add3A_1232, %dma_wait3A_1244] : memref<65536x512xf32, #tpu.memory_space<hbm>> -> memref<64x512xf32, #tpu.memory_space<hbm>>
    tpu.wait_dma2 semaphore(%arg5 : memref<!tpu.dma_semaphore, #tpu.memory_space<semaphore_mem>>) src(%dma_wait3A_1245 : memref<64x512xf32, #tpu.memory_space<hbm>>) dst(%dma_wait3A_1243 : memref<64x512xf32, #tpu.memory_space<vmem>>)
    %add3A_1246 = arith.constant 1280 : i32
    %add3A_1247 = arith.addi %mul3A_2, %add3A_1246 : i32
    %dma_start3A_1248 = arith.constant 0 : i32
    %dma_start3A_1249 = arith.constant 0 : i32
    %dma_start3A_1250 = arith.constant 0 : i32
    %dma_start3A_1251 = tpu.memref_slice %arg4[%dma_start3A_1248, %dma_start3A_1249, %dma_start3A_1250] : memref<2x64x512xf32, #tpu.memory_space<vmem>> -> memref<1x64x512xf32, #tpu.memory_space<vmem>>
    %dma_start3A_1252 = tpu.memref_squeeze %dma_start3A_1251 : memref<1x64x512xf32, #tpu.memory_space<vmem>> -> memref<64x512xf32, #tpu.memory_space<vmem>>
    %dma_start3A_1253 = arith.constant 0 : i32
    %dma_start3A_1254 = tpu.memref_slice %arg3[%add3A_1247, %dma_start3A_1253] : memref<65536x512xf32, #tpu.memory_space<hbm>> -> memref<64x512xf32, #tpu.memory_space<hbm>>
    %dma_start3A_1255 = arith.constant 0 : i32
    %dma_start3A_1256 = tpu.memref_slice %arg3[%add3A_1247, %dma_start3A_1255] : memref<65536x512xf32, #tpu.memory_space<hbm>> -> memref<64x512xf32, #tpu.memory_space<hbm>>
    %dma_start3A_1257 = arith.constant 0 : i32
    %dma_start3A_1258 = arith.constant 0 : i32
    %dma_start3A_1259 = tpu.memref_slice %arg4[%dma_start3A_1248, %dma_start3A_1257, %dma_start3A_1258] : memref<2x64x512xf32, #tpu.memory_space<vmem>> -> memref<1x64x512xf32, #tpu.memory_space<vmem>>
    %dma_start3A_1260 = tpu.memref_squeeze %dma_start3A_1259 : memref<1x64x512xf32, #tpu.memory_space<vmem>> -> memref<64x512xf32, #tpu.memory_space<vmem>>
    tpu.enqueue_dma source(%dma_start3A_1260 : memref<64x512xf32, #tpu.memory_space<vmem>>) target(%dma_start3A_1256 : memref<64x512xf32, #tpu.memory_space<hbm>>) target_semaphore(%arg7 : memref<!tpu.dma_semaphore, #tpu.memory_space<semaphore_mem>>)
    %add3A_1261 = arith.constant 1280 : i32
    %add3A_1262 = arith.addi %mul3A_2, %add3A_1261 : i32
    %dma_wait3A_1263 = arith.constant 0 : i32
    %dma_wait3A_1264 = arith.constant 0 : i32
    %dma_wait3A_1265 = arith.constant 0 : i32
    %dma_wait3A_1266 = tpu.memref_slice %arg4[%dma_wait3A_1263, %dma_wait3A_1264, %dma_wait3A_1265] : memref<2x64x512xf32, #tpu.memory_space<vmem>> -> memref<1x64x512xf32, #tpu.memory_space<vmem>>
    %dma_wait3A_1267 = tpu.memref_squeeze %dma_wait3A_1266 : memref<1x64x512xf32, #tpu.memory_space<vmem>> -> memref<64x512xf32, #tpu.memory_space<vmem>>
    %dma_wait3A_1268 = arith.constant 0 : i32
    %dma_wait3A_1269 = tpu.memref_slice %arg3[%add3A_1262, %dma_wait3A_1268] : memref<65536x512xf32, #tpu.memory_space<hbm>> -> memref<64x512xf32, #tpu.memory_space<hbm>>
    %dma_wait3A_1270 = arith.constant 0 : i32
    %dma_wait3A_1271 = tpu.memref_slice %arg3[%add3A_1262, %dma_wait3A_1270] : memref<65536x512xf32, #tpu.memory_space<hbm>> -> memref<64x512xf32, #tpu.memory_space<hbm>>
    %dma_wait3A_1272 = arith.constant 0 : i32
    %dma_wait3A_1273 = arith.constant 0 : i32
    %dma_wait3A_1274 = tpu.memref_slice %arg4[%dma_wait3A_1263, %dma_wait3A_1272, %dma_wait3A_1273] : memref<2x64x512xf32, #tpu.memory_space<vmem>> -> memref<1x64x512xf32, #tpu.memory_space<vmem>>
    %dma_wait3A_1275 = tpu.memref_squeeze %dma_wait3A_1274 : memref<1x64x512xf32, #tpu.memory_space<vmem>> -> memref<64x512xf32, #tpu.memory_space<vmem>>
    tpu.wait_dma2 semaphore(%arg7 : memref<!tpu.dma_semaphore, #tpu.memory_space<semaphore_mem>>) src(%dma_wait3A_1275 : memref<64x512xf32, #tpu.memory_space<vmem>>) dst(%dma_wait3A_1271 : memref<64x512xf32, #tpu.memory_space<hbm>>)
    %add3A_1276 = arith.constant 1408 : i32
    %add3A_1277 = arith.addi %mul3A_2, %add3A_1276 : i32
    %dma_start3A_1278 = arith.constant 0 : i32
    %dma_start3A_1279 = arith.constant 0 : i32
    %dma_start3A_1280 = arith.constant 0 : i32
    %dma_start3A_1281 = tpu.memref_slice %arg4[%dma_start3A_1278, %dma_start3A_1279, %dma_start3A_1280] : memref<2x64x512xf32, #tpu.memory_space<vmem>> -> memref<1x64x512xf32, #tpu.memory_space<vmem>>
    %dma_start3A_1282 = tpu.memref_squeeze %dma_start3A_1281 : memref<1x64x512xf32, #tpu.memory_space<vmem>> -> memref<64x512xf32, #tpu.memory_space<vmem>>
    %dma_start3A_1283 = arith.constant 0 : i32
    %dma_start3A_1284 = tpu.memref_slice %arg2[%add3A_1277, %dma_start3A_1283] : memref<65536x512xf32, #tpu.memory_space<hbm>> -> memref<64x512xf32, #tpu.memory_space<hbm>>
    %dma_start3A_1285 = arith.constant 0 : i32
    %dma_start3A_1286 = arith.constant 0 : i32
    %dma_start3A_1287 = tpu.memref_slice %arg4[%dma_start3A_1278, %dma_start3A_1285, %dma_start3A_1286] : memref<2x64x512xf32, #tpu.memory_space<vmem>> -> memref<1x64x512xf32, #tpu.memory_space<vmem>>
    %dma_start3A_1288 = tpu.memref_squeeze %dma_start3A_1287 : memref<1x64x512xf32, #tpu.memory_space<vmem>> -> memref<64x512xf32, #tpu.memory_space<vmem>>
    %dma_start3A_1289 = arith.constant 0 : i32
    %dma_start3A_1290 = tpu.memref_slice %arg2[%add3A_1277, %dma_start3A_1289] : memref<65536x512xf32, #tpu.memory_space<hbm>> -> memref<64x512xf32, #tpu.memory_space<hbm>>
    tpu.enqueue_dma source(%dma_start3A_1290 : memref<64x512xf32, #tpu.memory_space<hbm>>) target(%dma_start3A_1288 : memref<64x512xf32, #tpu.memory_space<vmem>>) target_semaphore(%arg5 : memref<!tpu.dma_semaphore, #tpu.memory_space<semaphore_mem>>)
    %add3A_1291 = arith.constant 1344 : i32
    %add3A_1292 = arith.addi %mul3A_2, %add3A_1291 : i32
    %dma_wait3A_1293 = arith.constant 1 : i32
    %dma_wait3A_1294 = arith.constant 0 : i32
    %dma_wait3A_1295 = arith.constant 0 : i32
    %dma_wait3A_1296 = tpu.memref_slice %arg4[%dma_wait3A_1293, %dma_wait3A_1294, %dma_wait3A_1295] : memref<2x64x512xf32, #tpu.memory_space<vmem>> -> memref<1x64x512xf32, #tpu.memory_space<vmem>>
    %dma_wait3A_1297 = tpu.memref_squeeze %dma_wait3A_1296 : memref<1x64x512xf32, #tpu.memory_space<vmem>> -> memref<64x512xf32, #tpu.memory_space<vmem>>
    %dma_wait3A_1298 = arith.constant 0 : i32
    %dma_wait3A_1299 = tpu.memref_slice %arg2[%add3A_1292, %dma_wait3A_1298] : memref<65536x512xf32, #tpu.memory_space<hbm>> -> memref<64x512xf32, #tpu.memory_space<hbm>>
    %dma_wait3A_1300 = arith.constant 0 : i32
    %dma_wait3A_1301 = arith.constant 0 : i32
    %dma_wait3A_1302 = tpu.memref_slice %arg4[%dma_wait3A_1293, %dma_wait3A_1300, %dma_wait3A_1301] : memref<2x64x512xf32, #tpu.memory_space<vmem>> -> memref<1x64x512xf32, #tpu.memory_space<vmem>>
    %dma_wait3A_1303 = tpu.memref_squeeze %dma_wait3A_1302 : memref<1x64x512xf32, #tpu.memory_space<vmem>> -> memref<64x512xf32, #tpu.memory_space<vmem>>
    %dma_wait3A_1304 = arith.constant 0 : i32
    %dma_wait3A_1305 = tpu.memref_slice %arg2[%add3A_1292, %dma_wait3A_1304] : memref<65536x512xf32, #tpu.memory_space<hbm>> -> memref<64x512xf32, #tpu.memory_space<hbm>>
    tpu.wait_dma2 semaphore(%arg6 : memref<!tpu.dma_semaphore, #tpu.memory_space<semaphore_mem>>) src(%dma_wait3A_1305 : memref<64x512xf32, #tpu.memory_space<hbm>>) dst(%dma_wait3A_1303 : memref<64x512xf32, #tpu.memory_space<vmem>>)
    %add3A_1306 = arith.constant 1344 : i32
    %add3A_1307 = arith.addi %mul3A_2, %add3A_1306 : i32
    %dma_start3A_1308 = arith.constant 1 : i32
    %dma_start3A_1309 = arith.constant 0 : i32
    %dma_start3A_1310 = arith.constant 0 : i32
    %dma_start3A_1311 = tpu.memref_slice %arg4[%dma_start3A_1308, %dma_start3A_1309, %dma_start3A_1310] : memref<2x64x512xf32, #tpu.memory_space<vmem>> -> memref<1x64x512xf32, #tpu.memory_space<vmem>>
    %dma_start3A_1312 = tpu.memref_squeeze %dma_start3A_1311 : memref<1x64x512xf32, #tpu.memory_space<vmem>> -> memref<64x512xf32, #tpu.memory_space<vmem>>
    %dma_start3A_1313 = arith.constant 0 : i32
    %dma_start3A_1314 = tpu.memref_slice %arg3[%add3A_1307, %dma_start3A_1313] : memref<65536x512xf32, #tpu.memory_space<hbm>> -> memref<64x512xf32, #tpu.memory_space<hbm>>
    %dma_start3A_1315 = arith.constant 0 : i32
    %dma_start3A_1316 = tpu.memref_slice %arg3[%add3A_1307, %dma_start3A_1315] : memref<65536x512xf32, #tpu.memory_space<hbm>> -> memref<64x512xf32, #tpu.memory_space<hbm>>
    %dma_start3A_1317 = arith.constant 0 : i32
    %dma_start3A_1318 = arith.constant 0 : i32
    %dma_start3A_1319 = tpu.memref_slice %arg4[%dma_start3A_1308, %dma_start3A_1317, %dma_start3A_1318] : memref<2x64x512xf32, #tpu.memory_space<vmem>> -> memref<1x64x512xf32, #tpu.memory_space<vmem>>
    %dma_start3A_1320 = tpu.memref_squeeze %dma_start3A_1319 : memref<1x64x512xf32, #tpu.memory_space<vmem>> -> memref<64x512xf32, #tpu.memory_space<vmem>>
    tpu.enqueue_dma source(%dma_start3A_1320 : memref<64x512xf32, #tpu.memory_space<vmem>>) target(%dma_start3A_1316 : memref<64x512xf32, #tpu.memory_space<hbm>>) target_semaphore(%arg8 : memref<!tpu.dma_semaphore, #tpu.memory_space<semaphore_mem>>)
    %add3A_1321 = arith.constant 1344 : i32
    %add3A_1322 = arith.addi %mul3A_2, %add3A_1321 : i32
    %dma_wait3A_1323 = arith.constant 1 : i32
    %dma_wait3A_1324 = arith.constant 0 : i32
    %dma_wait3A_1325 = arith.constant 0 : i32
    %dma_wait3A_1326 = tpu.memref_slice %arg4[%dma_wait3A_1323, %dma_wait3A_1324, %dma_wait3A_1325] : memref<2x64x512xf32, #tpu.memory_space<vmem>> -> memref<1x64x512xf32, #tpu.memory_space<vmem>>
    %dma_wait3A_1327 = tpu.memref_squeeze %dma_wait3A_1326 : memref<1x64x512xf32, #tpu.memory_space<vmem>> -> memref<64x512xf32, #tpu.memory_space<vmem>>
    %dma_wait3A_1328 = arith.constant 0 : i32
    %dma_wait3A_1329 = tpu.memref_slice %arg3[%add3A_1322, %dma_wait3A_1328] : memref<65536x512xf32, #tpu.memory_space<hbm>> -> memref<64x512xf32, #tpu.memory_space<hbm>>
    %dma_wait3A_1330 = arith.constant 0 : i32
    %dma_wait3A_1331 = tpu.memref_slice %arg3[%add3A_1322, %dma_wait3A_1330] : memref<65536x512xf32, #tpu.memory_space<hbm>> -> memref<64x512xf32, #tpu.memory_space<hbm>>
    %dma_wait3A_1332 = arith.constant 0 : i32
    %dma_wait3A_1333 = arith.constant 0 : i32
    %dma_wait3A_1334 = tpu.memref_slice %arg4[%dma_wait3A_1323, %dma_wait3A_1332, %dma_wait3A_1333] : memref<2x64x512xf32, #tpu.memory_space<vmem>> -> memref<1x64x512xf32, #tpu.memory_space<vmem>>
    %dma_wait3A_1335 = tpu.memref_squeeze %dma_wait3A_1334 : memref<1x64x512xf32, #tpu.memory_space<vmem>> -> memref<64x512xf32, #tpu.memory_space<vmem>>
    tpu.wait_dma2 semaphore(%arg8 : memref<!tpu.dma_semaphore, #tpu.memory_space<semaphore_mem>>) src(%dma_wait3A_1335 : memref<64x512xf32, #tpu.memory_space<vmem>>) dst(%dma_wait3A_1331 : memref<64x512xf32, #tpu.memory_space<hbm>>)
    %add3A_1336 = arith.constant 1472 : i32
    %add3A_1337 = arith.addi %mul3A_2, %add3A_1336 : i32
    %dma_start3A_1338 = arith.constant 1 : i32
    %dma_start3A_1339 = arith.constant 0 : i32
    %dma_start3A_1340 = arith.constant 0 : i32
    %dma_start3A_1341 = tpu.memref_slice %arg4[%dma_start3A_1338, %dma_start3A_1339, %dma_start3A_1340] : memref<2x64x512xf32, #tpu.memory_space<vmem>> -> memref<1x64x512xf32, #tpu.memory_space<vmem>>
    %dma_start3A_1342 = tpu.memref_squeeze %dma_start3A_1341 : memref<1x64x512xf32, #tpu.memory_space<vmem>> -> memref<64x512xf32, #tpu.memory_space<vmem>>
    %dma_start3A_1343 = arith.constant 0 : i32
    %dma_start3A_1344 = tpu.memref_slice %arg2[%add3A_1337, %dma_start3A_1343] : memref<65536x512xf32, #tpu.memory_space<hbm>> -> memref<64x512xf32, #tpu.memory_space<hbm>>
    %dma_start3A_1345 = arith.constant 0 : i32
    %dma_start3A_1346 = arith.constant 0 : i32
    %dma_start3A_1347 = tpu.memref_slice %arg4[%dma_start3A_1338, %dma_start3A_1345, %dma_start3A_1346] : memref<2x64x512xf32, #tpu.memory_space<vmem>> -> memref<1x64x512xf32, #tpu.memory_space<vmem>>
    %dma_start3A_1348 = tpu.memref_squeeze %dma_start3A_1347 : memref<1x64x512xf32, #tpu.memory_space<vmem>> -> memref<64x512xf32, #tpu.memory_space<vmem>>
    %dma_start3A_1349 = arith.constant 0 : i32
    %dma_start3A_1350 = tpu.memref_slice %arg2[%add3A_1337, %dma_start3A_1349] : memref<65536x512xf32, #tpu.memory_space<hbm>> -> memref<64x512xf32, #tpu.memory_space<hbm>>
    tpu.enqueue_dma source(%dma_start3A_1350 : memref<64x512xf32, #tpu.memory_space<hbm>>) target(%dma_start3A_1348 : memref<64x512xf32, #tpu.memory_space<vmem>>) target_semaphore(%arg6 : memref<!tpu.dma_semaphore, #tpu.memory_space<semaphore_mem>>)
    %add3A_1351 = arith.constant 1408 : i32
    %add3A_1352 = arith.addi %mul3A_2, %add3A_1351 : i32
    %dma_wait3A_1353 = arith.constant 0 : i32
    %dma_wait3A_1354 = arith.constant 0 : i32
    %dma_wait3A_1355 = arith.constant 0 : i32
    %dma_wait3A_1356 = tpu.memref_slice %arg4[%dma_wait3A_1353, %dma_wait3A_1354, %dma_wait3A_1355] : memref<2x64x512xf32, #tpu.memory_space<vmem>> -> memref<1x64x512xf32, #tpu.memory_space<vmem>>
    %dma_wait3A_1357 = tpu.memref_squeeze %dma_wait3A_1356 : memref<1x64x512xf32, #tpu.memory_space<vmem>> -> memref<64x512xf32, #tpu.memory_space<vmem>>
    %dma_wait3A_1358 = arith.constant 0 : i32
    %dma_wait3A_1359 = tpu.memref_slice %arg2[%add3A_1352, %dma_wait3A_1358] : memref<65536x512xf32, #tpu.memory_space<hbm>> -> memref<64x512xf32, #tpu.memory_space<hbm>>
    %dma_wait3A_1360 = arith.constant 0 : i32
    %dma_wait3A_1361 = arith.constant 0 : i32
    %dma_wait3A_1362 = tpu.memref_slice %arg4[%dma_wait3A_1353, %dma_wait3A_1360, %dma_wait3A_1361] : memref<2x64x512xf32, #tpu.memory_space<vmem>> -> memref<1x64x512xf32, #tpu.memory_space<vmem>>
    %dma_wait3A_1363 = tpu.memref_squeeze %dma_wait3A_1362 : memref<1x64x512xf32, #tpu.memory_space<vmem>> -> memref<64x512xf32, #tpu.memory_space<vmem>>
    %dma_wait3A_1364 = arith.constant 0 : i32
    %dma_wait3A_1365 = tpu.memref_slice %arg2[%add3A_1352, %dma_wait3A_1364] : memref<65536x512xf32, #tpu.memory_space<hbm>> -> memref<64x512xf32, #tpu.memory_space<hbm>>
    tpu.wait_dma2 semaphore(%arg5 : memref<!tpu.dma_semaphore, #tpu.memory_space<semaphore_mem>>) src(%dma_wait3A_1365 : memref<64x512xf32, #tpu.memory_space<hbm>>) dst(%dma_wait3A_1363 : memref<64x512xf32, #tpu.memory_space<vmem>>)
    %add3A_1366 = arith.constant 1408 : i32
    %add3A_1367 = arith.addi %mul3A_2, %add3A_1366 : i32
    %dma_start3A_1368 = arith.constant 0 : i32
    %dma_start3A_1369 = arith.constant 0 : i32
    %dma_start3A_1370 = arith.constant 0 : i32
    %dma_start3A_1371 = tpu.memref_slice %arg4[%dma_start3A_1368, %dma_start3A_1369, %dma_start3A_1370] : memref<2x64x512xf32, #tpu.memory_space<vmem>> -> memref<1x64x512xf32, #tpu.memory_space<vmem>>
    %dma_start3A_1372 = tpu.memref_squeeze %dma_start3A_1371 : memref<1x64x512xf32, #tpu.memory_space<vmem>> -> memref<64x512xf32, #tpu.memory_space<vmem>>
    %dma_start3A_1373 = arith.constant 0 : i32
    %dma_start3A_1374 = tpu.memref_slice %arg3[%add3A_1367, %dma_start3A_1373] : memref<65536x512xf32, #tpu.memory_space<hbm>> -> memref<64x512xf32, #tpu.memory_space<hbm>>
    %dma_start3A_1375 = arith.constant 0 : i32
    %dma_start3A_1376 = tpu.memref_slice %arg3[%add3A_1367, %dma_start3A_1375] : memref<65536x512xf32, #tpu.memory_space<hbm>> -> memref<64x512xf32, #tpu.memory_space<hbm>>
    %dma_start3A_1377 = arith.constant 0 : i32
    %dma_start3A_1378 = arith.constant 0 : i32
    %dma_start3A_1379 = tpu.memref_slice %arg4[%dma_start3A_1368, %dma_start3A_1377, %dma_start3A_1378] : memref<2x64x512xf32, #tpu.memory_space<vmem>> -> memref<1x64x512xf32, #tpu.memory_space<vmem>>
    %dma_start3A_1380 = tpu.memref_squeeze %dma_start3A_1379 : memref<1x64x512xf32, #tpu.memory_space<vmem>> -> memref<64x512xf32, #tpu.memory_space<vmem>>
    tpu.enqueue_dma source(%dma_start3A_1380 : memref<64x512xf32, #tpu.memory_space<vmem>>) target(%dma_start3A_1376 : memref<64x512xf32, #tpu.memory_space<hbm>>) target_semaphore(%arg7 : memref<!tpu.dma_semaphore, #tpu.memory_space<semaphore_mem>>)
    %add3A_1381 = arith.constant 1408 : i32
    %add3A_1382 = arith.addi %mul3A_2, %add3A_1381 : i32
    %dma_wait3A_1383 = arith.constant 0 : i32
    %dma_wait3A_1384 = arith.constant 0 : i32
    %dma_wait3A_1385 = arith.constant 0 : i32
    %dma_wait3A_1386 = tpu.memref_slice %arg4[%dma_wait3A_1383, %dma_wait3A_1384, %dma_wait3A_1385] : memref<2x64x512xf32, #tpu.memory_space<vmem>> -> memref<1x64x512xf32, #tpu.memory_space<vmem>>
    %dma_wait3A_1387 = tpu.memref_squeeze %dma_wait3A_1386 : memref<1x64x512xf32, #tpu.memory_space<vmem>> -> memref<64x512xf32, #tpu.memory_space<vmem>>
    %dma_wait3A_1388 = arith.constant 0 : i32
    %dma_wait3A_1389 = tpu.memref_slice %arg3[%add3A_1382, %dma_wait3A_1388] : memref<65536x512xf32, #tpu.memory_space<hbm>> -> memref<64x512xf32, #tpu.memory_space<hbm>>
    %dma_wait3A_1390 = arith.constant 0 : i32
    %dma_wait3A_1391 = tpu.memref_slice %arg3[%add3A_1382, %dma_wait3A_1390] : memref<65536x512xf32, #tpu.memory_space<hbm>> -> memref<64x512xf32, #tpu.memory_space<hbm>>
    %dma_wait3A_1392 = arith.constant 0 : i32
    %dma_wait3A_1393 = arith.constant 0 : i32
    %dma_wait3A_1394 = tpu.memref_slice %arg4[%dma_wait3A_1383, %dma_wait3A_1392, %dma_wait3A_1393] : memref<2x64x512xf32, #tpu.memory_space<vmem>> -> memref<1x64x512xf32, #tpu.memory_space<vmem>>
    %dma_wait3A_1395 = tpu.memref_squeeze %dma_wait3A_1394 : memref<1x64x512xf32, #tpu.memory_space<vmem>> -> memref<64x512xf32, #tpu.memory_space<vmem>>
    tpu.wait_dma2 semaphore(%arg7 : memref<!tpu.dma_semaphore, #tpu.memory_space<semaphore_mem>>) src(%dma_wait3A_1395 : memref<64x512xf32, #tpu.memory_space<vmem>>) dst(%dma_wait3A_1391 : memref<64x512xf32, #tpu.memory_space<hbm>>)
    %add3A_1396 = arith.constant 1536 : i32
    %add3A_1397 = arith.addi %mul3A_2, %add3A_1396 : i32
    %dma_start3A_1398 = arith.constant 0 : i32
    %dma_start3A_1399 = arith.constant 0 : i32
    %dma_start3A_1400 = arith.constant 0 : i32
    %dma_start3A_1401 = tpu.memref_slice %arg4[%dma_start3A_1398, %dma_start3A_1399, %dma_start3A_1400] : memref<2x64x512xf32, #tpu.memory_space<vmem>> -> memref<1x64x512xf32, #tpu.memory_space<vmem>>
    %dma_start3A_1402 = tpu.memref_squeeze %dma_start3A_1401 : memref<1x64x512xf32, #tpu.memory_space<vmem>> -> memref<64x512xf32, #tpu.memory_space<vmem>>
    %dma_start3A_1403 = arith.constant 0 : i32
    %dma_start3A_1404 = tpu.memref_slice %arg2[%add3A_1397, %dma_start3A_1403] : memref<65536x512xf32, #tpu.memory_space<hbm>> -> memref<64x512xf32, #tpu.memory_space<hbm>>
    %dma_start3A_1405 = arith.constant 0 : i32
    %dma_start3A_1406 = arith.constant 0 : i32
    %dma_start3A_1407 = tpu.memref_slice %arg4[%dma_start3A_1398, %dma_start3A_1405, %dma_start3A_1406] : memref<2x64x512xf32, #tpu.memory_space<vmem>> -> memref<1x64x512xf32, #tpu.memory_space<vmem>>
    %dma_start3A_1408 = tpu.memref_squeeze %dma_start3A_1407 : memref<1x64x512xf32, #tpu.memory_space<vmem>> -> memref<64x512xf32, #tpu.memory_space<vmem>>
    %dma_start3A_1409 = arith.constant 0 : i32
    %dma_start3A_1410 = tpu.memref_slice %arg2[%add3A_1397, %dma_start3A_1409] : memref<65536x512xf32, #tpu.memory_space<hbm>> -> memref<64x512xf32, #tpu.memory_space<hbm>>
    tpu.enqueue_dma source(%dma_start3A_1410 : memref<64x512xf32, #tpu.memory_space<hbm>>) target(%dma_start3A_1408 : memref<64x512xf32, #tpu.memory_space<vmem>>) target_semaphore(%arg5 : memref<!tpu.dma_semaphore, #tpu.memory_space<semaphore_mem>>)
    %add3A_1411 = arith.constant 1472 : i32
    %add3A_1412 = arith.addi %mul3A_2, %add3A_1411 : i32
    %dma_wait3A_1413 = arith.constant 1 : i32
    %dma_wait3A_1414 = arith.constant 0 : i32
    %dma_wait3A_1415 = arith.constant 0 : i32
    %dma_wait3A_1416 = tpu.memref_slice %arg4[%dma_wait3A_1413, %dma_wait3A_1414, %dma_wait3A_1415] : memref<2x64x512xf32, #tpu.memory_space<vmem>> -> memref<1x64x512xf32, #tpu.memory_space<vmem>>
    %dma_wait3A_1417 = tpu.memref_squeeze %dma_wait3A_1416 : memref<1x64x512xf32, #tpu.memory_space<vmem>> -> memref<64x512xf32, #tpu.memory_space<vmem>>
    %dma_wait3A_1418 = arith.constant 0 : i32
    %dma_wait3A_1419 = tpu.memref_slice %arg2[%add3A_1412, %dma_wait3A_1418] : memref<65536x512xf32, #tpu.memory_space<hbm>> -> memref<64x512xf32, #tpu.memory_space<hbm>>
    %dma_wait3A_1420 = arith.constant 0 : i32
    %dma_wait3A_1421 = arith.constant 0 : i32
    %dma_wait3A_1422 = tpu.memref_slice %arg4[%dma_wait3A_1413, %dma_wait3A_1420, %dma_wait3A_1421] : memref<2x64x512xf32, #tpu.memory_space<vmem>> -> memref<1x64x512xf32, #tpu.memory_space<vmem>>
    %dma_wait3A_1423 = tpu.memref_squeeze %dma_wait3A_1422 : memref<1x64x512xf32, #tpu.memory_space<vmem>> -> memref<64x512xf32, #tpu.memory_space<vmem>>
    %dma_wait3A_1424 = arith.constant 0 : i32
    %dma_wait3A_1425 = tpu.memref_slice %arg2[%add3A_1412, %dma_wait3A_1424] : memref<65536x512xf32, #tpu.memory_space<hbm>> -> memref<64x512xf32, #tpu.memory_space<hbm>>
    tpu.wait_dma2 semaphore(%arg6 : memref<!tpu.dma_semaphore, #tpu.memory_space<semaphore_mem>>) src(%dma_wait3A_1425 : memref<64x512xf32, #tpu.memory_space<hbm>>) dst(%dma_wait3A_1423 : memref<64x512xf32, #tpu.memory_space<vmem>>)
    %add3A_1426 = arith.constant 1472 : i32
    %add3A_1427 = arith.addi %mul3A_2, %add3A_1426 : i32
    %dma_start3A_1428 = arith.constant 1 : i32
    %dma_start3A_1429 = arith.constant 0 : i32
    %dma_start3A_1430 = arith.constant 0 : i32
    %dma_start3A_1431 = tpu.memref_slice %arg4[%dma_start3A_1428, %dma_start3A_1429, %dma_start3A_1430] : memref<2x64x512xf32, #tpu.memory_space<vmem>> -> memref<1x64x512xf32, #tpu.memory_space<vmem>>
    %dma_start3A_1432 = tpu.memref_squeeze %dma_start3A_1431 : memref<1x64x512xf32, #tpu.memory_space<vmem>> -> memref<64x512xf32, #tpu.memory_space<vmem>>
    %dma_start3A_1433 = arith.constant 0 : i32
    %dma_start3A_1434 = tpu.memref_slice %arg3[%add3A_1427, %dma_start3A_1433] : memref<65536x512xf32, #tpu.memory_space<hbm>> -> memref<64x512xf32, #tpu.memory_space<hbm>>
    %dma_start3A_1435 = arith.constant 0 : i32
    %dma_start3A_1436 = tpu.memref_slice %arg3[%add3A_1427, %dma_start3A_1435] : memref<65536x512xf32, #tpu.memory_space<hbm>> -> memref<64x512xf32, #tpu.memory_space<hbm>>
    %dma_start3A_1437 = arith.constant 0 : i32
    %dma_start3A_1438 = arith.constant 0 : i32
    %dma_start3A_1439 = tpu.memref_slice %arg4[%dma_start3A_1428, %dma_start3A_1437, %dma_start3A_1438] : memref<2x64x512xf32, #tpu.memory_space<vmem>> -> memref<1x64x512xf32, #tpu.memory_space<vmem>>
    %dma_start3A_1440 = tpu.memref_squeeze %dma_start3A_1439 : memref<1x64x512xf32, #tpu.memory_space<vmem>> -> memref<64x512xf32, #tpu.memory_space<vmem>>
    tpu.enqueue_dma source(%dma_start3A_1440 : memref<64x512xf32, #tpu.memory_space<vmem>>) target(%dma_start3A_1436 : memref<64x512xf32, #tpu.memory_space<hbm>>) target_semaphore(%arg8 : memref<!tpu.dma_semaphore, #tpu.memory_space<semaphore_mem>>)
    %add3A_1441 = arith.constant 1472 : i32
    %add3A_1442 = arith.addi %mul3A_2, %add3A_1441 : i32
    %dma_wait3A_1443 = arith.constant 1 : i32
    %dma_wait3A_1444 = arith.constant 0 : i32
    %dma_wait3A_1445 = arith.constant 0 : i32
    %dma_wait3A_1446 = tpu.memref_slice %arg4[%dma_wait3A_1443, %dma_wait3A_1444, %dma_wait3A_1445] : memref<2x64x512xf32, #tpu.memory_space<vmem>> -> memref<1x64x512xf32, #tpu.memory_space<vmem>>
    %dma_wait3A_1447 = tpu.memref_squeeze %dma_wait3A_1446 : memref<1x64x512xf32, #tpu.memory_space<vmem>> -> memref<64x512xf32, #tpu.memory_space<vmem>>
    %dma_wait3A_1448 = arith.constant 0 : i32
    %dma_wait3A_1449 = tpu.memref_slice %arg3[%add3A_1442, %dma_wait3A_1448] : memref<65536x512xf32, #tpu.memory_space<hbm>> -> memref<64x512xf32, #tpu.memory_space<hbm>>
    %dma_wait3A_1450 = arith.constant 0 : i32
    %dma_wait3A_1451 = tpu.memref_slice %arg3[%add3A_1442, %dma_wait3A_1450] : memref<65536x512xf32, #tpu.memory_space<hbm>> -> memref<64x512xf32, #tpu.memory_space<hbm>>
    %dma_wait3A_1452 = arith.constant 0 : i32
    %dma_wait3A_1453 = arith.constant 0 : i32
    %dma_wait3A_1454 = tpu.memref_slice %arg4[%dma_wait3A_1443, %dma_wait3A_1452, %dma_wait3A_1453] : memref<2x64x512xf32, #tpu.memory_space<vmem>> -> memref<1x64x512xf32, #tpu.memory_space<vmem>>
    %dma_wait3A_1455 = tpu.memref_squeeze %dma_wait3A_1454 : memref<1x64x512xf32, #tpu.memory_space<vmem>> -> memref<64x512xf32, #tpu.memory_space<vmem>>
    tpu.wait_dma2 semaphore(%arg8 : memref<!tpu.dma_semaphore, #tpu.memory_space<semaphore_mem>>) src(%dma_wait3A_1455 : memref<64x512xf32, #tpu.memory_space<vmem>>) dst(%dma_wait3A_1451 : memref<64x512xf32, #tpu.memory_space<hbm>>)
    %add3A_1456 = arith.constant 1600 : i32
    %add3A_1457 = arith.addi %mul3A_2, %add3A_1456 : i32
    %dma_start3A_1458 = arith.constant 1 : i32
    %dma_start3A_1459 = arith.constant 0 : i32
    %dma_start3A_1460 = arith.constant 0 : i32
    %dma_start3A_1461 = tpu.memref_slice %arg4[%dma_start3A_1458, %dma_start3A_1459, %dma_start3A_1460] : memref<2x64x512xf32, #tpu.memory_space<vmem>> -> memref<1x64x512xf32, #tpu.memory_space<vmem>>
    %dma_start3A_1462 = tpu.memref_squeeze %dma_start3A_1461 : memref<1x64x512xf32, #tpu.memory_space<vmem>> -> memref<64x512xf32, #tpu.memory_space<vmem>>
    %dma_start3A_1463 = arith.constant 0 : i32
    %dma_start3A_1464 = tpu.memref_slice %arg2[%add3A_1457, %dma_start3A_1463] : memref<65536x512xf32, #tpu.memory_space<hbm>> -> memref<64x512xf32, #tpu.memory_space<hbm>>
    %dma_start3A_1465 = arith.constant 0 : i32
    %dma_start3A_1466 = arith.constant 0 : i32
    %dma_start3A_1467 = tpu.memref_slice %arg4[%dma_start3A_1458, %dma_start3A_1465, %dma_start3A_1466] : memref<2x64x512xf32, #tpu.memory_space<vmem>> -> memref<1x64x512xf32, #tpu.memory_space<vmem>>
    %dma_start3A_1468 = tpu.memref_squeeze %dma_start3A_1467 : memref<1x64x512xf32, #tpu.memory_space<vmem>> -> memref<64x512xf32, #tpu.memory_space<vmem>>
    %dma_start3A_1469 = arith.constant 0 : i32
    %dma_start3A_1470 = tpu.memref_slice %arg2[%add3A_1457, %dma_start3A_1469] : memref<65536x512xf32, #tpu.memory_space<hbm>> -> memref<64x512xf32, #tpu.memory_space<hbm>>
    tpu.enqueue_dma source(%dma_start3A_1470 : memref<64x512xf32, #tpu.memory_space<hbm>>) target(%dma_start3A_1468 : memref<64x512xf32, #tpu.memory_space<vmem>>) target_semaphore(%arg6 : memref<!tpu.dma_semaphore, #tpu.memory_space<semaphore_mem>>)
    %add3A_1471 = arith.constant 1536 : i32
    %add3A_1472 = arith.addi %mul3A_2, %add3A_1471 : i32
    %dma_wait3A_1473 = arith.constant 0 : i32
    %dma_wait3A_1474 = arith.constant 0 : i32
    %dma_wait3A_1475 = arith.constant 0 : i32
    %dma_wait3A_1476 = tpu.memref_slice %arg4[%dma_wait3A_1473, %dma_wait3A_1474, %dma_wait3A_1475] : memref<2x64x512xf32, #tpu.memory_space<vmem>> -> memref<1x64x512xf32, #tpu.memory_space<vmem>>
    %dma_wait3A_1477 = tpu.memref_squeeze %dma_wait3A_1476 : memref<1x64x512xf32, #tpu.memory_space<vmem>> -> memref<64x512xf32, #tpu.memory_space<vmem>>
    %dma_wait3A_1478 = arith.constant 0 : i32
    %dma_wait3A_1479 = tpu.memref_slice %arg2[%add3A_1472, %dma_wait3A_1478] : memref<65536x512xf32, #tpu.memory_space<hbm>> -> memref<64x512xf32, #tpu.memory_space<hbm>>
    %dma_wait3A_1480 = arith.constant 0 : i32
    %dma_wait3A_1481 = arith.constant 0 : i32
    %dma_wait3A_1482 = tpu.memref_slice %arg4[%dma_wait3A_1473, %dma_wait3A_1480, %dma_wait3A_1481] : memref<2x64x512xf32, #tpu.memory_space<vmem>> -> memref<1x64x512xf32, #tpu.memory_space<vmem>>
    %dma_wait3A_1483 = tpu.memref_squeeze %dma_wait3A_1482 : memref<1x64x512xf32, #tpu.memory_space<vmem>> -> memref<64x512xf32, #tpu.memory_space<vmem>>
    %dma_wait3A_1484 = arith.constant 0 : i32
    %dma_wait3A_1485 = tpu.memref_slice %arg2[%add3A_1472, %dma_wait3A_1484] : memref<65536x512xf32, #tpu.memory_space<hbm>> -> memref<64x512xf32, #tpu.memory_space<hbm>>
    tpu.wait_dma2 semaphore(%arg5 : memref<!tpu.dma_semaphore, #tpu.memory_space<semaphore_mem>>) src(%dma_wait3A_1485 : memref<64x512xf32, #tpu.memory_space<hbm>>) dst(%dma_wait3A_1483 : memref<64x512xf32, #tpu.memory_space<vmem>>)
    %add3A_1486 = arith.constant 1536 : i32
    %add3A_1487 = arith.addi %mul3A_2, %add3A_1486 : i32
    %dma_start3A_1488 = arith.constant 0 : i32
    %dma_start3A_1489 = arith.constant 0 : i32
    %dma_start3A_1490 = arith.constant 0 : i32
    %dma_start3A_1491 = tpu.memref_slice %arg4[%dma_start3A_1488, %dma_start3A_1489, %dma_start3A_1490] : memref<2x64x512xf32, #tpu.memory_space<vmem>> -> memref<1x64x512xf32, #tpu.memory_space<vmem>>
    %dma_start3A_1492 = tpu.memref_squeeze %dma_start3A_1491 : memref<1x64x512xf32, #tpu.memory_space<vmem>> -> memref<64x512xf32, #tpu.memory_space<vmem>>
    %dma_start3A_1493 = arith.constant 0 : i32
    %dma_start3A_1494 = tpu.memref_slice %arg3[%add3A_1487, %dma_start3A_1493] : memref<65536x512xf32, #tpu.memory_space<hbm>> -> memref<64x512xf32, #tpu.memory_space<hbm>>
    %dma_start3A_1495 = arith.constant 0 : i32
    %dma_start3A_1496 = tpu.memref_slice %arg3[%add3A_1487, %dma_start3A_1495] : memref<65536x512xf32, #tpu.memory_space<hbm>> -> memref<64x512xf32, #tpu.memory_space<hbm>>
    %dma_start3A_1497 = arith.constant 0 : i32
    %dma_start3A_1498 = arith.constant 0 : i32
    %dma_start3A_1499 = tpu.memref_slice %arg4[%dma_start3A_1488, %dma_start3A_1497, %dma_start3A_1498] : memref<2x64x512xf32, #tpu.memory_space<vmem>> -> memref<1x64x512xf32, #tpu.memory_space<vmem>>
    %dma_start3A_1500 = tpu.memref_squeeze %dma_start3A_1499 : memref<1x64x512xf32, #tpu.memory_space<vmem>> -> memref<64x512xf32, #tpu.memory_space<vmem>>
    tpu.enqueue_dma source(%dma_start3A_1500 : memref<64x512xf32, #tpu.memory_space<vmem>>) target(%dma_start3A_1496 : memref<64x512xf32, #tpu.memory_space<hbm>>) target_semaphore(%arg7 : memref<!tpu.dma_semaphore, #tpu.memory_space<semaphore_mem>>)
    %add3A_1501 = arith.constant 1536 : i32
    %add3A_1502 = arith.addi %mul3A_2, %add3A_1501 : i32
    %dma_wait3A_1503 = arith.constant 0 : i32
    %dma_wait3A_1504 = arith.constant 0 : i32
    %dma_wait3A_1505 = arith.constant 0 : i32
    %dma_wait3A_1506 = tpu.memref_slice %arg4[%dma_wait3A_1503, %dma_wait3A_1504, %dma_wait3A_1505] : memref<2x64x512xf32, #tpu.memory_space<vmem>> -> memref<1x64x512xf32, #tpu.memory_space<vmem>>
    %dma_wait3A_1507 = tpu.memref_squeeze %dma_wait3A_1506 : memref<1x64x512xf32, #tpu.memory_space<vmem>> -> memref<64x512xf32, #tpu.memory_space<vmem>>
    %dma_wait3A_1508 = arith.constant 0 : i32
    %dma_wait3A_1509 = tpu.memref_slice %arg3[%add3A_1502, %dma_wait3A_1508] : memref<65536x512xf32, #tpu.memory_space<hbm>> -> memref<64x512xf32, #tpu.memory_space<hbm>>
    %dma_wait3A_1510 = arith.constant 0 : i32
    %dma_wait3A_1511 = tpu.memref_slice %arg3[%add3A_1502, %dma_wait3A_1510] : memref<65536x512xf32, #tpu.memory_space<hbm>> -> memref<64x512xf32, #tpu.memory_space<hbm>>
    %dma_wait3A_1512 = arith.constant 0 : i32
    %dma_wait3A_1513 = arith.constant 0 : i32
    %dma_wait3A_1514 = tpu.memref_slice %arg4[%dma_wait3A_1503, %dma_wait3A_1512, %dma_wait3A_1513] : memref<2x64x512xf32, #tpu.memory_space<vmem>> -> memref<1x64x512xf32, #tpu.memory_space<vmem>>
    %dma_wait3A_1515 = tpu.memref_squeeze %dma_wait3A_1514 : memref<1x64x512xf32, #tpu.memory_space<vmem>> -> memref<64x512xf32, #tpu.memory_space<vmem>>
    tpu.wait_dma2 semaphore(%arg7 : memref<!tpu.dma_semaphore, #tpu.memory_space<semaphore_mem>>) src(%dma_wait3A_1515 : memref<64x512xf32, #tpu.memory_space<vmem>>) dst(%dma_wait3A_1511 : memref<64x512xf32, #tpu.memory_space<hbm>>)
    %add3A_1516 = arith.constant 1664 : i32
    %add3A_1517 = arith.addi %mul3A_2, %add3A_1516 : i32
    %dma_start3A_1518 = arith.constant 0 : i32
    %dma_start3A_1519 = arith.constant 0 : i32
    %dma_start3A_1520 = arith.constant 0 : i32
    %dma_start3A_1521 = tpu.memref_slice %arg4[%dma_start3A_1518, %dma_start3A_1519, %dma_start3A_1520] : memref<2x64x512xf32, #tpu.memory_space<vmem>> -> memref<1x64x512xf32, #tpu.memory_space<vmem>>
    %dma_start3A_1522 = tpu.memref_squeeze %dma_start3A_1521 : memref<1x64x512xf32, #tpu.memory_space<vmem>> -> memref<64x512xf32, #tpu.memory_space<vmem>>
    %dma_start3A_1523 = arith.constant 0 : i32
    %dma_start3A_1524 = tpu.memref_slice %arg2[%add3A_1517, %dma_start3A_1523] : memref<65536x512xf32, #tpu.memory_space<hbm>> -> memref<64x512xf32, #tpu.memory_space<hbm>>
    %dma_start3A_1525 = arith.constant 0 : i32
    %dma_start3A_1526 = arith.constant 0 : i32
    %dma_start3A_1527 = tpu.memref_slice %arg4[%dma_start3A_1518, %dma_start3A_1525, %dma_start3A_1526] : memref<2x64x512xf32, #tpu.memory_space<vmem>> -> memref<1x64x512xf32, #tpu.memory_space<vmem>>
    %dma_start3A_1528 = tpu.memref_squeeze %dma_start3A_1527 : memref<1x64x512xf32, #tpu.memory_space<vmem>> -> memref<64x512xf32, #tpu.memory_space<vmem>>
    %dma_start3A_1529 = arith.constant 0 : i32
    %dma_start3A_1530 = tpu.memref_slice %arg2[%add3A_1517, %dma_start3A_1529] : memref<65536x512xf32, #tpu.memory_space<hbm>> -> memref<64x512xf32, #tpu.memory_space<hbm>>
    tpu.enqueue_dma source(%dma_start3A_1530 : memref<64x512xf32, #tpu.memory_space<hbm>>) target(%dma_start3A_1528 : memref<64x512xf32, #tpu.memory_space<vmem>>) target_semaphore(%arg5 : memref<!tpu.dma_semaphore, #tpu.memory_space<semaphore_mem>>)
    %add3A_1531 = arith.constant 1600 : i32
    %add3A_1532 = arith.addi %mul3A_2, %add3A_1531 : i32
    %dma_wait3A_1533 = arith.constant 1 : i32
    %dma_wait3A_1534 = arith.constant 0 : i32
    %dma_wait3A_1535 = arith.constant 0 : i32
    %dma_wait3A_1536 = tpu.memref_slice %arg4[%dma_wait3A_1533, %dma_wait3A_1534, %dma_wait3A_1535] : memref<2x64x512xf32, #tpu.memory_space<vmem>> -> memref<1x64x512xf32, #tpu.memory_space<vmem>>
    %dma_wait3A_1537 = tpu.memref_squeeze %dma_wait3A_1536 : memref<1x64x512xf32, #tpu.memory_space<vmem>> -> memref<64x512xf32, #tpu.memory_space<vmem>>
    %dma_wait3A_1538 = arith.constant 0 : i32
    %dma_wait3A_1539 = tpu.memref_slice %arg2[%add3A_1532, %dma_wait3A_1538] : memref<65536x512xf32, #tpu.memory_space<hbm>> -> memref<64x512xf32, #tpu.memory_space<hbm>>
    %dma_wait3A_1540 = arith.constant 0 : i32
    %dma_wait3A_1541 = arith.constant 0 : i32
    %dma_wait3A_1542 = tpu.memref_slice %arg4[%dma_wait3A_1533, %dma_wait3A_1540, %dma_wait3A_1541] : memref<2x64x512xf32, #tpu.memory_space<vmem>> -> memref<1x64x512xf32, #tpu.memory_space<vmem>>
    %dma_wait3A_1543 = tpu.memref_squeeze %dma_wait3A_1542 : memref<1x64x512xf32, #tpu.memory_space<vmem>> -> memref<64x512xf32, #tpu.memory_space<vmem>>
    %dma_wait3A_1544 = arith.constant 0 : i32
    %dma_wait3A_1545 = tpu.memref_slice %arg2[%add3A_1532, %dma_wait3A_1544] : memref<65536x512xf32, #tpu.memory_space<hbm>> -> memref<64x512xf32, #tpu.memory_space<hbm>>
    tpu.wait_dma2 semaphore(%arg6 : memref<!tpu.dma_semaphore, #tpu.memory_space<semaphore_mem>>) src(%dma_wait3A_1545 : memref<64x512xf32, #tpu.memory_space<hbm>>) dst(%dma_wait3A_1543 : memref<64x512xf32, #tpu.memory_space<vmem>>)
    %add3A_1546 = arith.constant 1600 : i32
    %add3A_1547 = arith.addi %mul3A_2, %add3A_1546 : i32
    %dma_start3A_1548 = arith.constant 1 : i32
    %dma_start3A_1549 = arith.constant 0 : i32
    %dma_start3A_1550 = arith.constant 0 : i32
    %dma_start3A_1551 = tpu.memref_slice %arg4[%dma_start3A_1548, %dma_start3A_1549, %dma_start3A_1550] : memref<2x64x512xf32, #tpu.memory_space<vmem>> -> memref<1x64x512xf32, #tpu.memory_space<vmem>>
    %dma_start3A_1552 = tpu.memref_squeeze %dma_start3A_1551 : memref<1x64x512xf32, #tpu.memory_space<vmem>> -> memref<64x512xf32, #tpu.memory_space<vmem>>
    %dma_start3A_1553 = arith.constant 0 : i32
    %dma_start3A_1554 = tpu.memref_slice %arg3[%add3A_1547, %dma_start3A_1553] : memref<65536x512xf32, #tpu.memory_space<hbm>> -> memref<64x512xf32, #tpu.memory_space<hbm>>
    %dma_start3A_1555 = arith.constant 0 : i32
    %dma_start3A_1556 = tpu.memref_slice %arg3[%add3A_1547, %dma_start3A_1555] : memref<65536x512xf32, #tpu.memory_space<hbm>> -> memref<64x512xf32, #tpu.memory_space<hbm>>
    %dma_start3A_1557 = arith.constant 0 : i32
    %dma_start3A_1558 = arith.constant 0 : i32
    %dma_start3A_1559 = tpu.memref_slice %arg4[%dma_start3A_1548, %dma_start3A_1557, %dma_start3A_1558] : memref<2x64x512xf32, #tpu.memory_space<vmem>> -> memref<1x64x512xf32, #tpu.memory_space<vmem>>
    %dma_start3A_1560 = tpu.memref_squeeze %dma_start3A_1559 : memref<1x64x512xf32, #tpu.memory_space<vmem>> -> memref<64x512xf32, #tpu.memory_space<vmem>>
    tpu.enqueue_dma source(%dma_start3A_1560 : memref<64x512xf32, #tpu.memory_space<vmem>>) target(%dma_start3A_1556 : memref<64x512xf32, #tpu.memory_space<hbm>>) target_semaphore(%arg8 : memref<!tpu.dma_semaphore, #tpu.memory_space<semaphore_mem>>)
    %add3A_1561 = arith.constant 1600 : i32
    %add3A_1562 = arith.addi %mul3A_2, %add3A_1561 : i32
    %dma_wait3A_1563 = arith.constant 1 : i32
    %dma_wait3A_1564 = arith.constant 0 : i32
    %dma_wait3A_1565 = arith.constant 0 : i32
    %dma_wait3A_1566 = tpu.memref_slice %arg4[%dma_wait3A_1563, %dma_wait3A_1564, %dma_wait3A_1565] : memref<2x64x512xf32, #tpu.memory_space<vmem>> -> memref<1x64x512xf32, #tpu.memory_space<vmem>>
    %dma_wait3A_1567 = tpu.memref_squeeze %dma_wait3A_1566 : memref<1x64x512xf32, #tpu.memory_space<vmem>> -> memref<64x512xf32, #tpu.memory_space<vmem>>
    %dma_wait3A_1568 = arith.constant 0 : i32
    %dma_wait3A_1569 = tpu.memref_slice %arg3[%add3A_1562, %dma_wait3A_1568] : memref<65536x512xf32, #tpu.memory_space<hbm>> -> memref<64x512xf32, #tpu.memory_space<hbm>>
    %dma_wait3A_1570 = arith.constant 0 : i32
    %dma_wait3A_1571 = tpu.memref_slice %arg3[%add3A_1562, %dma_wait3A_1570] : memref<65536x512xf32, #tpu.memory_space<hbm>> -> memref<64x512xf32, #tpu.memory_space<hbm>>
    %dma_wait3A_1572 = arith.constant 0 : i32
    %dma_wait3A_1573 = arith.constant 0 : i32
    %dma_wait3A_1574 = tpu.memref_slice %arg4[%dma_wait3A_1563, %dma_wait3A_1572, %dma_wait3A_1573] : memref<2x64x512xf32, #tpu.memory_space<vmem>> -> memref<1x64x512xf32, #tpu.memory_space<vmem>>
    %dma_wait3A_1575 = tpu.memref_squeeze %dma_wait3A_1574 : memref<1x64x512xf32, #tpu.memory_space<vmem>> -> memref<64x512xf32, #tpu.memory_space<vmem>>
    tpu.wait_dma2 semaphore(%arg8 : memref<!tpu.dma_semaphore, #tpu.memory_space<semaphore_mem>>) src(%dma_wait3A_1575 : memref<64x512xf32, #tpu.memory_space<vmem>>) dst(%dma_wait3A_1571 : memref<64x512xf32, #tpu.memory_space<hbm>>)
    %add3A_1576 = arith.constant 1728 : i32
    %add3A_1577 = arith.addi %mul3A_2, %add3A_1576 : i32
    %dma_start3A_1578 = arith.constant 1 : i32
    %dma_start3A_1579 = arith.constant 0 : i32
    %dma_start3A_1580 = arith.constant 0 : i32
    %dma_start3A_1581 = tpu.memref_slice %arg4[%dma_start3A_1578, %dma_start3A_1579, %dma_start3A_1580] : memref<2x64x512xf32, #tpu.memory_space<vmem>> -> memref<1x64x512xf32, #tpu.memory_space<vmem>>
    %dma_start3A_1582 = tpu.memref_squeeze %dma_start3A_1581 : memref<1x64x512xf32, #tpu.memory_space<vmem>> -> memref<64x512xf32, #tpu.memory_space<vmem>>
    %dma_start3A_1583 = arith.constant 0 : i32
    %dma_start3A_1584 = tpu.memref_slice %arg2[%add3A_1577, %dma_start3A_1583] : memref<65536x512xf32, #tpu.memory_space<hbm>> -> memref<64x512xf32, #tpu.memory_space<hbm>>
    %dma_start3A_1585 = arith.constant 0 : i32
    %dma_start3A_1586 = arith.constant 0 : i32
    %dma_start3A_1587 = tpu.memref_slice %arg4[%dma_start3A_1578, %dma_start3A_1585, %dma_start3A_1586] : memref<2x64x512xf32, #tpu.memory_space<vmem>> -> memref<1x64x512xf32, #tpu.memory_space<vmem>>
    %dma_start3A_1588 = tpu.memref_squeeze %dma_start3A_1587 : memref<1x64x512xf32, #tpu.memory_space<vmem>> -> memref<64x512xf32, #tpu.memory_space<vmem>>
    %dma_start3A_1589 = arith.constant 0 : i32
    %dma_start3A_1590 = tpu.memref_slice %arg2[%add3A_1577, %dma_start3A_1589] : memref<65536x512xf32, #tpu.memory_space<hbm>> -> memref<64x512xf32, #tpu.memory_space<hbm>>
    tpu.enqueue_dma source(%dma_start3A_1590 : memref<64x512xf32, #tpu.memory_space<hbm>>) target(%dma_start3A_1588 : memref<64x512xf32, #tpu.memory_space<vmem>>) target_semaphore(%arg6 : memref<!tpu.dma_semaphore, #tpu.memory_space<semaphore_mem>>)
    %add3A_1591 = arith.constant 1664 : i32
    %add3A_1592 = arith.addi %mul3A_2, %add3A_1591 : i32
    %dma_wait3A_1593 = arith.constant 0 : i32
    %dma_wait3A_1594 = arith.constant 0 : i32
    %dma_wait3A_1595 = arith.constant 0 : i32
    %dma_wait3A_1596 = tpu.memref_slice %arg4[%dma_wait3A_1593, %dma_wait3A_1594, %dma_wait3A_1595] : memref<2x64x512xf32, #tpu.memory_space<vmem>> -> memref<1x64x512xf32, #tpu.memory_space<vmem>>
    %dma_wait3A_1597 = tpu.memref_squeeze %dma_wait3A_1596 : memref<1x64x512xf32, #tpu.memory_space<vmem>> -> memref<64x512xf32, #tpu.memory_space<vmem>>
    %dma_wait3A_1598 = arith.constant 0 : i32
    %dma_wait3A_1599 = tpu.memref_slice %arg2[%add3A_1592, %dma_wait3A_1598] : memref<65536x512xf32, #tpu.memory_space<hbm>> -> memref<64x512xf32, #tpu.memory_space<hbm>>
    %dma_wait3A_1600 = arith.constant 0 : i32
    %dma_wait3A_1601 = arith.constant 0 : i32
    %dma_wait3A_1602 = tpu.memref_slice %arg4[%dma_wait3A_1593, %dma_wait3A_1600, %dma_wait3A_1601] : memref<2x64x512xf32, #tpu.memory_space<vmem>> -> memref<1x64x512xf32, #tpu.memory_space<vmem>>
    %dma_wait3A_1603 = tpu.memref_squeeze %dma_wait3A_1602 : memref<1x64x512xf32, #tpu.memory_space<vmem>> -> memref<64x512xf32, #tpu.memory_space<vmem>>
    %dma_wait3A_1604 = arith.constant 0 : i32
    %dma_wait3A_1605 = tpu.memref_slice %arg2[%add3A_1592, %dma_wait3A_1604] : memref<65536x512xf32, #tpu.memory_space<hbm>> -> memref<64x512xf32, #tpu.memory_space<hbm>>
    tpu.wait_dma2 semaphore(%arg5 : memref<!tpu.dma_semaphore, #tpu.memory_space<semaphore_mem>>) src(%dma_wait3A_1605 : memref<64x512xf32, #tpu.memory_space<hbm>>) dst(%dma_wait3A_1603 : memref<64x512xf32, #tpu.memory_space<vmem>>)
    %add3A_1606 = arith.constant 1664 : i32
    %add3A_1607 = arith.addi %mul3A_2, %add3A_1606 : i32
    %dma_start3A_1608 = arith.constant 0 : i32
    %dma_start3A_1609 = arith.constant 0 : i32
    %dma_start3A_1610 = arith.constant 0 : i32
    %dma_start3A_1611 = tpu.memref_slice %arg4[%dma_start3A_1608, %dma_start3A_1609, %dma_start3A_1610] : memref<2x64x512xf32, #tpu.memory_space<vmem>> -> memref<1x64x512xf32, #tpu.memory_space<vmem>>
    %dma_start3A_1612 = tpu.memref_squeeze %dma_start3A_1611 : memref<1x64x512xf32, #tpu.memory_space<vmem>> -> memref<64x512xf32, #tpu.memory_space<vmem>>
    %dma_start3A_1613 = arith.constant 0 : i32
    %dma_start3A_1614 = tpu.memref_slice %arg3[%add3A_1607, %dma_start3A_1613] : memref<65536x512xf32, #tpu.memory_space<hbm>> -> memref<64x512xf32, #tpu.memory_space<hbm>>
    %dma_start3A_1615 = arith.constant 0 : i32
    %dma_start3A_1616 = tpu.memref_slice %arg3[%add3A_1607, %dma_start3A_1615] : memref<65536x512xf32, #tpu.memory_space<hbm>> -> memref<64x512xf32, #tpu.memory_space<hbm>>
    %dma_start3A_1617 = arith.constant 0 : i32
    %dma_start3A_1618 = arith.constant 0 : i32
    %dma_start3A_1619 = tpu.memref_slice %arg4[%dma_start3A_1608, %dma_start3A_1617, %dma_start3A_1618] : memref<2x64x512xf32, #tpu.memory_space<vmem>> -> memref<1x64x512xf32, #tpu.memory_space<vmem>>
    %dma_start3A_1620 = tpu.memref_squeeze %dma_start3A_1619 : memref<1x64x512xf32, #tpu.memory_space<vmem>> -> memref<64x512xf32, #tpu.memory_space<vmem>>
    tpu.enqueue_dma source(%dma_start3A_1620 : memref<64x512xf32, #tpu.memory_space<vmem>>) target(%dma_start3A_1616 : memref<64x512xf32, #tpu.memory_space<hbm>>) target_semaphore(%arg7 : memref<!tpu.dma_semaphore, #tpu.memory_space<semaphore_mem>>)
    %add3A_1621 = arith.constant 1664 : i32
    %add3A_1622 = arith.addi %mul3A_2, %add3A_1621 : i32
    %dma_wait3A_1623 = arith.constant 0 : i32
    %dma_wait3A_1624 = arith.constant 0 : i32
    %dma_wait3A_1625 = arith.constant 0 : i32
    %dma_wait3A_1626 = tpu.memref_slice %arg4[%dma_wait3A_1623, %dma_wait3A_1624, %dma_wait3A_1625] : memref<2x64x512xf32, #tpu.memory_space<vmem>> -> memref<1x64x512xf32, #tpu.memory_space<vmem>>
    %dma_wait3A_1627 = tpu.memref_squeeze %dma_wait3A_1626 : memref<1x64x512xf32, #tpu.memory_space<vmem>> -> memref<64x512xf32, #tpu.memory_space<vmem>>
    %dma_wait3A_1628 = arith.constant 0 : i32
    %dma_wait3A_1629 = tpu.memref_slice %arg3[%add3A_1622, %dma_wait3A_1628] : memref<65536x512xf32, #tpu.memory_space<hbm>> -> memref<64x512xf32, #tpu.memory_space<hbm>>
    %dma_wait3A_1630 = arith.constant 0 : i32
    %dma_wait3A_1631 = tpu.memref_slice %arg3[%add3A_1622, %dma_wait3A_1630] : memref<65536x512xf32, #tpu.memory_space<hbm>> -> memref<64x512xf32, #tpu.memory_space<hbm>>
    %dma_wait3A_1632 = arith.constant 0 : i32
    %dma_wait3A_1633 = arith.constant 0 : i32
    %dma_wait3A_1634 = tpu.memref_slice %arg4[%dma_wait3A_1623, %dma_wait3A_1632, %dma_wait3A_1633] : memref<2x64x512xf32, #tpu.memory_space<vmem>> -> memref<1x64x512xf32, #tpu.memory_space<vmem>>
    %dma_wait3A_1635 = tpu.memref_squeeze %dma_wait3A_1634 : memref<1x64x512xf32, #tpu.memory_space<vmem>> -> memref<64x512xf32, #tpu.memory_space<vmem>>
    tpu.wait_dma2 semaphore(%arg7 : memref<!tpu.dma_semaphore, #tpu.memory_space<semaphore_mem>>) src(%dma_wait3A_1635 : memref<64x512xf32, #tpu.memory_space<vmem>>) dst(%dma_wait3A_1631 : memref<64x512xf32, #tpu.memory_space<hbm>>)
    %add3A_1636 = arith.constant 1792 : i32
    %add3A_1637 = arith.addi %mul3A_2, %add3A_1636 : i32
    %dma_start3A_1638 = arith.constant 0 : i32
    %dma_start3A_1639 = arith.constant 0 : i32
    %dma_start3A_1640 = arith.constant 0 : i32
    %dma_start3A_1641 = tpu.memref_slice %arg4[%dma_start3A_1638, %dma_start3A_1639, %dma_start3A_1640] : memref<2x64x512xf32, #tpu.memory_space<vmem>> -> memref<1x64x512xf32, #tpu.memory_space<vmem>>
    %dma_start3A_1642 = tpu.memref_squeeze %dma_start3A_1641 : memref<1x64x512xf32, #tpu.memory_space<vmem>> -> memref<64x512xf32, #tpu.memory_space<vmem>>
    %dma_start3A_1643 = arith.constant 0 : i32
    %dma_start3A_1644 = tpu.memref_slice %arg2[%add3A_1637, %dma_start3A_1643] : memref<65536x512xf32, #tpu.memory_space<hbm>> -> memref<64x512xf32, #tpu.memory_space<hbm>>
    %dma_start3A_1645 = arith.constant 0 : i32
    %dma_start3A_1646 = arith.constant 0 : i32
    %dma_start3A_1647 = tpu.memref_slice %arg4[%dma_start3A_1638, %dma_start3A_1645, %dma_start3A_1646] : memref<2x64x512xf32, #tpu.memory_space<vmem>> -> memref<1x64x512xf32, #tpu.memory_space<vmem>>
    %dma_start3A_1648 = tpu.memref_squeeze %dma_start3A_1647 : memref<1x64x512xf32, #tpu.memory_space<vmem>> -> memref<64x512xf32, #tpu.memory_space<vmem>>
    %dma_start3A_1649 = arith.constant 0 : i32
    %dma_start3A_1650 = tpu.memref_slice %arg2[%add3A_1637, %dma_start3A_1649] : memref<65536x512xf32, #tpu.memory_space<hbm>> -> memref<64x512xf32, #tpu.memory_space<hbm>>
    tpu.enqueue_dma source(%dma_start3A_1650 : memref<64x512xf32, #tpu.memory_space<hbm>>) target(%dma_start3A_1648 : memref<64x512xf32, #tpu.memory_space<vmem>>) target_semaphore(%arg5 : memref<!tpu.dma_semaphore, #tpu.memory_space<semaphore_mem>>)
    %add3A_1651 = arith.constant 1728 : i32
    %add3A_1652 = arith.addi %mul3A_2, %add3A_1651 : i32
    %dma_wait3A_1653 = arith.constant 1 : i32
    %dma_wait3A_1654 = arith.constant 0 : i32
    %dma_wait3A_1655 = arith.constant 0 : i32
    %dma_wait3A_1656 = tpu.memref_slice %arg4[%dma_wait3A_1653, %dma_wait3A_1654, %dma_wait3A_1655] : memref<2x64x512xf32, #tpu.memory_space<vmem>> -> memref<1x64x512xf32, #tpu.memory_space<vmem>>
    %dma_wait3A_1657 = tpu.memref_squeeze %dma_wait3A_1656 : memref<1x64x512xf32, #tpu.memory_space<vmem>> -> memref<64x512xf32, #tpu.memory_space<vmem>>
    %dma_wait3A_1658 = arith.constant 0 : i32
    %dma_wait3A_1659 = tpu.memref_slice %arg2[%add3A_1652, %dma_wait3A_1658] : memref<65536x512xf32, #tpu.memory_space<hbm>> -> memref<64x512xf32, #tpu.memory_space<hbm>>
    %dma_wait3A_1660 = arith.constant 0 : i32
    %dma_wait3A_1661 = arith.constant 0 : i32
    %dma_wait3A_1662 = tpu.memref_slice %arg4[%dma_wait3A_1653, %dma_wait3A_1660, %dma_wait3A_1661] : memref<2x64x512xf32, #tpu.memory_space<vmem>> -> memref<1x64x512xf32, #tpu.memory_space<vmem>>
    %dma_wait3A_1663 = tpu.memref_squeeze %dma_wait3A_1662 : memref<1x64x512xf32, #tpu.memory_space<vmem>> -> memref<64x512xf32, #tpu.memory_space<vmem>>
    %dma_wait3A_1664 = arith.constant 0 : i32
    %dma_wait3A_1665 = tpu.memref_slice %arg2[%add3A_1652, %dma_wait3A_1664] : memref<65536x512xf32, #tpu.memory_space<hbm>> -> memref<64x512xf32, #tpu.memory_space<hbm>>
    tpu.wait_dma2 semaphore(%arg6 : memref<!tpu.dma_semaphore, #tpu.memory_space<semaphore_mem>>) src(%dma_wait3A_1665 : memref<64x512xf32, #tpu.memory_space<hbm>>) dst(%dma_wait3A_1663 : memref<64x512xf32, #tpu.memory_space<vmem>>)
    %add3A_1666 = arith.constant 1728 : i32
    %add3A_1667 = arith.addi %mul3A_2, %add3A_1666 : i32
    %dma_start3A_1668 = arith.constant 1 : i32
    %dma_start3A_1669 = arith.constant 0 : i32
    %dma_start3A_1670 = arith.constant 0 : i32
    %dma_start3A_1671 = tpu.memref_slice %arg4[%dma_start3A_1668, %dma_start3A_1669, %dma_start3A_1670] : memref<2x64x512xf32, #tpu.memory_space<vmem>> -> memref<1x64x512xf32, #tpu.memory_space<vmem>>
    %dma_start3A_1672 = tpu.memref_squeeze %dma_start3A_1671 : memref<1x64x512xf32, #tpu.memory_space<vmem>> -> memref<64x512xf32, #tpu.memory_space<vmem>>
    %dma_start3A_1673 = arith.constant 0 : i32
    %dma_start3A_1674 = tpu.memref_slice %arg3[%add3A_1667, %dma_start3A_1673] : memref<65536x512xf32, #tpu.memory_space<hbm>> -> memref<64x512xf32, #tpu.memory_space<hbm>>
    %dma_start3A_1675 = arith.constant 0 : i32
    %dma_start3A_1676 = tpu.memref_slice %arg3[%add3A_1667, %dma_start3A_1675] : memref<65536x512xf32, #tpu.memory_space<hbm>> -> memref<64x512xf32, #tpu.memory_space<hbm>>
    %dma_start3A_1677 = arith.constant 0 : i32
    %dma_start3A_1678 = arith.constant 0 : i32
    %dma_start3A_1679 = tpu.memref_slice %arg4[%dma_start3A_1668, %dma_start3A_1677, %dma_start3A_1678] : memref<2x64x512xf32, #tpu.memory_space<vmem>> -> memref<1x64x512xf32, #tpu.memory_space<vmem>>
    %dma_start3A_1680 = tpu.memref_squeeze %dma_start3A_1679 : memref<1x64x512xf32, #tpu.memory_space<vmem>> -> memref<64x512xf32, #tpu.memory_space<vmem>>
    tpu.enqueue_dma source(%dma_start3A_1680 : memref<64x512xf32, #tpu.memory_space<vmem>>) target(%dma_start3A_1676 : memref<64x512xf32, #tpu.memory_space<hbm>>) target_semaphore(%arg8 : memref<!tpu.dma_semaphore, #tpu.memory_space<semaphore_mem>>)
    %add3A_1681 = arith.constant 1728 : i32
    %add3A_1682 = arith.addi %mul3A_2, %add3A_1681 : i32
    %dma_wait3A_1683 = arith.constant 1 : i32
    %dma_wait3A_1684 = arith.constant 0 : i32
    %dma_wait3A_1685 = arith.constant 0 : i32
    %dma_wait3A_1686 = tpu.memref_slice %arg4[%dma_wait3A_1683, %dma_wait3A_1684, %dma_wait3A_1685] : memref<2x64x512xf32, #tpu.memory_space<vmem>> -> memref<1x64x512xf32, #tpu.memory_space<vmem>>
    %dma_wait3A_1687 = tpu.memref_squeeze %dma_wait3A_1686 : memref<1x64x512xf32, #tpu.memory_space<vmem>> -> memref<64x512xf32, #tpu.memory_space<vmem>>
    %dma_wait3A_1688 = arith.constant 0 : i32
    %dma_wait3A_1689 = tpu.memref_slice %arg3[%add3A_1682, %dma_wait3A_1688] : memref<65536x512xf32, #tpu.memory_space<hbm>> -> memref<64x512xf32, #tpu.memory_space<hbm>>
    %dma_wait3A_1690 = arith.constant 0 : i32
    %dma_wait3A_1691 = tpu.memref_slice %arg3[%add3A_1682, %dma_wait3A_1690] : memref<65536x512xf32, #tpu.memory_space<hbm>> -> memref<64x512xf32, #tpu.memory_space<hbm>>
    %dma_wait3A_1692 = arith.constant 0 : i32
    %dma_wait3A_1693 = arith.constant 0 : i32
    %dma_wait3A_1694 = tpu.memref_slice %arg4[%dma_wait3A_1683, %dma_wait3A_1692, %dma_wait3A_1693] : memref<2x64x512xf32, #tpu.memory_space<vmem>> -> memref<1x64x512xf32, #tpu.memory_space<vmem>>
    %dma_wait3A_1695 = tpu.memref_squeeze %dma_wait3A_1694 : memref<1x64x512xf32, #tpu.memory_space<vmem>> -> memref<64x512xf32, #tpu.memory_space<vmem>>
    tpu.wait_dma2 semaphore(%arg8 : memref<!tpu.dma_semaphore, #tpu.memory_space<semaphore_mem>>) src(%dma_wait3A_1695 : memref<64x512xf32, #tpu.memory_space<vmem>>) dst(%dma_wait3A_1691 : memref<64x512xf32, #tpu.memory_space<hbm>>)
    %add3A_1696 = arith.constant 1856 : i32
    %add3A_1697 = arith.addi %mul3A_2, %add3A_1696 : i32
    %dma_start3A_1698 = arith.constant 1 : i32
    %dma_start3A_1699 = arith.constant 0 : i32
    %dma_start3A_1700 = arith.constant 0 : i32
    %dma_start3A_1701 = tpu.memref_slice %arg4[%dma_start3A_1698, %dma_start3A_1699, %dma_start3A_1700] : memref<2x64x512xf32, #tpu.memory_space<vmem>> -> memref<1x64x512xf32, #tpu.memory_space<vmem>>
    %dma_start3A_1702 = tpu.memref_squeeze %dma_start3A_1701 : memref<1x64x512xf32, #tpu.memory_space<vmem>> -> memref<64x512xf32, #tpu.memory_space<vmem>>
    %dma_start3A_1703 = arith.constant 0 : i32
    %dma_start3A_1704 = tpu.memref_slice %arg2[%add3A_1697, %dma_start3A_1703] : memref<65536x512xf32, #tpu.memory_space<hbm>> -> memref<64x512xf32, #tpu.memory_space<hbm>>
    %dma_start3A_1705 = arith.constant 0 : i32
    %dma_start3A_1706 = arith.constant 0 : i32
    %dma_start3A_1707 = tpu.memref_slice %arg4[%dma_start3A_1698, %dma_start3A_1705, %dma_start3A_1706] : memref<2x64x512xf32, #tpu.memory_space<vmem>> -> memref<1x64x512xf32, #tpu.memory_space<vmem>>
    %dma_start3A_1708 = tpu.memref_squeeze %dma_start3A_1707 : memref<1x64x512xf32, #tpu.memory_space<vmem>> -> memref<64x512xf32, #tpu.memory_space<vmem>>
    %dma_start3A_1709 = arith.constant 0 : i32
    %dma_start3A_1710 = tpu.memref_slice %arg2[%add3A_1697, %dma_start3A_1709] : memref<65536x512xf32, #tpu.memory_space<hbm>> -> memref<64x512xf32, #tpu.memory_space<hbm>>
    tpu.enqueue_dma source(%dma_start3A_1710 : memref<64x512xf32, #tpu.memory_space<hbm>>) target(%dma_start3A_1708 : memref<64x512xf32, #tpu.memory_space<vmem>>) target_semaphore(%arg6 : memref<!tpu.dma_semaphore, #tpu.memory_space<semaphore_mem>>)
    %add3A_1711 = arith.constant 1792 : i32
    %add3A_1712 = arith.addi %mul3A_2, %add3A_1711 : i32
    %dma_wait3A_1713 = arith.constant 0 : i32
    %dma_wait3A_1714 = arith.constant 0 : i32
    %dma_wait3A_1715 = arith.constant 0 : i32
    %dma_wait3A_1716 = tpu.memref_slice %arg4[%dma_wait3A_1713, %dma_wait3A_1714, %dma_wait3A_1715] : memref<2x64x512xf32, #tpu.memory_space<vmem>> -> memref<1x64x512xf32, #tpu.memory_space<vmem>>
    %dma_wait3A_1717 = tpu.memref_squeeze %dma_wait3A_1716 : memref<1x64x512xf32, #tpu.memory_space<vmem>> -> memref<64x512xf32, #tpu.memory_space<vmem>>
    %dma_wait3A_1718 = arith.constant 0 : i32
    %dma_wait3A_1719 = tpu.memref_slice %arg2[%add3A_1712, %dma_wait3A_1718] : memref<65536x512xf32, #tpu.memory_space<hbm>> -> memref<64x512xf32, #tpu.memory_space<hbm>>
    %dma_wait3A_1720 = arith.constant 0 : i32
    %dma_wait3A_1721 = arith.constant 0 : i32
    %dma_wait3A_1722 = tpu.memref_slice %arg4[%dma_wait3A_1713, %dma_wait3A_1720, %dma_wait3A_1721] : memref<2x64x512xf32, #tpu.memory_space<vmem>> -> memref<1x64x512xf32, #tpu.memory_space<vmem>>
    %dma_wait3A_1723 = tpu.memref_squeeze %dma_wait3A_1722 : memref<1x64x512xf32, #tpu.memory_space<vmem>> -> memref<64x512xf32, #tpu.memory_space<vmem>>
    %dma_wait3A_1724 = arith.constant 0 : i32
    %dma_wait3A_1725 = tpu.memref_slice %arg2[%add3A_1712, %dma_wait3A_1724] : memref<65536x512xf32, #tpu.memory_space<hbm>> -> memref<64x512xf32, #tpu.memory_space<hbm>>
    tpu.wait_dma2 semaphore(%arg5 : memref<!tpu.dma_semaphore, #tpu.memory_space<semaphore_mem>>) src(%dma_wait3A_1725 : memref<64x512xf32, #tpu.memory_space<hbm>>) dst(%dma_wait3A_1723 : memref<64x512xf32, #tpu.memory_space<vmem>>)
    %add3A_1726 = arith.constant 1792 : i32
    %add3A_1727 = arith.addi %mul3A_2, %add3A_1726 : i32
    %dma_start3A_1728 = arith.constant 0 : i32
    %dma_start3A_1729 = arith.constant 0 : i32
    %dma_start3A_1730 = arith.constant 0 : i32
    %dma_start3A_1731 = tpu.memref_slice %arg4[%dma_start3A_1728, %dma_start3A_1729, %dma_start3A_1730] : memref<2x64x512xf32, #tpu.memory_space<vmem>> -> memref<1x64x512xf32, #tpu.memory_space<vmem>>
    %dma_start3A_1732 = tpu.memref_squeeze %dma_start3A_1731 : memref<1x64x512xf32, #tpu.memory_space<vmem>> -> memref<64x512xf32, #tpu.memory_space<vmem>>
    %dma_start3A_1733 = arith.constant 0 : i32
    %dma_start3A_1734 = tpu.memref_slice %arg3[%add3A_1727, %dma_start3A_1733] : memref<65536x512xf32, #tpu.memory_space<hbm>> -> memref<64x512xf32, #tpu.memory_space<hbm>>
    %dma_start3A_1735 = arith.constant 0 : i32
    %dma_start3A_1736 = tpu.memref_slice %arg3[%add3A_1727, %dma_start3A_1735] : memref<65536x512xf32, #tpu.memory_space<hbm>> -> memref<64x512xf32, #tpu.memory_space<hbm>>
    %dma_start3A_1737 = arith.constant 0 : i32
    %dma_start3A_1738 = arith.constant 0 : i32
    %dma_start3A_1739 = tpu.memref_slice %arg4[%dma_start3A_1728, %dma_start3A_1737, %dma_start3A_1738] : memref<2x64x512xf32, #tpu.memory_space<vmem>> -> memref<1x64x512xf32, #tpu.memory_space<vmem>>
    %dma_start3A_1740 = tpu.memref_squeeze %dma_start3A_1739 : memref<1x64x512xf32, #tpu.memory_space<vmem>> -> memref<64x512xf32, #tpu.memory_space<vmem>>
    tpu.enqueue_dma source(%dma_start3A_1740 : memref<64x512xf32, #tpu.memory_space<vmem>>) target(%dma_start3A_1736 : memref<64x512xf32, #tpu.memory_space<hbm>>) target_semaphore(%arg7 : memref<!tpu.dma_semaphore, #tpu.memory_space<semaphore_mem>>)
    %add3A_1741 = arith.constant 1792 : i32
    %add3A_1742 = arith.addi %mul3A_2, %add3A_1741 : i32
    %dma_wait3A_1743 = arith.constant 0 : i32
    %dma_wait3A_1744 = arith.constant 0 : i32
    %dma_wait3A_1745 = arith.constant 0 : i32
    %dma_wait3A_1746 = tpu.memref_slice %arg4[%dma_wait3A_1743, %dma_wait3A_1744, %dma_wait3A_1745] : memref<2x64x512xf32, #tpu.memory_space<vmem>> -> memref<1x64x512xf32, #tpu.memory_space<vmem>>
    %dma_wait3A_1747 = tpu.memref_squeeze %dma_wait3A_1746 : memref<1x64x512xf32, #tpu.memory_space<vmem>> -> memref<64x512xf32, #tpu.memory_space<vmem>>
    %dma_wait3A_1748 = arith.constant 0 : i32
    %dma_wait3A_1749 = tpu.memref_slice %arg3[%add3A_1742, %dma_wait3A_1748] : memref<65536x512xf32, #tpu.memory_space<hbm>> -> memref<64x512xf32, #tpu.memory_space<hbm>>
    %dma_wait3A_1750 = arith.constant 0 : i32
    %dma_wait3A_1751 = tpu.memref_slice %arg3[%add3A_1742, %dma_wait3A_1750] : memref<65536x512xf32, #tpu.memory_space<hbm>> -> memref<64x512xf32, #tpu.memory_space<hbm>>
    %dma_wait3A_1752 = arith.constant 0 : i32
    %dma_wait3A_1753 = arith.constant 0 : i32
    %dma_wait3A_1754 = tpu.memref_slice %arg4[%dma_wait3A_1743, %dma_wait3A_1752, %dma_wait3A_1753] : memref<2x64x512xf32, #tpu.memory_space<vmem>> -> memref<1x64x512xf32, #tpu.memory_space<vmem>>
    %dma_wait3A_1755 = tpu.memref_squeeze %dma_wait3A_1754 : memref<1x64x512xf32, #tpu.memory_space<vmem>> -> memref<64x512xf32, #tpu.memory_space<vmem>>
    tpu.wait_dma2 semaphore(%arg7 : memref<!tpu.dma_semaphore, #tpu.memory_space<semaphore_mem>>) src(%dma_wait3A_1755 : memref<64x512xf32, #tpu.memory_space<vmem>>) dst(%dma_wait3A_1751 : memref<64x512xf32, #tpu.memory_space<hbm>>)
    %add3A_1756 = arith.constant 1920 : i32
    %add3A_1757 = arith.addi %mul3A_2, %add3A_1756 : i32
    %dma_start3A_1758 = arith.constant 0 : i32
    %dma_start3A_1759 = arith.constant 0 : i32
    %dma_start3A_1760 = arith.constant 0 : i32
    %dma_start3A_1761 = tpu.memref_slice %arg4[%dma_start3A_1758, %dma_start3A_1759, %dma_start3A_1760] : memref<2x64x512xf32, #tpu.memory_space<vmem>> -> memref<1x64x512xf32, #tpu.memory_space<vmem>>
    %dma_start3A_1762 = tpu.memref_squeeze %dma_start3A_1761 : memref<1x64x512xf32, #tpu.memory_space<vmem>> -> memref<64x512xf32, #tpu.memory_space<vmem>>
    %dma_start3A_1763 = arith.constant 0 : i32
    %dma_start3A_1764 = tpu.memref_slice %arg2[%add3A_1757, %dma_start3A_1763] : memref<65536x512xf32, #tpu.memory_space<hbm>> -> memref<64x512xf32, #tpu.memory_space<hbm>>
    %dma_start3A_1765 = arith.constant 0 : i32
    %dma_start3A_1766 = arith.constant 0 : i32
    %dma_start3A_1767 = tpu.memref_slice %arg4[%dma_start3A_1758, %dma_start3A_1765, %dma_start3A_1766] : memref<2x64x512xf32, #tpu.memory_space<vmem>> -> memref<1x64x512xf32, #tpu.memory_space<vmem>>
    %dma_start3A_1768 = tpu.memref_squeeze %dma_start3A_1767 : memref<1x64x512xf32, #tpu.memory_space<vmem>> -> memref<64x512xf32, #tpu.memory_space<vmem>>
    %dma_start3A_1769 = arith.constant 0 : i32
    %dma_start3A_1770 = tpu.memref_slice %arg2[%add3A_1757, %dma_start3A_1769] : memref<65536x512xf32, #tpu.memory_space<hbm>> -> memref<64x512xf32, #tpu.memory_space<hbm>>
    tpu.enqueue_dma source(%dma_start3A_1770 : memref<64x512xf32, #tpu.memory_space<hbm>>) target(%dma_start3A_1768 : memref<64x512xf32, #tpu.memory_space<vmem>>) target_semaphore(%arg5 : memref<!tpu.dma_semaphore, #tpu.memory_space<semaphore_mem>>)
    %add3A_1771 = arith.constant 1856 : i32
    %add3A_1772 = arith.addi %mul3A_2, %add3A_1771 : i32
    %dma_wait3A_1773 = arith.constant 1 : i32
    %dma_wait3A_1774 = arith.constant 0 : i32
    %dma_wait3A_1775 = arith.constant 0 : i32
    %dma_wait3A_1776 = tpu.memref_slice %arg4[%dma_wait3A_1773, %dma_wait3A_1774, %dma_wait3A_1775] : memref<2x64x512xf32, #tpu.memory_space<vmem>> -> memref<1x64x512xf32, #tpu.memory_space<vmem>>
    %dma_wait3A_1777 = tpu.memref_squeeze %dma_wait3A_1776 : memref<1x64x512xf32, #tpu.memory_space<vmem>> -> memref<64x512xf32, #tpu.memory_space<vmem>>
    %dma_wait3A_1778 = arith.constant 0 : i32
    %dma_wait3A_1779 = tpu.memref_slice %arg2[%add3A_1772, %dma_wait3A_1778] : memref<65536x512xf32, #tpu.memory_space<hbm>> -> memref<64x512xf32, #tpu.memory_space<hbm>>
    %dma_wait3A_1780 = arith.constant 0 : i32
    %dma_wait3A_1781 = arith.constant 0 : i32
    %dma_wait3A_1782 = tpu.memref_slice %arg4[%dma_wait3A_1773, %dma_wait3A_1780, %dma_wait3A_1781] : memref<2x64x512xf32, #tpu.memory_space<vmem>> -> memref<1x64x512xf32, #tpu.memory_space<vmem>>
    %dma_wait3A_1783 = tpu.memref_squeeze %dma_wait3A_1782 : memref<1x64x512xf32, #tpu.memory_space<vmem>> -> memref<64x512xf32, #tpu.memory_space<vmem>>
    %dma_wait3A_1784 = arith.constant 0 : i32
    %dma_wait3A_1785 = tpu.memref_slice %arg2[%add3A_1772, %dma_wait3A_1784] : memref<65536x512xf32, #tpu.memory_space<hbm>> -> memref<64x512xf32, #tpu.memory_space<hbm>>
    tpu.wait_dma2 semaphore(%arg6 : memref<!tpu.dma_semaphore, #tpu.memory_space<semaphore_mem>>) src(%dma_wait3A_1785 : memref<64x512xf32, #tpu.memory_space<hbm>>) dst(%dma_wait3A_1783 : memref<64x512xf32, #tpu.memory_space<vmem>>)
    %add3A_1786 = arith.constant 1856 : i32
    %add3A_1787 = arith.addi %mul3A_2, %add3A_1786 : i32
    %dma_start3A_1788 = arith.constant 1 : i32
    %dma_start3A_1789 = arith.constant 0 : i32
    %dma_start3A_1790 = arith.constant 0 : i32
    %dma_start3A_1791 = tpu.memref_slice %arg4[%dma_start3A_1788, %dma_start3A_1789, %dma_start3A_1790] : memref<2x64x512xf32, #tpu.memory_space<vmem>> -> memref<1x64x512xf32, #tpu.memory_space<vmem>>
    %dma_start3A_1792 = tpu.memref_squeeze %dma_start3A_1791 : memref<1x64x512xf32, #tpu.memory_space<vmem>> -> memref<64x512xf32, #tpu.memory_space<vmem>>
    %dma_start3A_1793 = arith.constant 0 : i32
    %dma_start3A_1794 = tpu.memref_slice %arg3[%add3A_1787, %dma_start3A_1793] : memref<65536x512xf32, #tpu.memory_space<hbm>> -> memref<64x512xf32, #tpu.memory_space<hbm>>
    %dma_start3A_1795 = arith.constant 0 : i32
    %dma_start3A_1796 = tpu.memref_slice %arg3[%add3A_1787, %dma_start3A_1795] : memref<65536x512xf32, #tpu.memory_space<hbm>> -> memref<64x512xf32, #tpu.memory_space<hbm>>
    %dma_start3A_1797 = arith.constant 0 : i32
    %dma_start3A_1798 = arith.constant 0 : i32
    %dma_start3A_1799 = tpu.memref_slice %arg4[%dma_start3A_1788, %dma_start3A_1797, %dma_start3A_1798] : memref<2x64x512xf32, #tpu.memory_space<vmem>> -> memref<1x64x512xf32, #tpu.memory_space<vmem>>
    %dma_start3A_1800 = tpu.memref_squeeze %dma_start3A_1799 : memref<1x64x512xf32, #tpu.memory_space<vmem>> -> memref<64x512xf32, #tpu.memory_space<vmem>>
    tpu.enqueue_dma source(%dma_start3A_1800 : memref<64x512xf32, #tpu.memory_space<vmem>>) target(%dma_start3A_1796 : memref<64x512xf32, #tpu.memory_space<hbm>>) target_semaphore(%arg8 : memref<!tpu.dma_semaphore, #tpu.memory_space<semaphore_mem>>)
    %add3A_1801 = arith.constant 1856 : i32
    %add3A_1802 = arith.addi %mul3A_2, %add3A_1801 : i32
    %dma_wait3A_1803 = arith.constant 1 : i32
    %dma_wait3A_1804 = arith.constant 0 : i32
    %dma_wait3A_1805 = arith.constant 0 : i32
    %dma_wait3A_1806 = tpu.memref_slice %arg4[%dma_wait3A_1803, %dma_wait3A_1804, %dma_wait3A_1805] : memref<2x64x512xf32, #tpu.memory_space<vmem>> -> memref<1x64x512xf32, #tpu.memory_space<vmem>>
    %dma_wait3A_1807 = tpu.memref_squeeze %dma_wait3A_1806 : memref<1x64x512xf32, #tpu.memory_space<vmem>> -> memref<64x512xf32, #tpu.memory_space<vmem>>
    %dma_wait3A_1808 = arith.constant 0 : i32
    %dma_wait3A_1809 = tpu.memref_slice %arg3[%add3A_1802, %dma_wait3A_1808] : memref<65536x512xf32, #tpu.memory_space<hbm>> -> memref<64x512xf32, #tpu.memory_space<hbm>>
    %dma_wait3A_1810 = arith.constant 0 : i32
    %dma_wait3A_1811 = tpu.memref_slice %arg3[%add3A_1802, %dma_wait3A_1810] : memref<65536x512xf32, #tpu.memory_space<hbm>> -> memref<64x512xf32, #tpu.memory_space<hbm>>
    %dma_wait3A_1812 = arith.constant 0 : i32
    %dma_wait3A_1813 = arith.constant 0 : i32
    %dma_wait3A_1814 = tpu.memref_slice %arg4[%dma_wait3A_1803, %dma_wait3A_1812, %dma_wait3A_1813] : memref<2x64x512xf32, #tpu.memory_space<vmem>> -> memref<1x64x512xf32, #tpu.memory_space<vmem>>
    %dma_wait3A_1815 = tpu.memref_squeeze %dma_wait3A_1814 : memref<1x64x512xf32, #tpu.memory_space<vmem>> -> memref<64x512xf32, #tpu.memory_space<vmem>>
    tpu.wait_dma2 semaphore(%arg8 : memref<!tpu.dma_semaphore, #tpu.memory_space<semaphore_mem>>) src(%dma_wait3A_1815 : memref<64x512xf32, #tpu.memory_space<vmem>>) dst(%dma_wait3A_1811 : memref<64x512xf32, #tpu.memory_space<hbm>>)
    %add3A_1816 = arith.constant 1984 : i32
    %add3A_1817 = arith.addi %mul3A_2, %add3A_1816 : i32
    %dma_start3A_1818 = arith.constant 1 : i32
    %dma_start3A_1819 = arith.constant 0 : i32
    %dma_start3A_1820 = arith.constant 0 : i32
    %dma_start3A_1821 = tpu.memref_slice %arg4[%dma_start3A_1818, %dma_start3A_1819, %dma_start3A_1820] : memref<2x64x512xf32, #tpu.memory_space<vmem>> -> memref<1x64x512xf32, #tpu.memory_space<vmem>>
    %dma_start3A_1822 = tpu.memref_squeeze %dma_start3A_1821 : memref<1x64x512xf32, #tpu.memory_space<vmem>> -> memref<64x512xf32, #tpu.memory_space<vmem>>
    %dma_start3A_1823 = arith.constant 0 : i32
    %dma_start3A_1824 = tpu.memref_slice %arg2[%add3A_1817, %dma_start3A_1823] : memref<65536x512xf32, #tpu.memory_space<hbm>> -> memref<64x512xf32, #tpu.memory_space<hbm>>
    %dma_start3A_1825 = arith.constant 0 : i32
    %dma_start3A_1826 = arith.constant 0 : i32
    %dma_start3A_1827 = tpu.memref_slice %arg4[%dma_start3A_1818, %dma_start3A_1825, %dma_start3A_1826] : memref<2x64x512xf32, #tpu.memory_space<vmem>> -> memref<1x64x512xf32, #tpu.memory_space<vmem>>
    %dma_start3A_1828 = tpu.memref_squeeze %dma_start3A_1827 : memref<1x64x512xf32, #tpu.memory_space<vmem>> -> memref<64x512xf32, #tpu.memory_space<vmem>>
    %dma_start3A_1829 = arith.constant 0 : i32
    %dma_start3A_1830 = tpu.memref_slice %arg2[%add3A_1817, %dma_start3A_1829] : memref<65536x512xf32, #tpu.memory_space<hbm>> -> memref<64x512xf32, #tpu.memory_space<hbm>>
    tpu.enqueue_dma source(%dma_start3A_1830 : memref<64x512xf32, #tpu.memory_space<hbm>>) target(%dma_start3A_1828 : memref<64x512xf32, #tpu.memory_space<vmem>>) target_semaphore(%arg6 : memref<!tpu.dma_semaphore, #tpu.memory_space<semaphore_mem>>)
    %add3A_1831 = arith.constant 1920 : i32
    %add3A_1832 = arith.addi %mul3A_2, %add3A_1831 : i32
    %dma_wait3A_1833 = arith.constant 0 : i32
    %dma_wait3A_1834 = arith.constant 0 : i32
    %dma_wait3A_1835 = arith.constant 0 : i32
    %dma_wait3A_1836 = tpu.memref_slice %arg4[%dma_wait3A_1833, %dma_wait3A_1834, %dma_wait3A_1835] : memref<2x64x512xf32, #tpu.memory_space<vmem>> -> memref<1x64x512xf32, #tpu.memory_space<vmem>>
    %dma_wait3A_1837 = tpu.memref_squeeze %dma_wait3A_1836 : memref<1x64x512xf32, #tpu.memory_space<vmem>> -> memref<64x512xf32, #tpu.memory_space<vmem>>
    %dma_wait3A_1838 = arith.constant 0 : i32
    %dma_wait3A_1839 = tpu.memref_slice %arg2[%add3A_1832, %dma_wait3A_1838] : memref<65536x512xf32, #tpu.memory_space<hbm>> -> memref<64x512xf32, #tpu.memory_space<hbm>>
    %dma_wait3A_1840 = arith.constant 0 : i32
    %dma_wait3A_1841 = arith.constant 0 : i32
    %dma_wait3A_1842 = tpu.memref_slice %arg4[%dma_wait3A_1833, %dma_wait3A_1840, %dma_wait3A_1841] : memref<2x64x512xf32, #tpu.memory_space<vmem>> -> memref<1x64x512xf32, #tpu.memory_space<vmem>>
    %dma_wait3A_1843 = tpu.memref_squeeze %dma_wait3A_1842 : memref<1x64x512xf32, #tpu.memory_space<vmem>> -> memref<64x512xf32, #tpu.memory_space<vmem>>
    %dma_wait3A_1844 = arith.constant 0 : i32
    %dma_wait3A_1845 = tpu.memref_slice %arg2[%add3A_1832, %dma_wait3A_1844] : memref<65536x512xf32, #tpu.memory_space<hbm>> -> memref<64x512xf32, #tpu.memory_space<hbm>>
    tpu.wait_dma2 semaphore(%arg5 : memref<!tpu.dma_semaphore, #tpu.memory_space<semaphore_mem>>) src(%dma_wait3A_1845 : memref<64x512xf32, #tpu.memory_space<hbm>>) dst(%dma_wait3A_1843 : memref<64x512xf32, #tpu.memory_space<vmem>>)
    %add3A_1846 = arith.constant 1920 : i32
    %add3A_1847 = arith.addi %mul3A_2, %add3A_1846 : i32
    %dma_start3A_1848 = arith.constant 0 : i32
    %dma_start3A_1849 = arith.constant 0 : i32
    %dma_start3A_1850 = arith.constant 0 : i32
    %dma_start3A_1851 = tpu.memref_slice %arg4[%dma_start3A_1848, %dma_start3A_1849, %dma_start3A_1850] : memref<2x64x512xf32, #tpu.memory_space<vmem>> -> memref<1x64x512xf32, #tpu.memory_space<vmem>>
    %dma_start3A_1852 = tpu.memref_squeeze %dma_start3A_1851 : memref<1x64x512xf32, #tpu.memory_space<vmem>> -> memref<64x512xf32, #tpu.memory_space<vmem>>
    %dma_start3A_1853 = arith.constant 0 : i32
    %dma_start3A_1854 = tpu.memref_slice %arg3[%add3A_1847, %dma_start3A_1853] : memref<65536x512xf32, #tpu.memory_space<hbm>> -> memref<64x512xf32, #tpu.memory_space<hbm>>
    %dma_start3A_1855 = arith.constant 0 : i32
    %dma_start3A_1856 = tpu.memref_slice %arg3[%add3A_1847, %dma_start3A_1855] : memref<65536x512xf32, #tpu.memory_space<hbm>> -> memref<64x512xf32, #tpu.memory_space<hbm>>
    %dma_start3A_1857 = arith.constant 0 : i32
    %dma_start3A_1858 = arith.constant 0 : i32
    %dma_start3A_1859 = tpu.memref_slice %arg4[%dma_start3A_1848, %dma_start3A_1857, %dma_start3A_1858] : memref<2x64x512xf32, #tpu.memory_space<vmem>> -> memref<1x64x512xf32, #tpu.memory_space<vmem>>
    %dma_start3A_1860 = tpu.memref_squeeze %dma_start3A_1859 : memref<1x64x512xf32, #tpu.memory_space<vmem>> -> memref<64x512xf32, #tpu.memory_space<vmem>>
    tpu.enqueue_dma source(%dma_start3A_1860 : memref<64x512xf32, #tpu.memory_space<vmem>>) target(%dma_start3A_1856 : memref<64x512xf32, #tpu.memory_space<hbm>>) target_semaphore(%arg7 : memref<!tpu.dma_semaphore, #tpu.memory_space<semaphore_mem>>)
    %add3A_1861 = arith.constant 1984 : i32
    %add3A_1862 = arith.addi %mul3A_2, %add3A_1861 : i32
    %dma_wait3A_1863 = arith.constant 1 : i32
    %dma_wait3A_1864 = arith.constant 0 : i32
    %dma_wait3A_1865 = arith.constant 0 : i32
    %dma_wait3A_1866 = tpu.memref_slice %arg4[%dma_wait3A_1863, %dma_wait3A_1864, %dma_wait3A_1865] : memref<2x64x512xf32, #tpu.memory_space<vmem>> -> memref<1x64x512xf32, #tpu.memory_space<vmem>>
    %dma_wait3A_1867 = tpu.memref_squeeze %dma_wait3A_1866 : memref<1x64x512xf32, #tpu.memory_space<vmem>> -> memref<64x512xf32, #tpu.memory_space<vmem>>
    %dma_wait3A_1868 = arith.constant 0 : i32
    %dma_wait3A_1869 = tpu.memref_slice %arg2[%add3A_1862, %dma_wait3A_1868] : memref<65536x512xf32, #tpu.memory_space<hbm>> -> memref<64x512xf32, #tpu.memory_space<hbm>>
    %dma_wait3A_1870 = arith.constant 0 : i32
    %dma_wait3A_1871 = arith.constant 0 : i32
    %dma_wait3A_1872 = tpu.memref_slice %arg4[%dma_wait3A_1863, %dma_wait3A_1870, %dma_wait3A_1871] : memref<2x64x512xf32, #tpu.memory_space<vmem>> -> memref<1x64x512xf32, #tpu.memory_space<vmem>>
    %dma_wait3A_1873 = tpu.memref_squeeze %dma_wait3A_1872 : memref<1x64x512xf32, #tpu.memory_space<vmem>> -> memref<64x512xf32, #tpu.memory_space<vmem>>
    %dma_wait3A_1874 = arith.constant 0 : i32
    %dma_wait3A_1875 = tpu.memref_slice %arg2[%add3A_1862, %dma_wait3A_1874] : memref<65536x512xf32, #tpu.memory_space<hbm>> -> memref<64x512xf32, #tpu.memory_space<hbm>>
    tpu.wait_dma2 semaphore(%arg6 : memref<!tpu.dma_semaphore, #tpu.memory_space<semaphore_mem>>) src(%dma_wait3A_1875 : memref<64x512xf32, #tpu.memory_space<hbm>>) dst(%dma_wait3A_1873 : memref<64x512xf32, #tpu.memory_space<vmem>>)
    %add3A_1876 = arith.constant 1984 : i32
    %add3A_1877 = arith.addi %mul3A_2, %add3A_1876 : i32
    %dma_start3A_1878 = arith.constant 1 : i32
    %dma_start3A_1879 = arith.constant 0 : i32
    %dma_start3A_1880 = arith.constant 0 : i32
    %dma_start3A_1881 = tpu.memref_slice %arg4[%dma_start3A_1878, %dma_start3A_1879, %dma_start3A_1880] : memref<2x64x512xf32, #tpu.memory_space<vmem>> -> memref<1x64x512xf32, #tpu.memory_space<vmem>>
    %dma_start3A_1882 = tpu.memref_squeeze %dma_start3A_1881 : memref<1x64x512xf32, #tpu.memory_space<vmem>> -> memref<64x512xf32, #tpu.memory_space<vmem>>
    %dma_start3A_1883 = arith.constant 0 : i32
    %dma_start3A_1884 = tpu.memref_slice %arg3[%add3A_1877, %dma_start3A_1883] : memref<65536x512xf32, #tpu.memory_space<hbm>> -> memref<64x512xf32, #tpu.memory_space<hbm>>
    %dma_start3A_1885 = arith.constant 0 : i32
    %dma_start3A_1886 = tpu.memref_slice %arg3[%add3A_1877, %dma_start3A_1885] : memref<65536x512xf32, #tpu.memory_space<hbm>> -> memref<64x512xf32, #tpu.memory_space<hbm>>
    %dma_start3A_1887 = arith.constant 0 : i32
    %dma_start3A_1888 = arith.constant 0 : i32
    %dma_start3A_1889 = tpu.memref_slice %arg4[%dma_start3A_1878, %dma_start3A_1887, %dma_start3A_1888] : memref<2x64x512xf32, #tpu.memory_space<vmem>> -> memref<1x64x512xf32, #tpu.memory_space<vmem>>
    %dma_start3A_1890 = tpu.memref_squeeze %dma_start3A_1889 : memref<1x64x512xf32, #tpu.memory_space<vmem>> -> memref<64x512xf32, #tpu.memory_space<vmem>>
    tpu.enqueue_dma source(%dma_start3A_1890 : memref<64x512xf32, #tpu.memory_space<vmem>>) target(%dma_start3A_1886 : memref<64x512xf32, #tpu.memory_space<hbm>>) target_semaphore(%arg8 : memref<!tpu.dma_semaphore, #tpu.memory_space<semaphore_mem>>)
    %add3A_1891 = arith.constant 1920 : i32
    %add3A_1892 = arith.addi %mul3A_2, %add3A_1891 : i32
    %dma_wait3A_1893 = arith.constant 0 : i32
    %dma_wait3A_1894 = arith.constant 0 : i32
    %dma_wait3A_1895 = arith.constant 0 : i32
    %dma_wait3A_1896 = tpu.memref_slice %arg4[%dma_wait3A_1893, %dma_wait3A_1894, %dma_wait3A_1895] : memref<2x64x512xf32, #tpu.memory_space<vmem>> -> memref<1x64x512xf32, #tpu.memory_space<vmem>>
    %dma_wait3A_1897 = tpu.memref_squeeze %dma_wait3A_1896 : memref<1x64x512xf32, #tpu.memory_space<vmem>> -> memref<64x512xf32, #tpu.memory_space<vmem>>
    %dma_wait3A_1898 = arith.constant 0 : i32
    %dma_wait3A_1899 = tpu.memref_slice %arg3[%add3A_1892, %dma_wait3A_1898] : memref<65536x512xf32, #tpu.memory_space<hbm>> -> memref<64x512xf32, #tpu.memory_space<hbm>>
    %dma_wait3A_1900 = arith.constant 0 : i32
    %dma_wait3A_1901 = tpu.memref_slice %arg3[%add3A_1892, %dma_wait3A_1900] : memref<65536x512xf32, #tpu.memory_space<hbm>> -> memref<64x512xf32, #tpu.memory_space<hbm>>
    %dma_wait3A_1902 = arith.constant 0 : i32
    %dma_wait3A_1903 = arith.constant 0 : i32
    %dma_wait3A_1904 = tpu.memref_slice %arg4[%dma_wait3A_1893, %dma_wait3A_1902, %dma_wait3A_1903] : memref<2x64x512xf32, #tpu.memory_space<vmem>> -> memref<1x64x512xf32, #tpu.memory_space<vmem>>
    %dma_wait3A_1905 = tpu.memref_squeeze %dma_wait3A_1904 : memref<1x64x512xf32, #tpu.memory_space<vmem>> -> memref<64x512xf32, #tpu.memory_space<vmem>>
    tpu.wait_dma2 semaphore(%arg7 : memref<!tpu.dma_semaphore, #tpu.memory_space<semaphore_mem>>) src(%dma_wait3A_1905 : memref<64x512xf32, #tpu.memory_space<vmem>>) dst(%dma_wait3A_1901 : memref<64x512xf32, #tpu.memory_space<hbm>>)
    %add3A_1906 = arith.constant 1984 : i32
    %add3A_1907 = arith.addi %mul3A_2, %add3A_1906 : i32
    %dma_wait3A_1908 = arith.constant 1 : i32
    %dma_wait3A_1909 = arith.constant 0 : i32
    %dma_wait3A_1910 = arith.constant 0 : i32
    %dma_wait3A_1911 = tpu.memref_slice %arg4[%dma_wait3A_1908, %dma_wait3A_1909, %dma_wait3A_1910] : memref<2x64x512xf32, #tpu.memory_space<vmem>> -> memref<1x64x512xf32, #tpu.memory_space<vmem>>
    %dma_wait3A_1912 = tpu.memref_squeeze %dma_wait3A_1911 : memref<1x64x512xf32, #tpu.memory_space<vmem>> -> memref<64x512xf32, #tpu.memory_space<vmem>>
    %dma_wait3A_1913 = arith.constant 0 : i32
    %dma_wait3A_1914 = tpu.memref_slice %arg3[%add3A_1907, %dma_wait3A_1913] : memref<65536x512xf32, #tpu.memory_space<hbm>> -> memref<64x512xf32, #tpu.memory_space<hbm>>
    %dma_wait3A_1915 = arith.constant 0 : i32
    %dma_wait3A_1916 = tpu.memref_slice %arg3[%add3A_1907, %dma_wait3A_1915] : memref<65536x512xf32, #tpu.memory_space<hbm>> -> memref<64x512xf32, #tpu.memory_space<hbm>>
    %dma_wait3A_1917 = arith.constant 0 : i32
    %dma_wait3A_1918 = arith.constant 0 : i32
    %dma_wait3A_1919 = tpu.memref_slice %arg4[%dma_wait3A_1908, %dma_wait3A_1917, %dma_wait3A_1918] : memref<2x64x512xf32, #tpu.memory_space<vmem>> -> memref<1x64x512xf32, #tpu.memory_space<vmem>>
    %dma_wait3A_1920 = tpu.memref_squeeze %dma_wait3A_1919 : memref<1x64x512xf32, #tpu.memory_space<vmem>> -> memref<64x512xf32, #tpu.memory_space<vmem>>
    tpu.wait_dma2 semaphore(%arg8 : memref<!tpu.dma_semaphore, #tpu.memory_space<semaphore_mem>>) src(%dma_wait3A_1920 : memref<64x512xf32, #tpu.memory_space<vmem>>) dst(%dma_wait3A_1916 : memref<64x512xf32, #tpu.memory_space<hbm>>)
    return
  }
}

module attributes {stable_mosaic.version = 14 : i64} {
  func.func @_mask_body(%arg0: memref<16x4096xi32, #tpu.memory_space<vmem>>) attributes {dimension_semantics = [], scalar_prefetch = 0 : i64, scratch_operands = 0 : i64, tpu.core_type = #tpu.core_type<tc>} {
    %broadcast_in_dim3A = arith.constant true
    %broadcast_in_dim3A_0 = vector.broadcast %broadcast_in_dim3A : i1 to vector<16x4096xi1>
    %swap3A = arith.constant 0 : index
    %swap3A_1 = arith.constant 0 : index
    %swap3A_2 = vector.load %arg0[%swap3A, %swap3A_1] : memref<16x4096xi32, #tpu.memory_space<vmem>>, vector<16x4096xi32>
    %swap3A_3 = arith.extui %broadcast_in_dim3A_0 : vector<16x4096xi1> to vector<16x4096xi32>
    %swap3A_4 = arith.constant dense<0> : vector<16x4096xi32>
    %swap3A_5 = arith.cmpi ne, %swap3A_2, %swap3A_4 : vector<16x4096xi32>
    tpu.vector_store %arg0[%swap3A, %swap3A_1], %swap3A_3 {strides = array<i32>} : memref<16x4096xi32, #tpu.memory_space<vmem>>, vector<16x4096xi32>,
    return
  }
}

</mosaic_0001>

<sc_bundles>
// kernel: kernel.4.cloned.1.call-start
scs
__scs_entry_jumppad:
0x0: {  	(pc) =	sbr.rel $0x88, $3  }
0x1: {  	(tag) =	ssettag $0x0;
	lr =	simm.s32 $0x1  }
0x2: {  	[smem:$0x3FA0] =	sst lr;
	_ =	strace $0xD0000000  }
0x3: {  	_ = 	snop  }
0x4: {  	_ = 	snop  }
0x5: {  	_ = 	snop  }
0x6: {  	_ = 	snop  }
0x7: {  	_ = 	snop  }
__scs_overlays_trampoline_lowered:
0x8: {  	[smem:$0x3FAF] =	sst s0  }
0x9: {  	[smem:$0x3FB0] =	sst s1  }
0xa: {  	[smem:$0x3FB1] =	sst s2  }
0xb: {  	[smem:$0x3FB2] =	sst s3  }
0xc: {  	[smem:$0x3FB3] =	sst s4  }
0xd: {  	[smem:$0x3FB4] =	sst s5  }
0xe: {  	[smem:$0x3FB5] =	sst s6  }
0xf: {  	[smem:$0x3FB6] =	sst s7  }
0x10: {  	[smem:$0x3FB7] =	sst s8  }
0x11: {  	[smem:$0x3FB8] =	sst s9;
	s0 =	simm.s32 @!p0 $0x0  }
0x12: {  	s1 =	sld [smem:$0x3F9E];
	s0 =	simm.s32 @p0 $0x1  }
0x13: {  	[smem:$0x3FB9] =	sst s0;
	s0 =	simm.s32 @!p1 $0x0  }
0x14: {  	s2 =	sld [smem:$0x3F9D];
	s0 =	simm.s32 @p1 $0x1  }
0x15: {  	[smem:$0x3FBA] =	sst s0;
	s0 =	simm.s32 @!p2 $0x0  }
0x16: {  	s3 =	sld [smem:$0x3FDB];
	s0 =	simm.s32 @p2 $0x1  }
0x17: {  	s4 =	simm.s32 $0x1BF5;
	[smem:$0x3FBC] =	sst s0  }
0x18: {  	s0 =	sld [smem:$0x3F9F];
	_ =	swait.ge [sflag:s4], $0x0  }
0x19: {  	s7 =	sld [smem:$0x3FA0]  }
0x1a: {  	s8 =	sadd.s32 $0xFFFFE003, lr  }
0x1b: {  	s9 =	sadd.s32 $0xFFFFFEF7, lr;
	s5 =	simm.s32 $0xFFFFFFFF;
	p2 =	slt.u32 s8, $0xFFFFF086  }
0x1c: {  	p1 =	slt.u32 s9, $0xF7A;
	s5 =	simm.s32 @!p2 $0x0  }
0x1d: {  	s5 =	simm.s32 @p1 $0x1;
	p0 =	seq.s32 s7, s2  }
0x1e: {  	s7 =	smul.u32 @!p0 $0xF7A, s2;
	p2 =	seq.s32 @!p0 s5, $0x0  }
0x1f: {  	s9 =	smul.u32 $0xF7A, s1;
	s8 =	simm.s32 @!p0 $0x1BF5;
	p2 =	por !p2, p0  }
0x20: {  	[sflag:s8] =	ssyncset.s32 @!p0 $0xFFFFF086;
	s6 =	sadd.s32 @!p0 s3, s7;
	s7 =	simm.s32 @!p0 $0x108  }
0x21: {  	s3 =	sadd.s32 s3, s9;
	s6 =	sadd.s32 @!p0 $0x88, s6;
	s7 =	simm.s32 @p2 $0x1082  }
0x22: {  	[simem:s7], [sflag:s8] =	dma.local @!p0 [hbm:s6], $0xF7A  }
0x23: {  	s9 =	sor.u32 $0xD0000000, s2;
	s6 =	simm.s32 $0x108;
	_ =	swait.ge @!p0 [sflag:s8], $0x0  }
0x24: {  	s3 =	sadd.s32 $0x88, s3;
	s6 =	simm.s32 @!p1 $0x1082;
	[sflag:s4] =	ssyncset.s32 $0xFFFFF086  }
0x25: {  	[simem:s6], [sflag:s4] =	dma.local [hbm:s3], $0xF7A  }
0x26: {  	[smem:$0x3FA0] =	sst s1;
	(tag) =	ssettag s2;
	_ =	strace s9  }
0x27: {  	s1 =	sld [smem:$0x3FB0]  }
0x28: {  	s2 =	sld [smem:$0x3FB1]  }
0x29: {  	s4 =	sld [smem:$0x3FB3]  }
0x2a: {  	p0 =	seq.s32 s5, $0x0;
	s5 =	sld [smem:$0x3FB4]  }
0x2b: {  	s6 =	sld [smem:$0x3FB5]  }
0x2c: {  	s7 =	sld [smem:$0x3FB6]  }
0x2d: {  	s3 =	simm.s32 $0x108;
	s8 =	sld [smem:$0x3FB7]  }
0x2e: {  	s3 =	simm.s32 @!p0 $0x1082;
	s9 =	sld [smem:$0x3FB8]  }
0x2f: {  	lr =	sadd.s32 s0, s3;
	s0 =	sld [smem:$0x3FAF]  }
0x30: {  	s3 =	sld [smem:$0x3FB2]  }
0x31: {  	[smem:$0x3FBB] =	sst s10  }
0x32: {  	s10 =	sld [smem:$0x3FB9];
	_ =	sdelay $0x3  }
0x33: {  	p0 =	seq.s32 s10, $0x1;
	s10 =	sld [smem:$0x3FBB];
	_ =	sdelay $0x3  }
0x34: {  	[smem:$0x3FBB] =	sst s10  }
0x35: {  	s10 =	sld [smem:$0x3FBA];
	_ =	sdelay $0x3  }
0x36: {  	p1 =	seq.s32 s10, $0x1;
	s10 =	sld [smem:$0x3FBB];
	_ =	sdelay $0x3  }
0x37: {  	[smem:$0x3FBB] =	sst s10  }
0x38: {  	s10 =	sld [smem:$0x3FBC]  }
0x39: {  	_ = 	snop;
	(pc) =	sbr.ind lr, $3  }
0x3a: {  	_ = 	snop  }
0x3b: {  	_ = 	snop  }
0x3c: {  	p2 =	seq.s32 s10, $0x1;
	s10 =	sld [smem:$0x3FBB]  }
0x3d: {  	_ =	shalt  }
0x3e: {  	_ =	shalt  }
0x3f: {  	_ =	shalt  }
0x40: {  	_ =	shalt  }
0x41: {  	_ =	shalt  }
0x42: {  	_ =	shalt  }
0x43: {  	_ =	shalt  }
0x44: {  	_ =	shalt  }
0x45: {  	_ =	shalt  }
0x46: {  	_ =	shalt  }
0x47: {  	_ =	shalt  }
0x48: {  	_ =	shalt  }
0x49: {  	_ =	shalt  }
0x4a: {  	_ =	shalt  }
0x4b: {  	_ =	shalt  }
0x4c: {  	_ =	shalt  }
0x4d: {  	_ =	shalt  }
0x4e: {  	_ =	shalt  }
0x4f: {  	_ =	shalt  }
0x50: {  	_ =	shalt  }
0x51: {  	_ =	shalt  }
0x52: {  	_ =	shalt  }
0x53: {  	_ =	shalt  }
0x54: {  	_ =	shalt  }
0x55: {  	_ =	shalt  }
0x56: {  	_ =	shalt  }
0x57: {  	_ =	shalt  }
0x58: {  	_ =	shalt  }
0x59: {  	_ =	shalt  }
0x5a: {  	_ =	shalt  }
0x5b: {  	_ =	shalt  }
0x5c: {  	_ =	shalt  }
0x5d: {  	_ =	shalt  }
0x5e: {  	_ =	shalt  }
0x5f: {  	_ =	shalt  }
0x60: {  	_ =	shalt  }
0x61: {  	_ =	shalt  }
0x62: {  	_ =	shalt  }
0x63: {  	_ =	shalt  }
0x64: {  	_ =	shalt  }
0x65: {  	_ =	shalt  }
0x66: {  	_ =	shalt  }
0x67: {  	_ =	shalt  }
0x68: {  	_ =	shalt  }
0x69: {  	_ =	shalt  }
0x6a: {  	_ =	shalt  }
0x6b: {  	_ =	shalt  }
0x6c: {  	_ =	shalt  }
0x6d: {  	_ =	shalt  }
0x6e: {  	_ =	shalt  }
0x6f: {  	_ =	shalt  }
0x70: {  	_ =	shalt  }
0x71: {  	_ =	shalt  }
0x72: {  	_ =	shalt  }
0x73: {  	_ =	shalt  }
0x74: {  	_ =	shalt  }
0x75: {  	_ =	shalt  }
0x76: {  	_ =	shalt  }
0x77: {  	_ =	shalt  }
0x78: {  	_ =	shalt  }
0x79: {  	_ =	shalt  }
0x7a: {  	_ =	shalt  }
0x7b: {  	_ =	shalt  }
0x7c: {  	_ =	shalt  }
0x7d: {  	_ =	shalt  }
0x7e: {  	_ =	shalt  }
0x7f: {  	_ =	shalt  }
0x80: {  	_ =	shalt  }
0x81: {  	_ =	shalt  }
0x82: {  	_ =	shalt  }
0x83: {  	_ =	shalt  }
0x84: {  	_ =	shalt  }
0x85: {  	_ =	shalt  }
0x86: {  	_ =	shalt  }
0x87: {  	_ =	shalt  }
.Lfunc_end0:
.L_simem_size_0:
called_computation_lowered:
.L_overlay_start_0:
0x88: {  	s2 =	sld [smem:$0x3FD9]  }
0x89: {  	s3 =	sld [smem:$0x3FFE];
	_ =	sdelay $0x1  }
0x8a: {  	s1 =	srdreg.scid  }
0x8b: {  	s0 =	sand.u32 $0x1, s1  }
0x8c: {  	s15 =	sshll.u32 s0, $0xA;
	s2 =	sadd.s32 s3, s2  }
0x8d: {  	s2 =	sadd.s32 s2, s15  }
0x8e: {  	[smem:$0x3FC7] =	sst s2  }
0x8f: {  	_ = 	snop  }
0x90: {  	s2 =	sld [smem:$0x3FD0];
	_ =	sdelay $0x2  }
0x91: {  	s4 =	simm.s32 $0xA;
	s5 =	simm.s32 $0x10;
	s16 =	sld [smem:$0x3FC9]  }
0x92: {  	[smem:s5], [sflag:s4] =	dma.local [hbm:s2], $0x1  }
0x93: {  	_ =	swait.eq [sflag:s4], $0x1  }
0x94: {  	[sflag:s4] =	ssyncset.done $0x0  }
0x95: {  	[sflag:s4] =	ssyncadd.s32 $0xFFFFFFFF  }
0x96: {  	s17 =	sld [smem:$0x10];
	(tm) =	ssettm $0x1  }
0x97: {  	s18 =	sld [smem:$0x3FFB];
	_ =	sdelay $0x3  }
0x98: {  	_ =	strace s18  }
0x99: {  	s4 =	sld [smem:$0x3FFC];
	_ =	sdelay $0x3  }
0x9a: {  	_ =	strace s4  }
0x9b: {  	s4 =	sld [smem:$0x3FFD];
	_ =	sdelay $0x3  }
0x9c: {  	_ =	strace s4  }
0x9d: {  	_ =	strace $0x8FFFFFFF  }
0x9e: {  	s19 =	sld [smem:$0x3FDB];
	_ =	sdelay $0x1  }
0x9f: {  	s20 =	simm.s32 $_scs_section_size  }
0xa0: {  	s6 =	simm.s32 $_size__tile_overlayer_lowered;
	s7 =	simm.s32 $_tile_overlayer_lowered  }
0xa1: {  	s23 =	simm.s32 $0x1BFF;
	s22 =	sshll.u32 s7, $0x1;
	s4 =	sadd.s32 s20, s19  }
0xa2: {  	s8 =	simm.s32 $0x0;
	s21 =	sshll.u32 s6, $0x1;
	s6 =	sadd.s32 s22, s4  }
0xa3: {  	[timem:s8], [sflag:s23] =	dma.local [hbm:s6], s21  }
0xa4: {  	_ =	swait.ge [sflag:s23], s21  }
0xa5: {  	s5 =	ssub.s32 $0x0, s21;
	[sflag:s23] =	ssyncset.done $0x0  }
0xa6: {  	[sflag:s23] =	ssyncadd.s32 s5;
	_ =	sdelay $0x1  }
0xa7: {  	s24 =	simm.s32 $0x1B8B  }
0xa8: {  	_ =	swait.ge [sflag:s24], $0x1  }
0xa9: {  	[sflag:s24] =	ssyncset.done $0x0  }
0xaa: {  	s25 =	simm.s32 $0x1B8E;
	[sflag:s24] =	ssyncadd.s32 $0xFFFFFFFF  }
0xab: {  	s26 =	simm.s32 $execute0_lowered;
	[smem:$0x3FD2] =	sst s25  }
0xac: {  	s5 =	sshll.u32 s26, $0x1;
	_ =	strace $0x80000046;
	[dreg:$0x1] =	wrdreg $0xFFFFFFFF  }
0xad: {  	s28 =	simm.s32 $_size_execute0_lowered;
	s4 =	sadd.s32 s4, s5;
	[dreg:$0x0] =	wrdreg $0x0  }
0xae: {  	s5 =	sshll.u32 s28, $0x1;
	[dreg:$0x2] =	wrdreg s4  }
0xaf: {  	[dreg:$0x3] =	wrdreg s5  }
0xb0: {  	[dreg:$0x4] =	wrdreg $0xC0  }
0xb1: {  	_ =	task [dreg:s8], $0x5FFFF  }
0xb2: {  	[dreg:$0x1] =	wrdreg $0xFFFFFFFF  }
0xb3: {  	[dreg:$0x0] =	wrdreg $0x60  }
0xb4: {  	[dreg:$0x2] =	wrdreg s16  }
0xb5: {  	[dreg:$0x3] =	wrdreg s17  }
0xb6: {  	[dreg:$0x4] =	wrdreg $0x9  }
0xb7: {  	_ =	task.clear_ibuf [dreg:s8], $0x5FFFF;
	_ =	strace $0x90000046  }
0xb8: {  	s29 =	simm.s32 $0x9;
	_ =	strace $0x80000048  }
0xb9: {  	_ =	swait.ge [sflag:s29], $0x1  }
0xba: {  	[sflag:s29] =	ssyncadd.s32 $0xFFFFFFFF  }
0xbb: {  	_ =	strace $0x90000048  }
0xbc: {  	_ =	sfence  }
0xbd: {  	s30 =	sld [smem:$0x0];
	_ =	sdelay $0x2  }
0xbe: {  	s31 =	sshll.u32 s1, $0xD;
	s1 =	sshrl.u32 s1, $0x2  }
0xbf: {  	s3 =	sand.u32 $0x4000, s31;
	s1 =	sadd.s32 s1, s30  }
0xc0: {  	s0 =	sor.u32 s3, s0;
	s1 =	sshll.u32 s1, $0x11  }
0xc1: {  	s0 =	sor.u32 s1, s0  }
0xc2: {  	s0 =	sadd.s32 $0x8F2B, s0  }
0xc3: {  	[sflag:s0] =	ssyncadd.remote.s32 $0x1  }
0xc4: {  	_ =	sfence.sel $0xFFFF  }
0xc5: {  	[dreg:$0x0] =	wrdreg $0xFFFFFFFF;
	(pc) =	sbr.abs _section_cstart, $3  }
0xc6: {  	[dreg:$0x1] =	wrdreg $0xFFFFFFFF  }
0xc7: {  	_ =	task.clear_ibuf [dreg:s8], $0x2FFFF;
	_ =	strace $0x9FFFFFFF  }
0xc8: {  	(tm) =	ssettm $0x7FFFFFFF  }
0xc9: {  	_ =	shalt  }
tec
execute0_lowered:
.L_overlay_start_1:
0x0: {  	(tag) =	ssettag $0x1  }
0x1: {  	s1 =	srdreg.scid  }
0x2: {  	s3 =	rddreg [dreg:$0x0];
	s4 =	stileid.u32;
	s5 =	sand.u32 $0x1, s1  }
0x3: {  	s2 =	simm.s32 $0x0;
	s7 =	sshll.u32 s4, $0x12;
	s8 =	sshll.u32 s5, $0x11  }
0x4: {  	[smem:$0x7FF] =	sst s2;
	s4 =	sor.u32 s8, s7  }
0x5: {  	s0 =	rddreg [dreg:$0x1];
	_ =	strace $0x80000047;
	s1 =	sadd.s32 s3, s4  }
0x6: {  	s6 =	sor.u32 $0x1000, s4;
	s10 =	sadd.s32 s0, s4;
	[dreg:$0x3] =	wrdreg s1  }
0x7: {  	s7 =	sor.u32 $0x2000, s4;
	s9 =	sadd.s32 s3, s6;
	[dreg:$0x5] =	wrdreg s10  }
0x8: {  	s11 =	sadd.s32 s3, s7;
	[dreg:$0x4] =	wrdreg s9  }
0x9: {  	s13 =	sor.u32 $0x3000, s4;
	s12 =	sadd.s32 s0, s6;
	[dreg:$0x6] =	wrdreg s11  }
0xa: {  	s14 =	sadd.s32 s3, s13;
	[dreg:$0x7] =	wrdreg s12  }
0xb: {  	s16 =	sor.u32 $0x4000, s4;
	s15 =	sadd.s32 s0, s7;
	[dreg:$0x8] =	wrdreg s14  }
0xc: {  	s17 =	sadd.s32 s3, s16;
	[dreg:$0x9] =	wrdreg s15  }
0xd: {  	s19 =	sor.u32 $0x5000, s4;
	s18 =	sadd.s32 s0, s13;
	[dreg:$0xa] =	wrdreg s17  }
0xe: {  	s20 =	sadd.s32 s3, s19;
	[dreg:$0xb] =	wrdreg s18  }
0xf: {  	s22 =	sor.u32 $0x6000, s4;
	s21 =	sadd.s32 s0, s16;
	[dreg:$0xc] =	wrdreg s20  }
0x10: {  	s23 =	sadd.s32 s3, s22;
	[dreg:$0xd] =	wrdreg s21  }
0x11: {  	s25 =	sor.u32 $0x7000, s4;
	s24 =	sadd.s32 s0, s19;
	[dreg:$0xe] =	wrdreg s23  }
0x12: {  	s26 =	sadd.s32 s3, s25;
	[dreg:$0xf] =	wrdreg s24  }
0x13: {  	s7 =	sadd.s32 s0, s22;
	[dreg:$0x10] =	wrdreg s26  }
0x14: {  	s8 =	sor.u32 $0x8000, s4;
	s10 =	sadd.s32 s0, s25;
	[dreg:$0x11] =	wrdreg s7  }
0x15: {  	s13 =	sadd.s32 s0, s8;
	[dreg:$0x13] =	wrdreg s10  }
0x16: {  	[dreg:$0x15] =	wrdreg s13  }
0x17: {  	s9 =	sadd.s32 s3, s8;
	s11 =	sor.u32 $0x9000, s4;
	s1 =	rddreg [dreg:$0x3]  }
0x18: {  	s14 =	sor.u32 $0xA000, s4;
	[dreg:$0x12] =	wrdreg s9;
	s12 =	sadd.s32 s3, s11  }
0x19: {  	s15 =	sadd.s32 s3, s14;
	[dreg:$0x14] =	wrdreg s12  }
0x1a: {  	s17 =	sor.u32 $0xB000, s4;
	s16 =	sadd.s32 s0, s11;
	[dreg:$0x16] =	wrdreg s15  }
0x1b: {  	s18 =	sadd.s32 s3, s17;
	[dreg:$0x17] =	wrdreg s16  }
0x1c: {  	s20 =	sor.u32 $0xC000, s4;
	s19 =	sadd.s32 s0, s14;
	[dreg:$0x18] =	wrdreg s18  }
0x1d: {  	s21 =	sadd.s32 s3, s20;
	[dreg:$0x19] =	wrdreg s19  }
0x1e: {  	s23 =	sor.u32 $0xD000, s4;
	s22 =	sadd.s32 s0, s17;
	[dreg:$0x1a] =	wrdreg s21  }
0x1f: {  	p0 =	por $0x0, $0x0;
	s24 =	sadd.s32 s3, s23;
	[dreg:$0x1b] =	wrdreg s22  }
0x20: {  	s26 =	sor.u32 $0xE000, s4;
	s25 =	sadd.s32 s0, s20;
	[dreg:$0x1c] =	wrdreg s24  }
0x21: {  	s5 =	ssub.s32 $0x2, s5;
	s8 =	sadd.s32 s3, s26;
	[dreg:$0x1d] =	wrdreg s25  }
0x22: {  	s10 =	sor.u32 $0xF000, s4;
	s9 =	sadd.s32 s0, s23;
	[dreg:$0x1e] =	wrdreg s8  }
0x23: {  	s13 =	sor.u32 $0x10000, s4;
	s11 =	sadd.s32 s3, s10;
	[dreg:$0x1f] =	wrdreg s9  }
0x24: {  	s7 =	sor.u32 $0x1E000, s4;
	s14 =	sadd.s32 s3, s13;
	[smem:$0x7F2] =	sst s11  }
0x25: {  	s12 =	sadd.s32 s0, s26;
	[smem:$0x7F4] =	sst s14;
	s15 =	sadd.s32 s0, s10  }
0x26: {  	s16 =	sor.u32 $0x11000, s4;
	s18 =	sadd.s32 s0, s13;
	s19 =	sor.u32 $0x12000, s4  }
0x27: {  	s22 =	sor.u32 $0x13000, s4;
	s25 =	sor.u32 $0x14000, s4;
	s8 =	sshrl.u32 s5, $0x1  }
0x28: {  	s9 =	sor.u32 $0x16000, s4;
	s10 =	sor.u32 $0x17000, s4;
	[smem:$0x7F3] =	sst s12  }
0x29: {  	s11 =	sor.u32 $0x18000, s4;
	s13 =	sor.u32 $0x1A000, s4;
	[smem:$0x7F5] =	sst s15  }
0x2a: {  	s14 =	sor.u32 $0x1B000, s4;
	s17 =	sadd.s32 s3, s16;
	[smem:$0x7F7] =	sst s18  }
0x2b: {  	s20 =	sadd.s32 s3, s19;
	s21 =	sadd.s32 s0, s16;
	s23 =	sadd.s32 s3, s22  }
0x2c: {  	s24 =	sadd.s32 s0, s19;
	s26 =	sadd.s32 s3, s25;
	[smem:$0x7F6] =	sst s17  }
0x2d: {  	s5 =	ssub.s32 s5, s8;
	s6 =	sadd.s32 s0, s22;
	[smem:$0x7F8] =	sst s20  }
0x2e: {  	s8 =	sor.u32 $0x15000, s4;
	s30 =	sadd.s32 s0, s25;
	[smem:$0x7F9] =	sst s21  }
0x2f: {  	s29 =	sadd.s32 s3, s9;
	s25 =	sadd.s32 s0, s9;
	[smem:$0x7FA] =	sst s23  }
0x30: {  	s12 =	sor.u32 $0x19000, s4;
	s15 =	sor.u32 $0x1C000, s4;
	[smem:$0x7FB] =	sst s24  }
0x31: {  	s18 =	sadd.s32 s3, s14;
	s14 =	sadd.s32 s0, s14;
	[smem:$0x7FC] =	sst s26  }
0x32: {  	[smem:$0x7FD] =	sst s6;
	s31 =	sadd.s32 s3, s8;
	s28 =	sadd.s32 s0, s8  }
0x33: {  	s26 =	sadd.s32 s3, s10;
	s24 =	sadd.s32 s3, s11;
	s23 =	sadd.s32 s0, s10  }
0x34: {  	s22 =	sadd.s32 s3, s12;
	s21 =	sadd.s32 s0, s11;
	s20 =	sadd.s32 s3, s13  }
0x35: {  	s19 =	sadd.s32 s0, s12;
	s17 =	sadd.s32 s0, s13;
	s11 =	smax.u32 s5, $0x1  }
0x36: {  	s16 =	sadd.s32 s3, s15;
	s6 =	sor.u32 $0x1D000, s4;
	p1 =	sne.s32 s11, $0x1  }
.Ltmp0:
0x37: {  	s12 =	sadd.s32 s0, s15;
	s10 =	sor.u32 $0x1F000, s4;
	(pc) =	sbr.rel @!p1 .LBB2_3-.Ltmp0, $4  }
0x38: {  	s13 =	sadd.s32 s3, s7;
	s4 =	sadd.s32 s0, s7;
	s7 =	simm.s32 $0x8000  }
0x39: {  	s5 =	simm.s32 $0x4;
	s15 =	sadd.s32 s3, s6;
	s9 =	sadd.s32 s0, s6  }
0x3a: {  	s8 =	sadd.s32 s3, s10;
	s3 =	sadd.s32 s0, s10;
	s0 =	sadd.s32 $0xFFFFFFFF, s11  }
0x3b: {  	s11 =	simm.s32 $0x1;
	s6 =	simm.s32 $0x3;
	s10 =	simm.s32 $0x2  }
0x3c: {  	[smem:$0x7F1] =	sst s0  }
0x3d: {  	[tilespmem:s2], [sflag:$0x1] =	stream.linear.gather [hbm4b:s1+s2], $0x8000, $0x38;
	[tilespmem:$0x10000] =	vst v63  }
0x3e: {  	s0 =	rddreg [dreg:$0x4]  }
0x3f: {  	[tilespmem:s7], [sflag:$0x2] =	stream.linear.gather [hbm4b:s0+s2], $0x8000, $0x38;
	[tilespmem:$0x10000] =	vst v63  }
0x40: {  	_ =	swait.ge [sflag:s11], $0x8000  }
0x41: {  	[sflag:s11] =	ssyncset.done $0x0  }
0x42: {  	s1 =	rddreg [dreg:$0x5];
	[sflag:s11] =	ssyncadd.s32 $0xFFFF8000  }
0x43: {  	[hbm4b:s1+s2] =	stream.linear.scatter [tilespmem:s2], [sflag:$0x3], $0x8000, $0x38;
	[tilespmem:$0x10000] =	vst v63  }
0x44: {  	_ =	swait.ge [sflag:s6], $0x8000  }
0x45: {  	[sflag:s6] =	ssyncset.done $0x0  }
0x46: {  	s1 =	rddreg [dreg:$0x6];
	[sflag:s6] =	ssyncadd.s32 $0xFFFF8000  }
0x47: {  	[tilespmem:s2], [sflag:$0x1] =	stream.linear.gather [hbm4b:s1+s2], $0x8000, $0x38;
	[tilespmem:$0x10000] =	vst v63  }
0x48: {  	_ =	swait.ge [sflag:s10], $0x8000  }
0x49: {  	[sflag:s10] =	ssyncset.done $0x0  }
0x4a: {  	s1 =	rddreg [dreg:$0x7];
	[sflag:s10] =	ssyncadd.s32 $0xFFFF8000  }
0x4b: {  	[hbm4b:s1+s2] =	stream.linear.scatter [tilespmem:s7], [sflag:$0x4], $0x8000, $0x38;
	[tilespmem:$0x10000] =	vst v63  }
0x4c: {  	_ =	swait.ge [sflag:s5], $0x8000  }
0x4d: {  	[sflag:s5] =	ssyncset.done $0x0  }
0x4e: {  	s1 =	rddreg [dreg:$0x8];
	[sflag:s5] =	ssyncadd.s32 $0xFFFF8000  }
0x4f: {  	[tilespmem:s7], [sflag:$0x2] =	stream.linear.gather [hbm4b:s1+s2], $0x8000, $0x38;
	[tilespmem:$0x10000] =	vst v63  }
0x50: {  	_ =	swait.ge [sflag:s11], $0x8000  }
0x51: {  	[sflag:s11] =	ssyncset.done $0x0  }
0x52: {  	s1 =	rddreg [dreg:$0x9];
	[sflag:s11] =	ssyncadd.s32 $0xFFFF8000  }
0x53: {  	[hbm4b:s1+s2] =	stream.linear.scatter [tilespmem:s2], [sflag:$0x3], $0x8000, $0x38;
	[tilespmem:$0x10000] =	vst v63  }
0x54: {  	_ =	swait.ge [sflag:s6], $0x8000  }
0x55: {  	[sflag:s6] =	ssyncset.done $0x0  }
0x56: {  	s1 =	rddreg [dreg:$0xa];
	[sflag:s6] =	ssyncadd.s32 $0xFFFF8000  }
0x57: {  	[tilespmem:s2], [sflag:$0x1] =	stream.linear.gather [hbm4b:s1+s2], $0x8000, $0x38;
	[tilespmem:$0x10000] =	vst v63  }
0x58: {  	_ =	swait.ge [sflag:s10], $0x8000  }
0x59: {  	[sflag:s10] =	ssyncset.done $0x0  }
0x5a: {  	s1 =	rddreg [dreg:$0xb];
	[sflag:s10] =	ssyncadd.s32 $0xFFFF8000  }
0x5b: {  	[hbm4b:s1+s2] =	stream.linear.scatter [tilespmem:s7], [sflag:$0x4], $0x8000, $0x38;
	[tilespmem:$0x10000] =	vst v63  }
0x5c: {  	_ =	swait.ge [sflag:s5], $0x8000  }
0x5d: {  	[sflag:s5] =	ssyncset.done $0x0  }
0x5e: {  	s1 =	rddreg [dreg:$0xc];
	[sflag:s5] =	ssyncadd.s32 $0xFFFF8000  }
0x5f: {  	[tilespmem:s7], [sflag:$0x2] =	stream.linear.gather [hbm4b:s1+s2], $0x8000, $0x38;
	[tilespmem:$0x10000] =	vst v63  }
0x60: {  	_ =	swait.ge [sflag:s11], $0x8000  }
0x61: {  	[sflag:s11] =	ssyncset.done $0x0  }
0x62: {  	s1 =	rddreg [dreg:$0xd];
	[sflag:s11] =	ssyncadd.s32 $0xFFFF8000  }
0x63: {  	[hbm4b:s1+s2] =	stream.linear.scatter [tilespmem:s2], [sflag:$0x3], $0x8000, $0x38;
	[tilespmem:$0x10000] =	vst v63  }
0x64: {  	_ =	swait.ge [sflag:s6], $0x8000  }
0x65: {  	[sflag:s6] =	ssyncset.done $0x0  }
0x66: {  	s1 =	rddreg [dreg:$0xe];
	[sflag:s6] =	ssyncadd.s32 $0xFFFF8000  }
0x67: {  	[tilespmem:s2], [sflag:$0x1] =	stream.linear.gather [hbm4b:s1+s2], $0x8000, $0x38;
	[tilespmem:$0x10000] =	vst v63  }
0x68: {  	_ =	swait.ge [sflag:s10], $0x8000  }
0x69: {  	[sflag:s10] =	ssyncset.done $0x0  }
0x6a: {  	s1 =	rddreg [dreg:$0xf];
	[sflag:s10] =	ssyncadd.s32 $0xFFFF8000  }
0x6b: {  	[hbm4b:s1+s2] =	stream.linear.scatter [tilespmem:s7], [sflag:$0x4], $0x8000, $0x38;
	[tilespmem:$0x10000] =	vst v63  }
0x6c: {  	_ =	swait.ge [sflag:s5], $0x8000  }
0x6d: {  	[sflag:s5] =	ssyncset.done $0x0  }
0x6e: {  	s1 =	rddreg [dreg:$0x10];
	[sflag:s5] =	ssyncadd.s32 $0xFFFF8000  }
0x6f: {  	[tilespmem:s7], [sflag:$0x2] =	stream.linear.gather [hbm4b:s1+s2], $0x8000, $0x38;
	[tilespmem:$0x10000] =	vst v63  }
0x70: {  	_ =	swait.ge [sflag:s11], $0x8000  }
0x71: {  	[sflag:s11] =	ssyncset.done $0x0  }
0x72: {  	s1 =	rddreg [dreg:$0x11];
	[sflag:s11] =	ssyncadd.s32 $0xFFFF8000  }
0x73: {  	[hbm4b:s1+s2] =	stream.linear.scatter [tilespmem:s2], [sflag:$0x3], $0x8000, $0x38;
	[tilespmem:$0x10000] =	vst v63  }
0x74: {  	_ =	swait.ge [sflag:s6], $0x8000  }
0x75: {  	[sflag:s6] =	ssyncset.done $0x0  }
0x76: {  	s1 =	rddreg [dreg:$0x12];
	[sflag:s6] =	ssyncadd.s32 $0xFFFF8000  }
0x77: {  	[tilespmem:s2], [sflag:$0x1] =	stream.linear.gather [hbm4b:s1+s2], $0x8000, $0x38;
	[tilespmem:$0x10000] =	vst v63  }
0x78: {  	_ =	swait.ge [sflag:s10], $0x8000  }
0x79: {  	[sflag:s10] =	ssyncset.done $0x0  }
0x7a: {  	s1 =	rddreg [dreg:$0x13];
	[sflag:s10] =	ssyncadd.s32 $0xFFFF8000  }
0x7b: {  	[hbm4b:s1+s2] =	stream.linear.scatter [tilespmem:s7], [sflag:$0x4], $0x8000, $0x38;
	[tilespmem:$0x10000] =	vst v63  }
0x7c: {  	_ =	swait.ge [sflag:s5], $0x8000  }
0x7d: {  	[sflag:s5] =	ssyncset.done $0x0  }
0x7e: {  	s1 =	rddreg [dreg:$0x14];
	[sflag:s5] =	ssyncadd.s32 $0xFFFF8000  }
0x7f: {  	[tilespmem:s7], [sflag:$0x2] =	stream.linear.gather [hbm4b:s1+s2], $0x8000, $0x38;
	[tilespmem:$0x10000] =	vst v63  }
0x80: {  	_ =	swait.ge [sflag:s11], $0x8000  }
0x81: {  	[sflag:s11] =	ssyncset.done $0x0  }
0x82: {  	s1 =	rddreg [dreg:$0x15];
	[sflag:s11] =	ssyncadd.s32 $0xFFFF8000  }
0x83: {  	[hbm4b:s1+s2] =	stream.linear.scatter [tilespmem:s2], [sflag:$0x3], $0x8000, $0x38;
	[tilespmem:$0x10000] =	vst v63  }
0x84: {  	_ =	swait.ge [sflag:s6], $0x8000  }
0x85: {  	[sflag:s6] =	ssyncset.done $0x0  }
0x86: {  	s1 =	rddreg [dreg:$0x16];
	[sflag:s6] =	ssyncadd.s32 $0xFFFF8000  }
0x87: {  	[tilespmem:s2], [sflag:$0x1] =	stream.linear.gather [hbm4b:s1+s2], $0x8000, $0x38;
	[tilespmem:$0x10000] =	vst v63  }
0x88: {  	_ =	swait.ge [sflag:s10], $0x8000  }
0x89: {  	[sflag:s10] =	ssyncset.done $0x0  }
0x8a: {  	s1 =	rddreg [dreg:$0x17];
	[sflag:s10] =	ssyncadd.s32 $0xFFFF8000  }
0x8b: {  	[hbm4b:s1+s2] =	stream.linear.scatter [tilespmem:s7], [sflag:$0x4], $0x8000, $0x38;
	[tilespmem:$0x10000] =	vst v63  }
0x8c: {  	_ =	swait.ge [sflag:s5], $0x8000  }
0x8d: {  	[sflag:s5] =	ssyncset.done $0x0  }
0x8e: {  	s1 =	rddreg [dreg:$0x18];
	[sflag:s5] =	ssyncadd.s32 $0xFFFF8000  }
0x8f: {  	[tilespmem:s7], [sflag:$0x2] =	stream.linear.gather [hbm4b:s1+s2], $0x8000, $0x38;
	[tilespmem:$0x10000] =	vst v63  }
0x90: {  	_ =	swait.ge [sflag:s11], $0x8000  }
0x91: {  	[sflag:s11] =	ssyncset.done $0x0  }
0x92: {  	s1 =	rddreg [dreg:$0x19];
	[sflag:s11] =	ssyncadd.s32 $0xFFFF8000  }
0x93: {  	[hbm4b:s1+s2] =	stream.linear.scatter [tilespmem:s2], [sflag:$0x3], $0x8000, $0x38;
	[tilespmem:$0x10000] =	vst v63  }
0x94: {  	_ =	swait.ge [sflag:s6], $0x8000  }
0x95: {  	[sflag:s6] =	ssyncset.done $0x0  }
0x96: {  	s1 =	rddreg [dreg:$0x1a];
	[sflag:s6] =	ssyncadd.s32 $0xFFFF8000  }
0x97: {  	[tilespmem:s2], [sflag:$0x1] =	stream.linear.gather [hbm4b:s1+s2], $0x8000, $0x38;
	[tilespmem:$0x10000] =	vst v63  }
0x98: {  	_ =	swait.ge [sflag:s10], $0x8000  }
0x99: {  	[sflag:s10] =	ssyncset.done $0x0  }
0x9a: {  	s1 =	rddreg [dreg:$0x1b];
	[sflag:s10] =	ssyncadd.s32 $0xFFFF8000  }
0x9b: {  	[hbm4b:s1+s2] =	stream.linear.scatter [tilespmem:s7], [sflag:$0x4], $0x8000, $0x38;
	[tilespmem:$0x10000] =	vst v63  }
0x9c: {  	_ =	swait.ge [sflag:s5], $0x8000  }
0x9d: {  	[sflag:s5] =	ssyncset.done $0x0  }
0x9e: {  	s1 =	rddreg [dreg:$0x1c];
	[sflag:s5] =	ssyncadd.s32 $0xFFFF8000  }
0x9f: {  	[tilespmem:s7], [sflag:$0x2] =	stream.linear.gather [hbm4b:s1+s2], $0x8000, $0x38;
	[tilespmem:$0x10000] =	vst v63  }
0xa0: {  	_ =	swait.ge [sflag:s11], $0x8000  }
0xa1: {  	[sflag:s11] =	ssyncset.done $0x0  }
0xa2: {  	s1 =	rddreg [dreg:$0x1d];
	[sflag:s11] =	ssyncadd.s32 $0xFFFF8000  }
0xa3: {  	[hbm4b:s1+s2] =	stream.linear.scatter [tilespmem:s2], [sflag:$0x3], $0x8000, $0x38;
	[tilespmem:$0x10000] =	vst v63  }
0xa4: {  	_ =	swait.ge [sflag:s6], $0x8000  }
0xa5: {  	[sflag:s6] =	ssyncset.done $0x0  }
0xa6: {  	s1 =	rddreg [dreg:$0x1e];
	[sflag:s6] =	ssyncadd.s32 $0xFFFF8000  }
0xa7: {  	[tilespmem:s2], [sflag:$0x1] =	stream.linear.gather [hbm4b:s1+s2], $0x8000, $0x38;
	[tilespmem:$0x10000] =	vst v63  }
0xa8: {  	_ =	swait.ge [sflag:s10], $0x8000  }
0xa9: {  	[sflag:s10] =	ssyncset.done $0x0  }
0xaa: {  	s1 =	rddreg [dreg:$0x1f];
	[sflag:s10] =	ssyncadd.s32 $0xFFFF8000  }
0xab: {  	[hbm4b:s1+s2] =	stream.linear.scatter [tilespmem:s7], [sflag:$0x4], $0x8000, $0x38;
	[tilespmem:$0x10000] =	vst v63  }
0xac: {  	_ =	swait.ge [sflag:s5], $0x8000  }
0xad: {  	s1 =	sld [smem:$0x7F2]  }
0xae: {  	[sflag:s5] =	ssyncset.done $0x0  }
0xaf: {  	[sflag:s5] =	ssyncadd.s32 $0xFFFF8000  }
0xb0: {  	[tilespmem:s7], [sflag:$0x2] =	stream.linear.gather [hbm4b:s1+s2], $0x8000, $0x38;
	[tilespmem:$0x10000] =	vst v63  }
0xb1: {  	_ =	swait.ge [sflag:s11], $0x8000  }
0xb2: {  	s1 =	sld [smem:$0x7F3]  }
0xb3: {  	[sflag:s11] =	ssyncset.done $0x0  }
0xb4: {  	[sflag:s11] =	ssyncadd.s32 $0xFFFF8000  }
0xb5: {  	[hbm4b:s1+s2] =	stream.linear.scatter [tilespmem:s2], [sflag:$0x3], $0x8000, $0x38;
	[tilespmem:$0x10000] =	vst v63  }
0xb6: {  	_ =	swait.ge [sflag:s6], $0x8000  }
0xb7: {  	s1 =	sld [smem:$0x7F4]  }
0xb8: {  	[sflag:s6] =	ssyncset.done $0x0  }
0xb9: {  	[sflag:s6] =	ssyncadd.s32 $0xFFFF8000  }
0xba: {  	[tilespmem:s2], [sflag:$0x1] =	stream.linear.gather [hbm4b:s1+s2], $0x8000, $0x38;
	[tilespmem:$0x10000] =	vst v63  }
0xbb: {  	_ =	swait.ge [sflag:s10], $0x8000  }
0xbc: {  	s1 =	sld [smem:$0x7F5]  }
0xbd: {  	[sflag:s10] =	ssyncset.done $0x0  }
0xbe: {  	[sflag:s10] =	ssyncadd.s32 $0xFFFF8000  }
0xbf: {  	[hbm4b:s1+s2] =	stream.linear.scatter [tilespmem:s7], [sflag:$0x4], $0x8000, $0x38;
	[tilespmem:$0x10000] =	vst v63  }
0xc0: {  	_ =	swait.ge [sflag:s5], $0x8000  }
0xc1: {  	s1 =	sld [smem:$0x7F6]  }
0xc2: {  	[sflag:s5] =	ssyncset.done $0x0  }
0xc3: {  	[sflag:s5] =	ssyncadd.s32 $0xFFFF8000  }
0xc4: {  	[tilespmem:s7], [sflag:$0x2] =	stream.linear.gather [hbm4b:s1+s2], $0x8000, $0x38;
	[tilespmem:$0x10000] =	vst v63  }
0xc5: {  	_ =	swait.ge [sflag:s11], $0x8000  }
0xc6: {  	s1 =	sld [smem:$0x7F7]  }
0xc7: {  	[sflag:s11] =	ssyncset.done $0x0  }
0xc8: {  	[sflag:s11] =	ssyncadd.s32 $0xFFFF8000  }
0xc9: {  	[hbm4b:s1+s2] =	stream.linear.scatter [tilespmem:s2], [sflag:$0x3], $0x8000, $0x38;
	[tilespmem:$0x10000] =	vst v63  }
0xca: {  	_ =	swait.ge [sflag:s6], $0x8000  }
0xcb: {  	s1 =	sld [smem:$0x7F8]  }
0xcc: {  	[sflag:s6] =	ssyncset.done $0x0  }
0xcd: {  	[sflag:s6] =	ssyncadd.s32 $0xFFFF8000  }
0xce: {  	[tilespmem:s2], [sflag:$0x1] =	stream.linear.gather [hbm4b:s1+s2], $0x8000, $0x38;
	[tilespmem:$0x10000] =	vst v63  }
0xcf: {  	_ =	swait.ge [sflag:s10], $0x8000  }
0xd0: {  	s1 =	sld [smem:$0x7F9]  }
0xd1: {  	[sflag:s10] =	ssyncset.done $0x0  }
0xd2: {  	[sflag:s10] =	ssyncadd.s32 $0xFFFF8000  }
0xd3: {  	[hbm4b:s1+s2] =	stream.linear.scatter [tilespmem:s7], [sflag:$0x4], $0x8000, $0x38;
	[tilespmem:$0x10000] =	vst v63  }
0xd4: {  	_ =	swait.ge [sflag:s5], $0x8000  }
0xd5: {  	s1 =	sld [smem:$0x7FA]  }
0xd6: {  	[sflag:s5] =	ssyncset.done $0x0  }
0xd7: {  	[sflag:s5] =	ssyncadd.s32 $0xFFFF8000  }
0xd8: {  	[tilespmem:s7], [sflag:$0x2] =	stream.linear.gather [hbm4b:s1+s2], $0x8000, $0x38;
	[tilespmem:$0x10000] =	vst v63  }
0xd9: {  	_ =	swait.ge [sflag:s11], $0x8000  }
0xda: {  	s1 =	sld [smem:$0x7FB]  }
0xdb: {  	[sflag:s11] =	ssyncset.done $0x0  }
0xdc: {  	[sflag:s11] =	ssyncadd.s32 $0xFFFF8000  }
0xdd: {  	[hbm4b:s1+s2] =	stream.linear.scatter [tilespmem:s2], [sflag:$0x3], $0x8000, $0x38;
	[tilespmem:$0x10000] =	vst v63  }
0xde: {  	_ =	swait.ge [sflag:s6], $0x8000  }
0xdf: {  	s1 =	sld [smem:$0x7FC]  }
0xe0: {  	[sflag:s6] =	ssyncset.done $0x0  }
0xe1: {  	[sflag:s6] =	ssyncadd.s32 $0xFFFF8000  }
0xe2: {  	[tilespmem:s2], [sflag:$0x1] =	stream.linear.gather [hbm4b:s1+s2], $0x8000, $0x38;
	[tilespmem:$0x10000] =	vst v63  }
0xe3: {  	_ =	swait.ge [sflag:s10], $0x8000  }
0xe4: {  	s1 =	sld [smem:$0x7FD]  }
0xe5: {  	[sflag:s10] =	ssyncset.done $0x0  }
0xe6: {  	[sflag:s10] =	ssyncadd.s32 $0xFFFF8000  }
0xe7: {  	[hbm4b:s1+s2] =	stream.linear.scatter [tilespmem:s7], [sflag:$0x4], $0x8000, $0x38;
	[tilespmem:$0x10000] =	vst v63  }
0xe8: {  	_ =	swait.ge [sflag:s5], $0x8000  }
0xe9: {  	[sflag:s5] =	ssyncset.done $0x0  }
0xea: {  	[sflag:s5] =	ssyncadd.s32 $0xFFFF8000  }
0xeb: {  	[tilespmem:s7], [sflag:$0x2] =	stream.linear.gather [hbm4b:s31+s2], $0x8000, $0x38;
	[tilespmem:$0x10000] =	vst v63  }
0xec: {  	_ =	swait.ge [sflag:s11], $0x8000  }
0xed: {  	[sflag:s11] =	ssyncset.done $0x0  }
0xee: {  	[sflag:s11] =	ssyncadd.s32 $0xFFFF8000  }
0xef: {  	[hbm4b:s30+s2] =	stream.linear.scatter [tilespmem:s2], [sflag:$0x3], $0x8000, $0x38;
	[tilespmem:$0x10000] =	vst v63  }
0xf0: {  	_ =	swait.ge [sflag:s6], $0x8000  }
0xf1: {  	[sflag:s6] =	ssyncset.done $0x0  }
0xf2: {  	[sflag:s6] =	ssyncadd.s32 $0xFFFF8000  }
0xf3: {  	[tilespmem:s2], [sflag:$0x1] =	stream.linear.gather [hbm4b:s29+s2], $0x8000, $0x38;
	[tilespmem:$0x10000] =	vst v63  }
0xf4: {  	_ =	swait.ge [sflag:s10], $0x8000  }
0xf5: {  	[sflag:s10] =	ssyncset.done $0x0  }
0xf6: {  	[sflag:s10] =	ssyncadd.s32 $0xFFFF8000  }
0xf7: {  	[hbm4b:s28+s2] =	stream.linear.scatter [tilespmem:s7], [sflag:$0x4], $0x8000, $0x38;
	[tilespmem:$0x10000] =	vst v63  }
0xf8: {  	_ =	swait.ge [sflag:s5], $0x8000  }
0xf9: {  	[sflag:s5] =	ssyncset.done $0x0  }
0xfa: {  	[sflag:s5] =	ssyncadd.s32 $0xFFFF8000  }
0xfb: {  	[tilespmem:s7], [sflag:$0x2] =	stream.linear.gather [hbm4b:s26+s2], $0x8000, $0x38;
	[tilespmem:$0x10000] =	vst v63  }
0xfc: {  	_ =	swait.ge [sflag:s11], $0x8000  }
0xfd: {  	[sflag:s11] =	ssyncset.done $0x0  }
0xfe: {  	[sflag:s11] =	ssyncadd.s32 $0xFFFF8000  }
0xff: {  	[hbm4b:s25+s2] =	stream.linear.scatter [tilespmem:s2], [sflag:$0x3], $0x8000, $0x38;
	[tilespmem:$0x10000] =	vst v63  }
0x100: {  	_ =	swait.ge [sflag:s6], $0x8000  }
0x101: {  	[sflag:s6] =	ssyncset.done $0x0  }
0x102: {  	[sflag:s6] =	ssyncadd.s32 $0xFFFF8000  }
0x103: {  	[tilespmem:s2], [sflag:$0x1] =	stream.linear.gather [hbm4b:s24+s2], $0x8000, $0x38;
	[tilespmem:$0x10000] =	vst v63  }
0x104: {  	_ =	swait.ge [sflag:s10], $0x8000  }
0x105: {  	[sflag:s10] =	ssyncset.done $0x0  }
0x106: {  	[sflag:s10] =	ssyncadd.s32 $0xFFFF8000  }
0x107: {  	[hbm4b:s23+s2] =	stream.linear.scatter [tilespmem:s7], [sflag:$0x4], $0x8000, $0x38;
	[tilespmem:$0x10000] =	vst v63  }
0x108: {  	_ =	swait.ge [sflag:s5], $0x8000  }
0x109: {  	[sflag:s5] =	ssyncset.done $0x0  }
0x10a: {  	[sflag:s5] =	ssyncadd.s32 $0xFFFF8000  }
0x10b: {  	[tilespmem:s7], [sflag:$0x2] =	stream.linear.gather [hbm4b:s22+s2], $0x8000, $0x38;
	[tilespmem:$0x10000] =	vst v63  }
0x10c: {  	_ =	swait.ge [sflag:s11], $0x8000  }
0x10d: {  	[sflag:s11] =	ssyncset.done $0x0  }
0x10e: {  	[sflag:s11] =	ssyncadd.s32 $0xFFFF8000  }
0x10f: {  	[hbm4b:s21+s2] =	stream.linear.scatter [tilespmem:s2], [sflag:$0x3], $0x8000, $0x38;
	[tilespmem:$0x10000] =	vst v63  }
0x110: {  	_ =	swait.ge [sflag:s6], $0x8000  }
0x111: {  	[sflag:s6] =	ssyncset.done $0x0  }
0x112: {  	[sflag:s6] =	ssyncadd.s32 $0xFFFF8000  }
0x113: {  	[tilespmem:s2], [sflag:$0x1] =	stream.linear.gather [hbm4b:s20+s2], $0x8000, $0x38;
	[tilespmem:$0x10000] =	vst v63  }
0x114: {  	_ =	swait.ge [sflag:s10], $0x8000  }
0x115: {  	[sflag:s10] =	ssyncset.done $0x0  }
0x116: {  	[sflag:s10] =	ssyncadd.s32 $0xFFFF8000  }
0x117: {  	[hbm4b:s19+s2] =	stream.linear.scatter [tilespmem:s7], [sflag:$0x4], $0x8000, $0x38;
	[tilespmem:$0x10000] =	vst v63  }
0x118: {  	_ =	swait.ge [sflag:s5], $0x8000  }
0x119: {  	[sflag:s5] =	ssyncset.done $0x0  }
0x11a: {  	[sflag:s5] =	ssyncadd.s32 $0xFFFF8000  }
0x11b: {  	[tilespmem:s7], [sflag:$0x2] =	stream.linear.gather [hbm4b:s18+s2], $0x8000, $0x38;
	[tilespmem:$0x10000] =	vst v63  }
0x11c: {  	_ =	swait.ge [sflag:s11], $0x8000  }
0x11d: {  	[sflag:s11] =	ssyncset.done $0x0  }
0x11e: {  	[sflag:s11] =	ssyncadd.s32 $0xFFFF8000  }
0x11f: {  	[hbm4b:s17+s2] =	stream.linear.scatter [tilespmem:s2], [sflag:$0x3], $0x8000, $0x38;
	[tilespmem:$0x10000] =	vst v63  }
0x120: {  	_ =	swait.ge [sflag:s6], $0x8000  }
0x121: {  	[sflag:s6] =	ssyncset.done $0x0  }
0x122: {  	[sflag:s6] =	ssyncadd.s32 $0xFFFF8000  }
0x123: {  	[tilespmem:s2], [sflag:$0x1] =	stream.linear.gather [hbm4b:s16+s2], $0x8000, $0x38;
	[tilespmem:$0x10000] =	vst v63  }
0x124: {  	_ =	swait.ge [sflag:s10], $0x8000  }
0x125: {  	[sflag:s10] =	ssyncset.done $0x0  }
0x126: {  	[sflag:s10] =	ssyncadd.s32 $0xFFFF8000  }
0x127: {  	[hbm4b:s14+s2] =	stream.linear.scatter [tilespmem:s7], [sflag:$0x4], $0x8000, $0x38;
	[tilespmem:$0x10000] =	vst v63  }
0x128: {  	_ =	swait.ge [sflag:s5], $0x8000  }
0x129: {  	[sflag:s5] =	ssyncset.done $0x0  }
0x12a: {  	[sflag:s5] =	ssyncadd.s32 $0xFFFF8000  }
0x12b: {  	[tilespmem:s7], [sflag:$0x2] =	stream.linear.gather [hbm4b:s15+s2], $0x8000, $0x38;
	[tilespmem:$0x10000] =	vst v63  }
0x12c: {  	_ =	swait.ge [sflag:s11], $0x8000  }
0x12d: {  	[sflag:s11] =	ssyncset.done $0x0  }
0x12e: {  	[sflag:s11] =	ssyncadd.s32 $0xFFFF8000  }
0x12f: {  	[hbm4b:s12+s2] =	stream.linear.scatter [tilespmem:s2], [sflag:$0x3], $0x8000, $0x38;
	[tilespmem:$0x10000] =	vst v63  }
0x130: {  	_ =	swait.ge [sflag:s6], $0x8000  }
0x131: {  	[sflag:s6] =	ssyncset.done $0x0  }
0x132: {  	[sflag:s6] =	ssyncadd.s32 $0xFFFF8000  }
0x133: {  	[tilespmem:s2], [sflag:$0x1] =	stream.linear.gather [hbm4b:s13+s2], $0x8000, $0x38;
	[tilespmem:$0x10000] =	vst v63  }
0x134: {  	_ =	swait.ge [sflag:s10], $0x8000  }
0x135: {  	[sflag:s10] =	ssyncset.done $0x0  }
0x136: {  	[sflag:s10] =	ssyncadd.s32 $0xFFFF8000  }
0x137: {  	[hbm4b:s9+s2] =	stream.linear.scatter [tilespmem:s7], [sflag:$0x4], $0x8000, $0x38;
	[tilespmem:$0x10000] =	vst v63  }
0x138: {  	_ =	swait.ge [sflag:s5], $0x8000  }
0x139: {  	[sflag:s5] =	ssyncset.done $0x0  }
0x13a: {  	[sflag:s5] =	ssyncadd.s32 $0xFFFF8000  }
0x13b: {  	[tilespmem:s7], [sflag:$0x2] =	stream.linear.gather [hbm4b:s8+s2], $0x8000, $0x38;
	[tilespmem:$0x10000] =	vst v63  }
0x13c: {  	_ =	swait.ge [sflag:s11], $0x8000  }
0x13d: {  	[sflag:s11] =	ssyncset.done $0x0  }
0x13e: {  	[sflag:s11] =	ssyncadd.s32 $0xFFFF8000  }
0x13f: {  	[hbm4b:s4+s2] =	stream.linear.scatter [tilespmem:s2], [sflag:$0x3], $0x8000, $0x38;
	[tilespmem:$0x10000] =	vst v63  }
0x140: {  	_ =	swait.ge [sflag:s10], $0x8000  }
0x141: {  	[sflag:s10] =	ssyncset.done $0x0  }
0x142: {  	[sflag:s10] =	ssyncadd.s32 $0xFFFF8000  }
0x143: {  	[hbm4b:s3+s2] =	stream.linear.scatter [tilespmem:s7], [sflag:$0x4], $0x8000, $0x38;
	[tilespmem:$0x10000] =	vst v63  }
0x144: {  	_ =	swait.ge [sflag:s6], $0x8000  }
0x145: {  	s1 =	sld [smem:$0x7F1];
	_ =	sdelay $0x2  }
0x146: {  	p1 =	sne.s32 s1, $0x1  }
.Ltmp1:
0x147: {  	_ = 	snop;
	(pc) =	sbr.rel @!p1 .LBB2_3-.Ltmp1, $4  }
0x148: {  	[sflag:s6] =	ssyncset.done $0x0  }
0x149: {  	[sflag:s6] =	ssyncadd.s32 $0xFFFF8000  }
0x14a: {  	p0 =	por $0x1, $0x1;
	_ =	swait.ge [sflag:s5], $0x8000  }
0x14b: {  	s0 =	sadd.s32 $0xFFFFFFFF, s1;
	s1 =	rddreg [dreg:$0x3];
	[sflag:s5] =	ssyncset.done $0x0  }
.LBB2_2:
0x14c: {  	p1 =	sne.s32 s0, $0x1  }
0x14d: {  	s7 =	sadd.s32 $0xFFFFFFFF, s0;
	[sflag:s5] =	ssyncadd.s32 $0xFFFF8000;
	s5 =	simm.s32 $0x8000  }
0x14e: {  	s0 =	smov.u32 s31;
	s31 =	smov.u32 s30;
	s30 =	smov.u32 s29  }
0x14f: {  	s29 =	smov.u32 s28;
	s28 =	smov.u32 s26;
	s26 =	smov.u32 s25  }
0x150: {  	s25 =	smov.u32 s24;
	s24 =	smov.u32 s23;
	s23 =	smov.u32 s22  }
0x151: {  	s22 =	smov.u32 s21;
	s21 =	smov.u32 s20;
	s20 =	smov.u32 s19  }
0x152: {  	s19 =	smov.u32 s18;
	s18 =	smov.u32 s17;
	s17 =	smov.u32 s16  }
0x153: {  	s16 =	smov.u32 s15;
	s15 =	smov.u32 s14;
	s14 =	smov.u32 s13  }
0x154: {  	s13 =	smov.u32 s12;
	s12 =	smov.u32 s9;
	s9 =	smov.u32 s8  }
0x155: {  	[tilespmem:s2], [sflag:$0x1] =	stream.linear.gather [hbm4b:s1+s2], $0x8000, $0x38;
	[tilespmem:$0x10000] =	vst v63  }
0x156: {  	s8 =	smov.u32 s4;
	s4 =	smov.u32 s3;
	s3 =	rddreg [dreg:$0x4]  }
0x157: {  	[tilespmem:s5], [sflag:$0x2] =	stream.linear.gather [hbm4b:s3+s2], $0x8000, $0x38;
	[tilespmem:$0x10000] =	vst v63  }
0x158: {  	s5 =	simm.s32 $0x4;
	s3 =	smov.u32 s4  }
0x159: {  	s4 =	smov.u32 s8;
	s8 =	smov.u32 s9;
	s9 =	smov.u32 s12  }
0x15a: {  	s12 =	smov.u32 s13;
	s13 =	smov.u32 s14;
	s14 =	smov.u32 s15  }
0x15b: {  	s15 =	smov.u32 s16;
	s16 =	smov.u32 s17;
	s17 =	smov.u32 s18  }
0x15c: {  	s18 =	smov.u32 s19;
	s19 =	smov.u32 s20;
	_ =	swait.ge [sflag:s11], $0x8000  }
0x15d: {  	s20 =	smov.u32 s21;
	s21 =	smov.u32 s22;
	[sflag:s11] =	ssyncset.done $0x0  }
0x15e: {  	s22 =	smov.u32 s23;
	s1 =	rddreg [dreg:$0x5];
	[sflag:s11] =	ssyncadd.s32 $0xFFFF8000  }
0x15f: {  	[hbm4b:s1+s2] =	stream.linear.scatter [tilespmem:s2], [sflag:$0x3], $0x8000, $0x38;
	[tilespmem:$0x10000] =	vst v63  }
0x160: {  	s23 =	smov.u32 s24;
	s24 =	smov.u32 s25;
	_ =	swait.ge [sflag:s6], $0x8000  }
0x161: {  	s25 =	smov.u32 s26;
	s26 =	smov.u32 s28;
	[sflag:s6] =	ssyncset.done $0x0  }
0x162: {  	s28 =	smov.u32 s29;
	s1 =	rddreg [dreg:$0x6];
	[sflag:s6] =	ssyncadd.s32 $0xFFFF8000  }
0x163: {  	[tilespmem:s2], [sflag:$0x1] =	stream.linear.gather [hbm4b:s1+s2], $0x8000, $0x38;
	[tilespmem:$0x10000] =	vst v63  }
0x164: {  	s29 =	smov.u32 s30;
	s30 =	smov.u32 s31;
	_ =	swait.ge [sflag:s10], $0x8000  }
0x165: {  	s31 =	smov.u32 s0;
	s0 =	smov.u32 s7;
	[sflag:s10] =	ssyncset.done $0x0  }
0x166: {  	s7 =	simm.s32 $0x8000;
	s1 =	rddreg [dreg:$0x7];
	[sflag:s10] =	ssyncadd.s32 $0xFFFF8000  }
0x167: {  	[hbm4b:s1+s2] =	stream.linear.scatter [tilespmem:s7], [sflag:$0x4], $0x8000, $0x38;
	[tilespmem:$0x10000] =	vst v63  }
0x168: {  	_ =	swait.ge [sflag:s5], $0x8000  }
0x169: {  	[sflag:s5] =	ssyncset.done $0x0  }
0x16a: {  	s1 =	rddreg [dreg:$0x8];
	[sflag:s5] =	ssyncadd.s32 $0xFFFF8000  }
0x16b: {  	[tilespmem:s7], [sflag:$0x2] =	stream.linear.gather [hbm4b:s1+s2], $0x8000, $0x38;
	[tilespmem:$0x10000] =	vst v63  }
0x16c: {  	_ =	swait.ge [sflag:s11], $0x8000  }
0x16d: {  	[sflag:s11] =	ssyncset.done $0x0  }
0x16e: {  	s1 =	rddreg [dreg:$0x9];
	[sflag:s11] =	ssyncadd.s32 $0xFFFF8000  }
0x16f: {  	[hbm4b:s1+s2] =	stream.linear.scatter [tilespmem:s2], [sflag:$0x3], $0x8000, $0x38;
	[tilespmem:$0x10000] =	vst v63  }
0x170: {  	_ =	swait.ge [sflag:s6], $0x8000  }
0x171: {  	[sflag:s6] =	ssyncset.done $0x0  }
0x172: {  	s1 =	rddreg [dreg:$0xa];
	[sflag:s6] =	ssyncadd.s32 $0xFFFF8000  }
0x173: {  	[tilespmem:s2], [sflag:$0x1] =	stream.linear.gather [hbm4b:s1+s2], $0x8000, $0x38;
	[tilespmem:$0x10000] =	vst v63  }
0x174: {  	_ =	swait.ge [sflag:s10], $0x8000  }
0x175: {  	[sflag:s10] =	ssyncset.done $0x0  }
0x176: {  	s1 =	rddreg [dreg:$0xb];
	[sflag:s10] =	ssyncadd.s32 $0xFFFF8000  }
0x177: {  	[hbm4b:s1+s2] =	stream.linear.scatter [tilespmem:s7], [sflag:$0x4], $0x8000, $0x38;
	[tilespmem:$0x10000] =	vst v63  }
0x178: {  	_ =	swait.ge [sflag:s5], $0x8000  }
0x179: {  	[sflag:s5] =	ssyncset.done $0x0  }
0x17a: {  	s1 =	rddreg [dreg:$0xc];
	[sflag:s5] =	ssyncadd.s32 $0xFFFF8000  }
0x17b: {  	[tilespmem:s7], [sflag:$0x2] =	stream.linear.gather [hbm4b:s1+s2], $0x8000, $0x38;
	[tilespmem:$0x10000] =	vst v63  }
0x17c: {  	_ =	swait.ge [sflag:s11], $0x8000  }
0x17d: {  	[sflag:s11] =	ssyncset.done $0x0  }
0x17e: {  	s1 =	rddreg [dreg:$0xd];
	[sflag:s11] =	ssyncadd.s32 $0xFFFF8000  }
0x17f: {  	[hbm4b:s1+s2] =	stream.linear.scatter [tilespmem:s2], [sflag:$0x3], $0x8000, $0x38;
	[tilespmem:$0x10000] =	vst v63  }
0x180: {  	_ =	swait.ge [sflag:s6], $0x8000  }
0x181: {  	[sflag:s6] =	ssyncset.done $0x0  }
0x182: {  	s1 =	rddreg [dreg:$0xe];
	[sflag:s6] =	ssyncadd.s32 $0xFFFF8000  }
0x183: {  	[tilespmem:s2], [sflag:$0x1] =	stream.linear.gather [hbm4b:s1+s2], $0x8000, $0x38;
	[tilespmem:$0x10000] =	vst v63  }
0x184: {  	_ =	swait.ge [sflag:s10], $0x8000  }
0x185: {  	[sflag:s10] =	ssyncset.done $0x0  }
0x186: {  	s1 =	rddreg [dreg:$0xf];
	[sflag:s10] =	ssyncadd.s32 $0xFFFF8000  }
0x187: {  	[hbm4b:s1+s2] =	stream.linear.scatter [tilespmem:s7], [sflag:$0x4], $0x8000, $0x38;
	[tilespmem:$0x10000] =	vst v63  }
0x188: {  	_ =	swait.ge [sflag:s5], $0x8000  }
0x189: {  	[sflag:s5] =	ssyncset.done $0x0  }
0x18a: {  	s1 =	rddreg [dreg:$0x10];
	[sflag:s5] =	ssyncadd.s32 $0xFFFF8000  }
0x18b: {  	[tilespmem:s7], [sflag:$0x2] =	stream.linear.gather [hbm4b:s1+s2], $0x8000, $0x38;
	[tilespmem:$0x10000] =	vst v63  }
0x18c: {  	_ =	swait.ge [sflag:s11], $0x8000  }
0x18d: {  	[sflag:s11] =	ssyncset.done $0x0  }
0x18e: {  	s1 =	rddreg [dreg:$0x11];
	[sflag:s11] =	ssyncadd.s32 $0xFFFF8000  }
0x18f: {  	[hbm4b:s1+s2] =	stream.linear.scatter [tilespmem:s2], [sflag:$0x3], $0x8000, $0x38;
	[tilespmem:$0x10000] =	vst v63  }
0x190: {  	_ =	swait.ge [sflag:s6], $0x8000  }
0x191: {  	[sflag:s6] =	ssyncset.done $0x0  }
0x192: {  	s1 =	rddreg [dreg:$0x12];
	[sflag:s6] =	ssyncadd.s32 $0xFFFF8000  }
0x193: {  	[tilespmem:s2], [sflag:$0x1] =	stream.linear.gather [hbm4b:s1+s2], $0x8000, $0x38;
	[tilespmem:$0x10000] =	vst v63  }
0x194: {  	_ =	swait.ge [sflag:s10], $0x8000  }
0x195: {  	[sflag:s10] =	ssyncset.done $0x0  }
0x196: {  	s1 =	rddreg [dreg:$0x13];
	[sflag:s10] =	ssyncadd.s32 $0xFFFF8000  }
0x197: {  	[hbm4b:s1+s2] =	stream.linear.scatter [tilespmem:s7], [sflag:$0x4], $0x8000, $0x38;
	[tilespmem:$0x10000] =	vst v63  }
0x198: {  	_ =	swait.ge [sflag:s5], $0x8000  }
0x199: {  	[sflag:s5] =	ssyncset.done $0x0  }
0x19a: {  	s1 =	rddreg [dreg:$0x14];
	[sflag:s5] =	ssyncadd.s32 $0xFFFF8000  }
0x19b: {  	[tilespmem:s7], [sflag:$0x2] =	stream.linear.gather [hbm4b:s1+s2], $0x8000, $0x38;
	[tilespmem:$0x10000] =	vst v63  }
0x19c: {  	_ =	swait.ge [sflag:s11], $0x8000  }
0x19d: {  	[sflag:s11] =	ssyncset.done $0x0  }
0x19e: {  	s1 =	rddreg [dreg:$0x15];
	[sflag:s11] =	ssyncadd.s32 $0xFFFF8000  }
0x19f: {  	[hbm4b:s1+s2] =	stream.linear.scatter [tilespmem:s2], [sflag:$0x3], $0x8000, $0x38;
	[tilespmem:$0x10000] =	vst v63  }
0x1a0: {  	_ =	swait.ge [sflag:s6], $0x8000  }
0x1a1: {  	[sflag:s6] =	ssyncset.done $0x0  }
0x1a2: {  	s1 =	rddreg [dreg:$0x16];
	[sflag:s6] =	ssyncadd.s32 $0xFFFF8000  }
0x1a3: {  	[tilespmem:s2], [sflag:$0x1] =	stream.linear.gather [hbm4b:s1+s2], $0x8000, $0x38;
	[tilespmem:$0x10000] =	vst v63  }
0x1a4: {  	_ =	swait.ge [sflag:s10], $0x8000  }
0x1a5: {  	[sflag:s10] =	ssyncset.done $0x0  }
0x1a6: {  	s1 =	rddreg [dreg:$0x17];
	[sflag:s10] =	ssyncadd.s32 $0xFFFF8000  }
0x1a7: {  	[hbm4b:s1+s2] =	stream.linear.scatter [tilespmem:s7], [sflag:$0x4], $0x8000, $0x38;
	[tilespmem:$0x10000] =	vst v63  }
0x1a8: {  	_ =	swait.ge [sflag:s5], $0x8000  }
0x1a9: {  	[sflag:s5] =	ssyncset.done $0x0  }
0x1aa: {  	s1 =	rddreg [dreg:$0x18];
	[sflag:s5] =	ssyncadd.s32 $0xFFFF8000  }
0x1ab: {  	[tilespmem:s7], [sflag:$0x2] =	stream.linear.gather [hbm4b:s1+s2], $0x8000, $0x38;
	[tilespmem:$0x10000] =	vst v63  }
0x1ac: {  	_ =	swait.ge [sflag:s11], $0x8000  }
0x1ad: {  	[sflag:s11] =	ssyncset.done $0x0  }
0x1ae: {  	s1 =	rddreg [dreg:$0x19];
	[sflag:s11] =	ssyncadd.s32 $0xFFFF8000  }
0x1af: {  	[hbm4b:s1+s2] =	stream.linear.scatter [tilespmem:s2], [sflag:$0x3], $0x8000, $0x38;
	[tilespmem:$0x10000] =	vst v63  }
0x1b0: {  	_ =	swait.ge [sflag:s6], $0x8000  }
0x1b1: {  	[sflag:s6] =	ssyncset.done $0x0  }
0x1b2: {  	s1 =	rddreg [dreg:$0x1a];
	[sflag:s6] =	ssyncadd.s32 $0xFFFF8000  }
0x1b3: {  	[tilespmem:s2], [sflag:$0x1] =	stream.linear.gather [hbm4b:s1+s2], $0x8000, $0x38;
	[tilespmem:$0x10000] =	vst v63  }
0x1b4: {  	_ =	swait.ge [sflag:s10], $0x8000  }
0x1b5: {  	[sflag:s10] =	ssyncset.done $0x0  }
0x1b6: {  	s1 =	rddreg [dreg:$0x1b];
	[sflag:s10] =	ssyncadd.s32 $0xFFFF8000  }
0x1b7: {  	[hbm4b:s1+s2] =	stream.linear.scatter [tilespmem:s7], [sflag:$0x4], $0x8000, $0x38;
	[tilespmem:$0x10000] =	vst v63  }
0x1b8: {  	_ =	swait.ge [sflag:s5], $0x8000  }
0x1b9: {  	[sflag:s5] =	ssyncset.done $0x0  }
0x1ba: {  	s1 =	rddreg [dreg:$0x1c];
	[sflag:s5] =	ssyncadd.s32 $0xFFFF8000  }
0x1bb: {  	[tilespmem:s7], [sflag:$0x2] =	stream.linear.gather [hbm4b:s1+s2], $0x8000, $0x38;
	[tilespmem:$0x10000] =	vst v63  }
0x1bc: {  	_ =	swait.ge [sflag:s11], $0x8000  }
0x1bd: {  	[sflag:s11] =	ssyncset.done $0x0  }
0x1be: {  	s1 =	rddreg [dreg:$0x1d];
	[sflag:s11] =	ssyncadd.s32 $0xFFFF8000  }
0x1bf: {  	[hbm4b:s1+s2] =	stream.linear.scatter [tilespmem:s2], [sflag:$0x3], $0x8000, $0x38;
	[tilespmem:$0x10000] =	vst v63  }
0x1c0: {  	_ =	swait.ge [sflag:s6], $0x8000  }
0x1c1: {  	[sflag:s6] =	ssyncset.done $0x0  }
0x1c2: {  	s1 =	rddreg [dreg:$0x1e];
	[sflag:s6] =	ssyncadd.s32 $0xFFFF8000  }
0x1c3: {  	[tilespmem:s2], [sflag:$0x1] =	stream.linear.gather [hbm4b:s1+s2], $0x8000, $0x38;
	[tilespmem:$0x10000] =	vst v63  }
0x1c4: {  	_ =	swait.ge [sflag:s10], $0x8000  }
0x1c5: {  	[sflag:s10] =	ssyncset.done $0x0  }
0x1c6: {  	s1 =	rddreg [dreg:$0x1f];
	[sflag:s10] =	ssyncadd.s32 $0xFFFF8000  }
0x1c7: {  	[hbm4b:s1+s2] =	stream.linear.scatter [tilespmem:s7], [sflag:$0x4], $0x8000, $0x38;
	[tilespmem:$0x10000] =	vst v63  }
0x1c8: {  	_ =	swait.ge [sflag:s5], $0x8000  }
0x1c9: {  	s1 =	sld [smem:$0x7F2]  }
0x1ca: {  	[sflag:s5] =	ssyncset.done $0x0  }
0x1cb: {  	[sflag:s5] =	ssyncadd.s32 $0xFFFF8000  }
0x1cc: {  	[tilespmem:s7], [sflag:$0x2] =	stream.linear.gather [hbm4b:s1+s2], $0x8000, $0x38;
	[tilespmem:$0x10000] =	vst v63  }
0x1cd: {  	_ =	swait.ge [sflag:s11], $0x8000  }
0x1ce: {  	s1 =	sld [smem:$0x7F3]  }
0x1cf: {  	[sflag:s11] =	ssyncset.done $0x0  }
0x1d0: {  	[sflag:s11] =	ssyncadd.s32 $0xFFFF8000  }
0x1d1: {  	[hbm4b:s1+s2] =	stream.linear.scatter [tilespmem:s2], [sflag:$0x3], $0x8000, $0x38;
	[tilespmem:$0x10000] =	vst v63  }
0x1d2: {  	_ =	swait.ge [sflag:s6], $0x8000  }
0x1d3: {  	s1 =	sld [smem:$0x7F4]  }
0x1d4: {  	[sflag:s6] =	ssyncset.done $0x0  }
0x1d5: {  	[sflag:s6] =	ssyncadd.s32 $0xFFFF8000  }
0x1d6: {  	[tilespmem:s2], [sflag:$0x1] =	stream.linear.gather [hbm4b:s1+s2], $0x8000, $0x38;
	[tilespmem:$0x10000] =	vst v63  }
0x1d7: {  	_ =	swait.ge [sflag:s10], $0x8000  }
0x1d8: {  	s1 =	sld [smem:$0x7F5]  }
0x1d9: {  	[sflag:s10] =	ssyncset.done $0x0  }
0x1da: {  	[sflag:s10] =	ssyncadd.s32 $0xFFFF8000  }
0x1db: {  	[hbm4b:s1+s2] =	stream.linear.scatter [tilespmem:s7], [sflag:$0x4], $0x8000, $0x38;
	[tilespmem:$0x10000] =	vst v63  }
0x1dc: {  	_ =	swait.ge [sflag:s5], $0x8000  }
0x1dd: {  	s1 =	sld [smem:$0x7F6]  }
0x1de: {  	[sflag:s5] =	ssyncset.done $0x0  }
0x1df: {  	[sflag:s5] =	ssyncadd.s32 $0xFFFF8000  }
0x1e0: {  	[tilespmem:s7], [sflag:$0x2] =	stream.linear.gather [hbm4b:s1+s2], $0x8000, $0x38;
	[tilespmem:$0x10000] =	vst v63  }
0x1e1: {  	_ =	swait.ge [sflag:s11], $0x8000  }
0x1e2: {  	s1 =	sld [smem:$0x7F7]  }
0x1e3: {  	[sflag:s11] =	ssyncset.done $0x0  }
0x1e4: {  	[sflag:s11] =	ssyncadd.s32 $0xFFFF8000  }
0x1e5: {  	[hbm4b:s1+s2] =	stream.linear.scatter [tilespmem:s2], [sflag:$0x3], $0x8000, $0x38;
	[tilespmem:$0x10000] =	vst v63  }
0x1e6: {  	_ =	swait.ge [sflag:s6], $0x8000  }
0x1e7: {  	s1 =	sld [smem:$0x7F8]  }
0x1e8: {  	[sflag:s6] =	ssyncset.done $0x0  }
0x1e9: {  	[sflag:s6] =	ssyncadd.s32 $0xFFFF8000  }
0x1ea: {  	[tilespmem:s2], [sflag:$0x1] =	stream.linear.gather [hbm4b:s1+s2], $0x8000, $0x38;
	[tilespmem:$0x10000] =	vst v63  }
0x1eb: {  	_ =	swait.ge [sflag:s10], $0x8000  }
0x1ec: {  	s1 =	sld [smem:$0x7F9]  }
0x1ed: {  	[sflag:s10] =	ssyncset.done $0x0  }
0x1ee: {  	[sflag:s10] =	ssyncadd.s32 $0xFFFF8000  }
0x1ef: {  	[hbm4b:s1+s2] =	stream.linear.scatter [tilespmem:s7], [sflag:$0x4], $0x8000, $0x38;
	[tilespmem:$0x10000] =	vst v63  }
0x1f0: {  	_ =	swait.ge [sflag:s5], $0x8000  }
0x1f1: {  	s1 =	sld [smem:$0x7FA]  }
0x1f2: {  	[sflag:s5] =	ssyncset.done $0x0  }
0x1f3: {  	[sflag:s5] =	ssyncadd.s32 $0xFFFF8000  }
0x1f4: {  	[tilespmem:s7], [sflag:$0x2] =	stream.linear.gather [hbm4b:s1+s2], $0x8000, $0x38;
	[tilespmem:$0x10000] =	vst v63  }
0x1f5: {  	_ =	swait.ge [sflag:s11], $0x8000  }
0x1f6: {  	s1 =	sld [smem:$0x7FB]  }
0x1f7: {  	[sflag:s11] =	ssyncset.done $0x0  }
0x1f8: {  	[sflag:s11] =	ssyncadd.s32 $0xFFFF8000  }
0x1f9: {  	[hbm4b:s1+s2] =	stream.linear.scatter [tilespmem:s2], [sflag:$0x3], $0x8000, $0x38;
	[tilespmem:$0x10000] =	vst v63  }
0x1fa: {  	_ =	swait.ge [sflag:s6], $0x8000  }
0x1fb: {  	s1 =	sld [smem:$0x7FC]  }
0x1fc: {  	[sflag:s6] =	ssyncset.done $0x0  }
0x1fd: {  	[sflag:s6] =	ssyncadd.s32 $0xFFFF8000  }
0x1fe: {  	[tilespmem:s2], [sflag:$0x1] =	stream.linear.gather [hbm4b:s1+s2], $0x8000, $0x38;
	[tilespmem:$0x10000] =	vst v63  }
0x1ff: {  	_ =	swait.ge [sflag:s10], $0x8000  }
0x200: {  	s1 =	sld [smem:$0x7FD]  }
0x201: {  	[sflag:s10] =	ssyncset.done $0x0  }
0x202: {  	[sflag:s10] =	ssyncadd.s32 $0xFFFF8000  }
0x203: {  	[hbm4b:s1+s2] =	stream.linear.scatter [tilespmem:s7], [sflag:$0x4], $0x8000, $0x38;
	[tilespmem:$0x10000] =	vst v63  }
0x204: {  	_ =	swait.ge [sflag:s5], $0x8000  }
0x205: {  	[sflag:s5] =	ssyncset.done $0x0  }
0x206: {  	[sflag:s5] =	ssyncadd.s32 $0xFFFF8000  }
0x207: {  	[tilespmem:s7], [sflag:$0x2] =	stream.linear.gather [hbm4b:s31+s2], $0x8000, $0x38;
	[tilespmem:$0x10000] =	vst v63  }
0x208: {  	_ =	swait.ge [sflag:s11], $0x8000  }
0x209: {  	[sflag:s11] =	ssyncset.done $0x0  }
0x20a: {  	[sflag:s11] =	ssyncadd.s32 $0xFFFF8000  }
0x20b: {  	[hbm4b:s30+s2] =	stream.linear.scatter [tilespmem:s2], [sflag:$0x3], $0x8000, $0x38;
	[tilespmem:$0x10000] =	vst v63  }
0x20c: {  	_ =	swait.ge [sflag:s6], $0x8000  }
0x20d: {  	[sflag:s6] =	ssyncset.done $0x0  }
0x20e: {  	[sflag:s6] =	ssyncadd.s32 $0xFFFF8000  }
0x20f: {  	[tilespmem:s2], [sflag:$0x1] =	stream.linear.gather [hbm4b:s29+s2], $0x8000, $0x38;
	[tilespmem:$0x10000] =	vst v63  }
0x210: {  	_ =	swait.ge [sflag:s10], $0x8000  }
0x211: {  	[sflag:s10] =	ssyncset.done $0x0  }
0x212: {  	[sflag:s10] =	ssyncadd.s32 $0xFFFF8000  }
0x213: {  	[hbm4b:s28+s2] =	stream.linear.scatter [tilespmem:s7], [sflag:$0x4], $0x8000, $0x38;
	[tilespmem:$0x10000] =	vst v63  }
0x214: {  	_ =	swait.ge [sflag:s5], $0x8000  }
0x215: {  	[sflag:s5] =	ssyncset.done $0x0  }
0x216: {  	[sflag:s5] =	ssyncadd.s32 $0xFFFF8000  }
0x217: {  	[tilespmem:s7], [sflag:$0x2] =	stream.linear.gather [hbm4b:s26+s2], $0x8000, $0x38;
	[tilespmem:$0x10000] =	vst v63  }
0x218: {  	_ =	swait.ge [sflag:s11], $0x8000  }
0x219: {  	[sflag:s11] =	ssyncset.done $0x0  }
0x21a: {  	[sflag:s11] =	ssyncadd.s32 $0xFFFF8000  }
0x21b: {  	[hbm4b:s25+s2] =	stream.linear.scatter [tilespmem:s2], [sflag:$0x3], $0x8000, $0x38;
	[tilespmem:$0x10000] =	vst v63  }
0x21c: {  	_ =	swait.ge [sflag:s6], $0x8000  }
0x21d: {  	[sflag:s6] =	ssyncset.done $0x0  }
0x21e: {  	[sflag:s6] =	ssyncadd.s32 $0xFFFF8000  }
0x21f: {  	[tilespmem:s2], [sflag:$0x1] =	stream.linear.gather [hbm4b:s24+s2], $0x8000, $0x38;
	[tilespmem:$0x10000] =	vst v63  }
0x220: {  	_ =	swait.ge [sflag:s10], $0x8000  }
0x221: {  	[sflag:s10] =	ssyncset.done $0x0  }
0x222: {  	[sflag:s10] =	ssyncadd.s32 $0xFFFF8000  }
0x223: {  	[hbm4b:s23+s2] =	stream.linear.scatter [tilespmem:s7], [sflag:$0x4], $0x8000, $0x38;
	[tilespmem:$0x10000] =	vst v63  }
0x224: {  	_ =	swait.ge [sflag:s5], $0x8000  }
0x225: {  	[sflag:s5] =	ssyncset.done $0x0  }
0x226: {  	[sflag:s5] =	ssyncadd.s32 $0xFFFF8000  }
0x227: {  	[tilespmem:s7], [sflag:$0x2] =	stream.linear.gather [hbm4b:s22+s2], $0x8000, $0x38;
	[tilespmem:$0x10000] =	vst v63  }
0x228: {  	_ =	swait.ge [sflag:s11], $0x8000  }
0x229: {  	[sflag:s11] =	ssyncset.done $0x0  }
0x22a: {  	[sflag:s11] =	ssyncadd.s32 $0xFFFF8000  }
0x22b: {  	[hbm4b:s21+s2] =	stream.linear.scatter [tilespmem:s2], [sflag:$0x3], $0x8000, $0x38;
	[tilespmem:$0x10000] =	vst v63  }
0x22c: {  	_ =	swait.ge [sflag:s6], $0x8000  }
0x22d: {  	[sflag:s6] =	ssyncset.done $0x0  }
0x22e: {  	[sflag:s6] =	ssyncadd.s32 $0xFFFF8000  }
0x22f: {  	[tilespmem:s2], [sflag:$0x1] =	stream.linear.gather [hbm4b:s20+s2], $0x8000, $0x38;
	[tilespmem:$0x10000] =	vst v63  }
0x230: {  	_ =	swait.ge [sflag:s10], $0x8000  }
0x231: {  	[sflag:s10] =	ssyncset.done $0x0  }
0x232: {  	[sflag:s10] =	ssyncadd.s32 $0xFFFF8000  }
0x233: {  	[hbm4b:s19+s2] =	stream.linear.scatter [tilespmem:s7], [sflag:$0x4], $0x8000, $0x38;
	[tilespmem:$0x10000] =	vst v63  }
0x234: {  	_ =	swait.ge [sflag:s5], $0x8000  }
0x235: {  	[sflag:s5] =	ssyncset.done $0x0  }
0x236: {  	[sflag:s5] =	ssyncadd.s32 $0xFFFF8000  }
0x237: {  	[tilespmem:s7], [sflag:$0x2] =	stream.linear.gather [hbm4b:s18+s2], $0x8000, $0x38;
	[tilespmem:$0x10000] =	vst v63  }
0x238: {  	_ =	swait.ge [sflag:s11], $0x8000  }
0x239: {  	[sflag:s11] =	ssyncset.done $0x0  }
0x23a: {  	[sflag:s11] =	ssyncadd.s32 $0xFFFF8000  }
0x23b: {  	[hbm4b:s17+s2] =	stream.linear.scatter [tilespmem:s2], [sflag:$0x3], $0x8000, $0x38;
	[tilespmem:$0x10000] =	vst v63  }
0x23c: {  	_ =	swait.ge [sflag:s6], $0x8000  }
0x23d: {  	[sflag:s6] =	ssyncset.done $0x0  }
0x23e: {  	[sflag:s6] =	ssyncadd.s32 $0xFFFF8000  }
0x23f: {  	[tilespmem:s2], [sflag:$0x1] =	stream.linear.gather [hbm4b:s16+s2], $0x8000, $0x38;
	[tilespmem:$0x10000] =	vst v63  }
0x240: {  	_ =	swait.ge [sflag:s10], $0x8000  }
0x241: {  	[sflag:s10] =	ssyncset.done $0x0  }
0x242: {  	[sflag:s10] =	ssyncadd.s32 $0xFFFF8000  }
0x243: {  	[hbm4b:s14+s2] =	stream.linear.scatter [tilespmem:s7], [sflag:$0x4], $0x8000, $0x38;
	[tilespmem:$0x10000] =	vst v63  }
0x244: {  	_ =	swait.ge [sflag:s5], $0x8000  }
0x245: {  	[sflag:s5] =	ssyncset.done $0x0  }
0x246: {  	[sflag:s5] =	ssyncadd.s32 $0xFFFF8000  }
0x247: {  	[tilespmem:s7], [sflag:$0x2] =	stream.linear.gather [hbm4b:s15+s2], $0x8000, $0x38;
	[tilespmem:$0x10000] =	vst v63  }
0x248: {  	_ =	swait.ge [sflag:s11], $0x8000  }
0x249: {  	[sflag:s11] =	ssyncset.done $0x0  }
0x24a: {  	[sflag:s11] =	ssyncadd.s32 $0xFFFF8000  }
0x24b: {  	[hbm4b:s12+s2] =	stream.linear.scatter [tilespmem:s2], [sflag:$0x3], $0x8000, $0x38;
	[tilespmem:$0x10000] =	vst v63  }
0x24c: {  	_ =	swait.ge [sflag:s6], $0x8000  }
0x24d: {  	[sflag:s6] =	ssyncset.done $0x0  }
0x24e: {  	[sflag:s6] =	ssyncadd.s32 $0xFFFF8000  }
0x24f: {  	[tilespmem:s2], [sflag:$0x1] =	stream.linear.gather [hbm4b:s13+s2], $0x8000, $0x38;
	[tilespmem:$0x10000] =	vst v63  }
0x250: {  	_ =	swait.ge [sflag:s10], $0x8000  }
0x251: {  	[sflag:s10] =	ssyncset.done $0x0  }
0x252: {  	[sflag:s10] =	ssyncadd.s32 $0xFFFF8000  }
0x253: {  	[hbm4b:s9+s2] =	stream.linear.scatter [tilespmem:s7], [sflag:$0x4], $0x8000, $0x38;
	[tilespmem:$0x10000] =	vst v63  }
0x254: {  	_ =	swait.ge [sflag:s5], $0x8000  }
0x255: {  	[sflag:s5] =	ssyncset.done $0x0  }
0x256: {  	[sflag:s5] =	ssyncadd.s32 $0xFFFF8000  }
0x257: {  	[tilespmem:s7], [sflag:$0x2] =	stream.linear.gather [hbm4b:s8+s2], $0x8000, $0x38;
	[tilespmem:$0x10000] =	vst v63  }
0x258: {  	_ =	swait.ge [sflag:s11], $0x8000  }
0x259: {  	[sflag:s11] =	ssyncset.done $0x0  }
0x25a: {  	[sflag:s11] =	ssyncadd.s32 $0xFFFF8000  }
0x25b: {  	[hbm4b:s4+s2] =	stream.linear.scatter [tilespmem:s2], [sflag:$0x3], $0x8000, $0x38;
	[tilespmem:$0x10000] =	vst v63  }
0x25c: {  	_ =	swait.ge [sflag:s10], $0x8000  }
0x25d: {  	[sflag:s10] =	ssyncset.done $0x0  }
0x25e: {  	[sflag:s10] =	ssyncadd.s32 $0xFFFF8000  }
0x25f: {  	[hbm4b:s3+s2] =	stream.linear.scatter [tilespmem:s7], [sflag:$0x4], $0x8000, $0x38;
	[tilespmem:$0x10000] =	vst v63  }
.Ltmp2:
0x260: {  	_ =	swait.ge [sflag:s6], $0x8000;
	(pc) =	sbr.rel @p1 .LBB2_2-.Ltmp2, $4  }
0x261: {  	[sflag:s6] =	ssyncset.done $0x0  }
0x262: {  	[sflag:s6] =	ssyncadd.s32 $0xFFFF8000  }
0x263: {  	_ =	swait.ge [sflag:s5], $0x8000  }
0x264: {  	s1 =	rddreg [dreg:$0x3];
	[sflag:s5] =	ssyncset.done $0x0  }
.LBB2_3:
0x265: {  	[sflag:s5] =	ssyncadd.s32 @p0 $0xFFFF8000  }
0x266: {  	[tilespmem:s2], [sflag:$0x1] =	stream.linear.gather [hbm4b:s1+s2], $0x8000, $0x38;
	[tilespmem:$0x10000] =	vst v63  }
0x267: {  	s0 =	rddreg [dreg:$0x4]  }
0x268: {  	[tilespmem:s7], [sflag:$0x2] =	stream.linear.gather [hbm4b:s0+s2], $0x8000, $0x38;
	[tilespmem:$0x10000] =	vst v63  }
0x269: {  	_ =	swait.ge [sflag:s11], $0x8000  }
0x26a: {  	[sflag:s11] =	ssyncset.done $0x0  }
0x26b: {  	s1 =	rddreg [dreg:$0x5];
	[sflag:s11] =	ssyncadd.s32 $0xFFFF8000  }
0x26c: {  	[hbm4b:s1+s2] =	stream.linear.scatter [tilespmem:s2], [sflag:$0x3], $0x8000, $0x38;
	[tilespmem:$0x10000] =	vst v63  }
0x26d: {  	_ =	swait.ge [sflag:s6], $0x8000  }
0x26e: {  	[sflag:s6] =	ssyncset.done $0x0  }
0x26f: {  	s1 =	rddreg [dreg:$0x6];
	[sflag:s6] =	ssyncadd.s32 $0xFFFF8000  }
0x270: {  	[tilespmem:s2], [sflag:$0x1] =	stream.linear.gather [hbm4b:s1+s2], $0x8000, $0x38;
	[tilespmem:$0x10000] =	vst v63  }
0x271: {  	_ =	swait.ge [sflag:s10], $0x8000  }
0x272: {  	[sflag:s10] =	ssyncset.done $0x0  }
0x273: {  	s1 =	rddreg [dreg:$0x7];
	[sflag:s10] =	ssyncadd.s32 $0xFFFF8000  }
0x274: {  	[hbm4b:s1+s2] =	stream.linear.scatter [tilespmem:s7], [sflag:$0x4], $0x8000, $0x38;
	[tilespmem:$0x10000] =	vst v63  }
0x275: {  	_ =	swait.ge [sflag:s5], $0x8000  }
0x276: {  	[sflag:s5] =	ssyncset.done $0x0  }
0x277: {  	s1 =	rddreg [dreg:$0x8];
	[sflag:s5] =	ssyncadd.s32 $0xFFFF8000  }
0x278: {  	[tilespmem:s7], [sflag:$0x2] =	stream.linear.gather [hbm4b:s1+s2], $0x8000, $0x38;
	[tilespmem:$0x10000] =	vst v63  }
0x279: {  	_ =	swait.ge [sflag:s11], $0x8000  }
0x27a: {  	[sflag:s11] =	ssyncset.done $0x0  }
0x27b: {  	s1 =	rddreg [dreg:$0x9];
	[sflag:s11] =	ssyncadd.s32 $0xFFFF8000  }
0x27c: {  	[hbm4b:s1+s2] =	stream.linear.scatter [tilespmem:s2], [sflag:$0x3], $0x8000, $0x38;
	[tilespmem:$0x10000] =	vst v63  }
0x27d: {  	_ =	swait.ge [sflag:s6], $0x8000  }
0x27e: {  	[sflag:s6] =	ssyncset.done $0x0  }
0x27f: {  	s1 =	rddreg [dreg:$0xa];
	[sflag:s6] =	ssyncadd.s32 $0xFFFF8000  }
0x280: {  	[tilespmem:s2], [sflag:$0x1] =	stream.linear.gather [hbm4b:s1+s2], $0x8000, $0x38;
	[tilespmem:$0x10000] =	vst v63  }
0x281: {  	_ =	swait.ge [sflag:s10], $0x8000  }
0x282: {  	[sflag:s10] =	ssyncset.done $0x0  }
0x283: {  	s1 =	rddreg [dreg:$0xb];
	[sflag:s10] =	ssyncadd.s32 $0xFFFF8000  }
0x284: {  	[hbm4b:s1+s2] =	stream.linear.scatter [tilespmem:s7], [sflag:$0x4], $0x8000, $0x38;
	[tilespmem:$0x10000] =	vst v63  }
0x285: {  	_ =	swait.ge [sflag:s5], $0x8000  }
0x286: {  	[sflag:s5] =	ssyncset.done $0x0  }
0x287: {  	s1 =	rddreg [dreg:$0xc];
	[sflag:s5] =	ssyncadd.s32 $0xFFFF8000  }
0x288: {  	[tilespmem:s7], [sflag:$0x2] =	stream.linear.gather [hbm4b:s1+s2], $0x8000, $0x38;
	[tilespmem:$0x10000] =	vst v63  }
0x289: {  	_ =	swait.ge [sflag:s11], $0x8000  }
0x28a: {  	[sflag:s11] =	ssyncset.done $0x0  }
0x28b: {  	s1 =	rddreg [dreg:$0xd];
	[sflag:s11] =	ssyncadd.s32 $0xFFFF8000  }
0x28c: {  	[hbm4b:s1+s2] =	stream.linear.scatter [tilespmem:s2], [sflag:$0x3], $0x8000, $0x38;
	[tilespmem:$0x10000] =	vst v63  }
0x28d: {  	_ =	swait.ge [sflag:s6], $0x8000  }
0x28e: {  	[sflag:s6] =	ssyncset.done $0x0  }
0x28f: {  	s1 =	rddreg [dreg:$0xe];
	[sflag:s6] =	ssyncadd.s32 $0xFFFF8000  }
0x290: {  	[tilespmem:s2], [sflag:$0x1] =	stream.linear.gather [hbm4b:s1+s2], $0x8000, $0x38;
	[tilespmem:$0x10000] =	vst v63  }
0x291: {  	_ =	swait.ge [sflag:s10], $0x8000  }
0x292: {  	[sflag:s10] =	ssyncset.done $0x0  }
0x293: {  	s1 =	rddreg [dreg:$0xf];
	[sflag:s10] =	ssyncadd.s32 $0xFFFF8000  }
0x294: {  	[hbm4b:s1+s2] =	stream.linear.scatter [tilespmem:s7], [sflag:$0x4], $0x8000, $0x38;
	[tilespmem:$0x10000] =	vst v63  }
0x295: {  	_ =	swait.ge [sflag:s5], $0x8000  }
0x296: {  	[sflag:s5] =	ssyncset.done $0x0  }
0x297: {  	s1 =	rddreg [dreg:$0x10];
	[sflag:s5] =	ssyncadd.s32 $0xFFFF8000  }
0x298: {  	[tilespmem:s7], [sflag:$0x2] =	stream.linear.gather [hbm4b:s1+s2], $0x8000, $0x38;
	[tilespmem:$0x10000] =	vst v63  }
0x299: {  	_ =	swait.ge [sflag:s11], $0x8000  }
0x29a: {  	[sflag:s11] =	ssyncset.done $0x0  }
0x29b: {  	s1 =	rddreg [dreg:$0x11];
	[sflag:s11] =	ssyncadd.s32 $0xFFFF8000  }
0x29c: {  	[hbm4b:s1+s2] =	stream.linear.scatter [tilespmem:s2], [sflag:$0x3], $0x8000, $0x38;
	[tilespmem:$0x10000] =	vst v63  }
0x29d: {  	_ =	swait.ge [sflag:s6], $0x8000  }
0x29e: {  	[sflag:s6] =	ssyncset.done $0x0  }
0x29f: {  	s1 =	rddreg [dreg:$0x12];
	[sflag:s6] =	ssyncadd.s32 $0xFFFF8000  }
0x2a0: {  	[tilespmem:s2], [sflag:$0x1] =	stream.linear.gather [hbm4b:s1+s2], $0x8000, $0x38;
	[tilespmem:$0x10000] =	vst v63  }
0x2a1: {  	_ =	swait.ge [sflag:s10], $0x8000  }
0x2a2: {  	[sflag:s10] =	ssyncset.done $0x0  }
0x2a3: {  	s1 =	rddreg [dreg:$0x13];
	[sflag:s10] =	ssyncadd.s32 $0xFFFF8000  }
0x2a4: {  	[hbm4b:s1+s2] =	stream.linear.scatter [tilespmem:s7], [sflag:$0x4], $0x8000, $0x38;
	[tilespmem:$0x10000] =	vst v63  }
0x2a5: {  	_ =	swait.ge [sflag:s5], $0x8000  }
0x2a6: {  	[sflag:s5] =	ssyncset.done $0x0  }
0x2a7: {  	s1 =	rddreg [dreg:$0x14];
	[sflag:s5] =	ssyncadd.s32 $0xFFFF8000  }
0x2a8: {  	[tilespmem:s7], [sflag:$0x2] =	stream.linear.gather [hbm4b:s1+s2], $0x8000, $0x38;
	[tilespmem:$0x10000] =	vst v63  }
0x2a9: {  	_ =	swait.ge [sflag:s11], $0x8000  }
0x2aa: {  	[sflag:s11] =	ssyncset.done $0x0  }
0x2ab: {  	s1 =	rddreg [dreg:$0x15];
	[sflag:s11] =	ssyncadd.s32 $0xFFFF8000  }
0x2ac: {  	[hbm4b:s1+s2] =	stream.linear.scatter [tilespmem:s2], [sflag:$0x3], $0x8000, $0x38;
	[tilespmem:$0x10000] =	vst v63  }
0x2ad: {  	_ =	swait.ge [sflag:s6], $0x8000  }
0x2ae: {  	[sflag:s6] =	ssyncset.done $0x0  }
0x2af: {  	s1 =	rddreg [dreg:$0x16];
	[sflag:s6] =	ssyncadd.s32 $0xFFFF8000  }
0x2b0: {  	[tilespmem:s2], [sflag:$0x1] =	stream.linear.gather [hbm4b:s1+s2], $0x8000, $0x38;
	[tilespmem:$0x10000] =	vst v63  }
0x2b1: {  	_ =	swait.ge [sflag:s10], $0x8000  }
0x2b2: {  	[sflag:s10] =	ssyncset.done $0x0  }
0x2b3: {  	s1 =	rddreg [dreg:$0x17];
	[sflag:s10] =	ssyncadd.s32 $0xFFFF8000  }
0x2b4: {  	[hbm4b:s1+s2] =	stream.linear.scatter [tilespmem:s7], [sflag:$0x4], $0x8000, $0x38;
	[tilespmem:$0x10000] =	vst v63  }
0x2b5: {  	_ =	swait.ge [sflag:s5], $0x8000  }
0x2b6: {  	[sflag:s5] =	ssyncset.done $0x0  }
0x2b7: {  	s1 =	rddreg [dreg:$0x18];
	[sflag:s5] =	ssyncadd.s32 $0xFFFF8000  }
0x2b8: {  	[tilespmem:s7], [sflag:$0x2] =	stream.linear.gather [hbm4b:s1+s2], $0x8000, $0x38;
	[tilespmem:$0x10000] =	vst v63  }
0x2b9: {  	_ =	swait.ge [sflag:s11], $0x8000  }
0x2ba: {  	[sflag:s11] =	ssyncset.done $0x0  }
0x2bb: {  	s1 =	rddreg [dreg:$0x19];
	[sflag:s11] =	ssyncadd.s32 $0xFFFF8000  }
0x2bc: {  	[hbm4b:s1+s2] =	stream.linear.scatter [tilespmem:s2], [sflag:$0x3], $0x8000, $0x38;
	[tilespmem:$0x10000] =	vst v63  }
0x2bd: {  	_ =	swait.ge [sflag:s6], $0x8000  }
0x2be: {  	[sflag:s6] =	ssyncset.done $0x0  }
0x2bf: {  	s1 =	rddreg [dreg:$0x1a];
	[sflag:s6] =	ssyncadd.s32 $0xFFFF8000  }
0x2c0: {  	[tilespmem:s2], [sflag:$0x1] =	stream.linear.gather [hbm4b:s1+s2], $0x8000, $0x38;
	[tilespmem:$0x10000] =	vst v63  }
0x2c1: {  	_ =	swait.ge [sflag:s10], $0x8000  }
0x2c2: {  	[sflag:s10] =	ssyncset.done $0x0  }
0x2c3: {  	s1 =	rddreg [dreg:$0x1b];
	[sflag:s10] =	ssyncadd.s32 $0xFFFF8000  }
0x2c4: {  	[hbm4b:s1+s2] =	stream.linear.scatter [tilespmem:s7], [sflag:$0x4], $0x8000, $0x38;
	[tilespmem:$0x10000] =	vst v63  }
0x2c5: {  	_ =	swait.ge [sflag:s5], $0x8000  }
0x2c6: {  	[sflag:s5] =	ssyncset.done $0x0  }
0x2c7: {  	s1 =	rddreg [dreg:$0x1c];
	[sflag:s5] =	ssyncadd.s32 $0xFFFF8000  }
0x2c8: {  	[tilespmem:s7], [sflag:$0x2] =	stream.linear.gather [hbm4b:s1+s2], $0x8000, $0x38;
	[tilespmem:$0x10000] =	vst v63  }
0x2c9: {  	_ =	swait.ge [sflag:s11], $0x8000  }
0x2ca: {  	[sflag:s11] =	ssyncset.done $0x0  }
0x2cb: {  	s1 =	rddreg [dreg:$0x1d];
	[sflag:s11] =	ssyncadd.s32 $0xFFFF8000  }
0x2cc: {  	[hbm4b:s1+s2] =	stream.linear.scatter [tilespmem:s2], [sflag:$0x3], $0x8000, $0x38;
	[tilespmem:$0x10000] =	vst v63  }
0x2cd: {  	_ =	swait.ge [sflag:s6], $0x8000  }
0x2ce: {  	[sflag:s6] =	ssyncset.done $0x0  }
0x2cf: {  	s1 =	rddreg [dreg:$0x1e];
	[sflag:s6] =	ssyncadd.s32 $0xFFFF8000  }
0x2d0: {  	[tilespmem:s2], [sflag:$0x1] =	stream.linear.gather [hbm4b:s1+s2], $0x8000, $0x38;
	[tilespmem:$0x10000] =	vst v63  }
0x2d1: {  	_ =	swait.ge [sflag:s10], $0x8000  }
0x2d2: {  	[sflag:s10] =	ssyncset.done $0x0  }
0x2d3: {  	s1 =	rddreg [dreg:$0x1f];
	[sflag:s10] =	ssyncadd.s32 $0xFFFF8000  }
0x2d4: {  	[hbm4b:s1+s2] =	stream.linear.scatter [tilespmem:s7], [sflag:$0x4], $0x8000, $0x38;
	[tilespmem:$0x10000] =	vst v63  }
0x2d5: {  	_ =	swait.ge [sflag:s5], $0x8000  }
0x2d6: {  	s1 =	sld [smem:$0x7F2]  }
0x2d7: {  	[sflag:s5] =	ssyncset.done $0x0  }
0x2d8: {  	[sflag:s5] =	ssyncadd.s32 $0xFFFF8000  }
0x2d9: {  	[tilespmem:s7], [sflag:$0x2] =	stream.linear.gather [hbm4b:s1+s2], $0x8000, $0x38;
	[tilespmem:$0x10000] =	vst v63  }
0x2da: {  	_ =	swait.ge [sflag:s11], $0x8000  }
0x2db: {  	s1 =	sld [smem:$0x7F3]  }
0x2dc: {  	[sflag:s11] =	ssyncset.done $0x0  }
0x2dd: {  	[sflag:s11] =	ssyncadd.s32 $0xFFFF8000  }
0x2de: {  	[hbm4b:s1+s2] =	stream.linear.scatter [tilespmem:s2], [sflag:$0x3], $0x8000, $0x38;
	[tilespmem:$0x10000] =	vst v63  }
0x2df: {  	_ =	swait.ge [sflag:s6], $0x8000  }
0x2e0: {  	s1 =	sld [smem:$0x7F4]  }
0x2e1: {  	[sflag:s6] =	ssyncset.done $0x0  }
0x2e2: {  	[sflag:s6] =	ssyncadd.s32 $0xFFFF8000  }
0x2e3: {  	[tilespmem:s2], [sflag:$0x1] =	stream.linear.gather [hbm4b:s1+s2], $0x8000, $0x38;
	[tilespmem:$0x10000] =	vst v63  }
0x2e4: {  	_ =	swait.ge [sflag:s10], $0x8000  }
0x2e5: {  	s1 =	sld [smem:$0x7F5]  }
0x2e6: {  	[sflag:s10] =	ssyncset.done $0x0  }
0x2e7: {  	[sflag:s10] =	ssyncadd.s32 $0xFFFF8000  }
0x2e8: {  	[hbm4b:s1+s2] =	stream.linear.scatter [tilespmem:s7], [sflag:$0x4], $0x8000, $0x38;
	[tilespmem:$0x10000] =	vst v63  }
0x2e9: {  	_ =	swait.ge [sflag:s5], $0x8000  }
0x2ea: {  	s1 =	sld [smem:$0x7F6]  }
0x2eb: {  	[sflag:s5] =	ssyncset.done $0x0  }
0x2ec: {  	[sflag:s5] =	ssyncadd.s32 $0xFFFF8000  }
0x2ed: {  	[tilespmem:s7], [sflag:$0x2] =	stream.linear.gather [hbm4b:s1+s2], $0x8000, $0x38;
	[tilespmem:$0x10000] =	vst v63  }
0x2ee: {  	_ =	swait.ge [sflag:s11], $0x8000  }
0x2ef: {  	s1 =	sld [smem:$0x7F7]  }
0x2f0: {  	[sflag:s11] =	ssyncset.done $0x0  }
0x2f1: {  	[sflag:s11] =	ssyncadd.s32 $0xFFFF8000  }
0x2f2: {  	[hbm4b:s1+s2] =	stream.linear.scatter [tilespmem:s2], [sflag:$0x3], $0x8000, $0x38;
	[tilespmem:$0x10000] =	vst v63  }
0x2f3: {  	_ =	swait.ge [sflag:s6], $0x8000  }
0x2f4: {  	s1 =	sld [smem:$0x7F8]  }
0x2f5: {  	[sflag:s6] =	ssyncset.done $0x0  }
0x2f6: {  	[sflag:s6] =	ssyncadd.s32 $0xFFFF8000  }
0x2f7: {  	[tilespmem:s2], [sflag:$0x1] =	stream.linear.gather [hbm4b:s1+s2], $0x8000, $0x38;
	[tilespmem:$0x10000] =	vst v63  }
0x2f8: {  	_ =	swait.ge [sflag:s10], $0x8000  }
0x2f9: {  	s1 =	sld [smem:$0x7F9]  }
0x2fa: {  	[sflag:s10] =	ssyncset.done $0x0  }
0x2fb: {  	[sflag:s10] =	ssyncadd.s32 $0xFFFF8000  }
0x2fc: {  	[hbm4b:s1+s2] =	stream.linear.scatter [tilespmem:s7], [sflag:$0x4], $0x8000, $0x38;
	[tilespmem:$0x10000] =	vst v63  }
0x2fd: {  	_ =	swait.ge [sflag:s5], $0x8000  }
0x2fe: {  	s1 =	sld [smem:$0x7FA]  }
0x2ff: {  	[sflag:s5] =	ssyncset.done $0x0  }
0x300: {  	[sflag:s5] =	ssyncadd.s32 $0xFFFF8000  }
0x301: {  	[tilespmem:s7], [sflag:$0x2] =	stream.linear.gather [hbm4b:s1+s2], $0x8000, $0x38;
	[tilespmem:$0x10000] =	vst v63  }
0x302: {  	_ =	swait.ge [sflag:s11], $0x8000  }
0x303: {  	s1 =	sld [smem:$0x7FB]  }
0x304: {  	[sflag:s11] =	ssyncset.done $0x0  }
0x305: {  	[sflag:s11] =	ssyncadd.s32 $0xFFFF8000  }
0x306: {  	[hbm4b:s1+s2] =	stream.linear.scatter [tilespmem:s2], [sflag:$0x3], $0x8000, $0x38;
	[tilespmem:$0x10000] =	vst v63  }
0x307: {  	_ =	swait.ge [sflag:s6], $0x8000  }
0x308: {  	s1 =	sld [smem:$0x7FC]  }
0x309: {  	[sflag:s6] =	ssyncset.done $0x0  }
0x30a: {  	[sflag:s6] =	ssyncadd.s32 $0xFFFF8000  }
0x30b: {  	[tilespmem:s2], [sflag:$0x1] =	stream.linear.gather [hbm4b:s1+s2], $0x8000, $0x38;
	[tilespmem:$0x10000] =	vst v63  }
0x30c: {  	_ =	swait.ge [sflag:s10], $0x8000  }
0x30d: {  	s1 =	sld [smem:$0x7FD]  }
0x30e: {  	[sflag:s10] =	ssyncset.done $0x0  }
0x30f: {  	[sflag:s10] =	ssyncadd.s32 $0xFFFF8000  }
0x310: {  	[hbm4b:s1+s2] =	stream.linear.scatter [tilespmem:s7], [sflag:$0x4], $0x8000, $0x38;
	[tilespmem:$0x10000] =	vst v63  }
0x311: {  	_ =	swait.ge [sflag:s5], $0x8000  }
0x312: {  	[sflag:s5] =	ssyncset.done $0x0  }
0x313: {  	[sflag:s5] =	ssyncadd.s32 $0xFFFF8000  }
0x314: {  	[tilespmem:s7], [sflag:$0x2] =	stream.linear.gather [hbm4b:s31+s2], $0x8000, $0x38;
	[tilespmem:$0x10000] =	vst v63  }
0x315: {  	_ =	swait.ge [sflag:s11], $0x8000  }
0x316: {  	[sflag:s11] =	ssyncset.done $0x0  }
0x317: {  	[sflag:s11] =	ssyncadd.s32 $0xFFFF8000  }
0x318: {  	[hbm4b:s30+s2] =	stream.linear.scatter [tilespmem:s2], [sflag:$0x3], $0x8000, $0x38;
	[tilespmem:$0x10000] =	vst v63  }
0x319: {  	_ =	swait.ge [sflag:s6], $0x8000  }
0x31a: {  	[sflag:s6] =	ssyncset.done $0x0  }
0x31b: {  	[sflag:s6] =	ssyncadd.s32 $0xFFFF8000  }
0x31c: {  	[tilespmem:s2], [sflag:$0x1] =	stream.linear.gather [hbm4b:s29+s2], $0x8000, $0x38;
	[tilespmem:$0x10000] =	vst v63  }
0x31d: {  	_ =	swait.ge [sflag:s10], $0x8000  }
0x31e: {  	[sflag:s10] =	ssyncset.done $0x0  }
0x31f: {  	[sflag:s10] =	ssyncadd.s32 $0xFFFF8000  }
0x320: {  	[hbm4b:s28+s2] =	stream.linear.scatter [tilespmem:s7], [sflag:$0x4], $0x8000, $0x38;
	[tilespmem:$0x10000] =	vst v63  }
0x321: {  	_ =	swait.ge [sflag:s5], $0x8000  }
0x322: {  	[sflag:s5] =	ssyncset.done $0x0  }
0x323: {  	[sflag:s5] =	ssyncadd.s32 $0xFFFF8000  }
0x324: {  	[tilespmem:s7], [sflag:$0x2] =	stream.linear.gather [hbm4b:s26+s2], $0x8000, $0x38;
	[tilespmem:$0x10000] =	vst v63  }
0x325: {  	_ =	swait.ge [sflag:s11], $0x8000  }
0x326: {  	[sflag:s11] =	ssyncset.done $0x0  }
0x327: {  	[sflag:s11] =	ssyncadd.s32 $0xFFFF8000  }
0x328: {  	[hbm4b:s25+s2] =	stream.linear.scatter [tilespmem:s2], [sflag:$0x3], $0x8000, $0x38;
	[tilespmem:$0x10000] =	vst v63  }
0x329: {  	_ =	swait.ge [sflag:s6], $0x8000  }
0x32a: {  	[sflag:s6] =	ssyncset.done $0x0  }
0x32b: {  	[sflag:s6] =	ssyncadd.s32 $0xFFFF8000  }
0x32c: {  	[tilespmem:s2], [sflag:$0x1] =	stream.linear.gather [hbm4b:s24+s2], $0x8000, $0x38;
	[tilespmem:$0x10000] =	vst v63  }
0x32d: {  	_ =	swait.ge [sflag:s10], $0x8000  }
0x32e: {  	[sflag:s10] =	ssyncset.done $0x0  }
0x32f: {  	[sflag:s10] =	ssyncadd.s32 $0xFFFF8000  }
0x330: {  	[hbm4b:s23+s2] =	stream.linear.scatter [tilespmem:s7], [sflag:$0x4], $0x8000, $0x38;
	[tilespmem:$0x10000] =	vst v63  }
0x331: {  	_ =	swait.ge [sflag:s5], $0x8000  }
0x332: {  	[sflag:s5] =	ssyncset.done $0x0  }
0x333: {  	[sflag:s5] =	ssyncadd.s32 $0xFFFF8000  }
0x334: {  	[tilespmem:s7], [sflag:$0x2] =	stream.linear.gather [hbm4b:s22+s2], $0x8000, $0x38;
	[tilespmem:$0x10000] =	vst v63  }
0x335: {  	_ =	swait.ge [sflag:s11], $0x8000  }
0x336: {  	[sflag:s11] =	ssyncset.done $0x0  }
0x337: {  	[sflag:s11] =	ssyncadd.s32 $0xFFFF8000  }
0x338: {  	[hbm4b:s21+s2] =	stream.linear.scatter [tilespmem:s2], [sflag:$0x3], $0x8000, $0x38;
	[tilespmem:$0x10000] =	vst v63  }
0x339: {  	_ =	swait.ge [sflag:s6], $0x8000  }
0x33a: {  	[sflag:s6] =	ssyncset.done $0x0  }
0x33b: {  	[sflag:s6] =	ssyncadd.s32 $0xFFFF8000  }
0x33c: {  	[tilespmem:s2], [sflag:$0x1] =	stream.linear.gather [hbm4b:s20+s2], $0x8000, $0x38;
	[tilespmem:$0x10000] =	vst v63  }
0x33d: {  	_ =	swait.ge [sflag:s10], $0x8000  }
0x33e: {  	[sflag:s10] =	ssyncset.done $0x0  }
0x33f: {  	[sflag:s10] =	ssyncadd.s32 $0xFFFF8000  }
0x340: {  	[hbm4b:s19+s2] =	stream.linear.scatter [tilespmem:s7], [sflag:$0x4], $0x8000, $0x38;
	[tilespmem:$0x10000] =	vst v63  }
0x341: {  	_ =	swait.ge [sflag:s5], $0x8000  }
0x342: {  	[sflag:s5] =	ssyncset.done $0x0  }
0x343: {  	[sflag:s5] =	ssyncadd.s32 $0xFFFF8000  }
0x344: {  	[tilespmem:s7], [sflag:$0x2] =	stream.linear.gather [hbm4b:s18+s2], $0x8000, $0x38;
	[tilespmem:$0x10000] =	vst v63  }
0x345: {  	_ =	swait.ge [sflag:s11], $0x8000  }
0x346: {  	[sflag:s11] =	ssyncset.done $0x0  }
0x347: {  	[sflag:s11] =	ssyncadd.s32 $0xFFFF8000  }
0x348: {  	[hbm4b:s17+s2] =	stream.linear.scatter [tilespmem:s2], [sflag:$0x3], $0x8000, $0x38;
	[tilespmem:$0x10000] =	vst v63  }
0x349: {  	_ =	swait.ge [sflag:s6], $0x8000  }
0x34a: {  	[sflag:s6] =	ssyncset.done $0x0  }
0x34b: {  	[sflag:s6] =	ssyncadd.s32 $0xFFFF8000  }
0x34c: {  	[tilespmem:s2], [sflag:$0x1] =	stream.linear.gather [hbm4b:s16+s2], $0x8000, $0x38;
	[tilespmem:$0x10000] =	vst v63  }
0x34d: {  	_ =	swait.ge [sflag:s10], $0x8000  }
0x34e: {  	[sflag:s10] =	ssyncset.done $0x0  }
0x34f: {  	[sflag:s10] =	ssyncadd.s32 $0xFFFF8000  }
0x350: {  	[hbm4b:s14+s2] =	stream.linear.scatter [tilespmem:s7], [sflag:$0x4], $0x8000, $0x38;
	[tilespmem:$0x10000] =	vst v63  }
0x351: {  	_ =	swait.ge [sflag:s5], $0x8000  }
0x352: {  	[sflag:s5] =	ssyncset.done $0x0  }
0x353: {  	[sflag:s5] =	ssyncadd.s32 $0xFFFF8000  }
0x354: {  	[tilespmem:s7], [sflag:$0x2] =	stream.linear.gather [hbm4b:s15+s2], $0x8000, $0x38;
	[tilespmem:$0x10000] =	vst v63  }
0x355: {  	_ =	swait.ge [sflag:s11], $0x8000  }
0x356: {  	[sflag:s11] =	ssyncset.done $0x0  }
0x357: {  	[sflag:s11] =	ssyncadd.s32 $0xFFFF8000  }
0x358: {  	[hbm4b:s12+s2] =	stream.linear.scatter [tilespmem:s2], [sflag:$0x3], $0x8000, $0x38;
	[tilespmem:$0x10000] =	vst v63  }
0x359: {  	_ =	swait.ge [sflag:s6], $0x8000  }
0x35a: {  	[sflag:s6] =	ssyncset.done $0x0  }
0x35b: {  	[sflag:s6] =	ssyncadd.s32 $0xFFFF8000  }
0x35c: {  	[tilespmem:s2], [sflag:$0x1] =	stream.linear.gather [hbm4b:s13+s2], $0x8000, $0x38;
	[tilespmem:$0x10000] =	vst v63  }
0x35d: {  	_ =	swait.ge [sflag:s10], $0x8000  }
0x35e: {  	[sflag:s10] =	ssyncset.done $0x0  }
0x35f: {  	[sflag:s10] =	ssyncadd.s32 $0xFFFF8000  }
0x360: {  	[hbm4b:s9+s2] =	stream.linear.scatter [tilespmem:s7], [sflag:$0x4], $0x8000, $0x38;
	[tilespmem:$0x10000] =	vst v63  }
0x361: {  	_ =	swait.ge [sflag:s5], $0x8000  }
0x362: {  	[sflag:s5] =	ssyncset.done $0x0  }
0x363: {  	[sflag:s5] =	ssyncadd.s32 $0xFFFF8000  }
0x364: {  	[tilespmem:s7], [sflag:$0x2] =	stream.linear.gather [hbm4b:s8+s2], $0x8000, $0x38;
	[tilespmem:$0x10000] =	vst v63  }
0x365: {  	_ =	swait.ge [sflag:s11], $0x8000  }
0x366: {  	[sflag:s11] =	ssyncset.done $0x0  }
0x367: {  	[sflag:s11] =	ssyncadd.s32 $0xFFFF8000  }
0x368: {  	[hbm4b:s4+s2] =	stream.linear.scatter [tilespmem:s2], [sflag:$0x3], $0x8000, $0x38;
	[tilespmem:$0x10000] =	vst v63  }
0x369: {  	_ =	swait.ge [sflag:s10], $0x8000  }
0x36a: {  	[sflag:s10] =	ssyncset.done $0x0  }
0x36b: {  	[sflag:s10] =	ssyncadd.s32 $0xFFFF8000  }
0x36c: {  	[hbm4b:s3+s2] =	stream.linear.scatter [tilespmem:s7], [sflag:$0x4], $0x8000, $0x38;
	[tilespmem:$0x10000] =	vst v63  }
0x36d: {  	_ =	swait.ge [sflag:s6], $0x8000  }
0x36e: {  	[sflag:s6] =	ssyncset.done $0x0  }
0x36f: {  	[sflag:s6] =	ssyncadd.s32 $0xFFFF8000  }
0x370: {  	_ =	swait.ge [sflag:s5], $0x8000  }
0x371: {  	[sflag:s5] =	ssyncset.done $0x0  }
0x372: {  	[sflag:s5] =	ssyncadd.s32 $0xFFFF8000  }
0x373: {  	_ =	sfence.sel $0x180000  }
0x374: {  	[bflag:$0x0] =	sbarrier.arrive $0xFFFF  }
0x375: {  	_ =	strace $0x90000047  }
0x376: {  	s31 =	stileid.u32;
	[bflag:$0x2] =	sbarrier.arrive $0xFFFF  }
0x377: {  	p0 =	sne.s32 s31, $0x0;
	s0 =	rddreg [dreg:$0x2]  }
0x378: {  	s0 =	sadd.s32 @!p0 $0x100000, s0  }
0x379: {  	[sflag:s0] =	ssyncadd.tile.s32 @!p0 $0x1;
	_ =	shalt  }
.Lfunc_end2:
_tile_overlayer_lowered:
.L_overlay_start_2:
0x37a: {  	(tag) =	ssettag $0x2  }
0x37b: {  	s0 =	rddreg [dreg:$0x0];
	s2 =	stileid.u32  }
0x37c: {  	s1 =	rddreg [dreg:$0x1];
	p0 =	sne.s32 s2, $0x0  }
0x37d: {  	s3 =	rddreg [dreg:$0x2];
	[bflag:$0x3] =	sbarrier.arrive $0xFFFF;
	s2 =	simm.s32 @!p0 $0x1C05  }
0x37e: {  	[timem:s3], [sflag:s2] =	dma.local @!p0 [hbm:s0], s1  }
0x37f: {  	s0 =	simm.s32 @!p0 $0x5  }
0x380: {  	_ =	swait.ge @!p0 [sflag:s0], s1  }
0x381: {  	s1 =	ssub.s32 @!p0 $0x0, s1;
	[sflag:s0] =	ssyncset.done @!p0 $0x0  }
0x382: {  	[sflag:s0] =	ssyncadd.s32 @!p0 s1  }
0x383: {  	[bflag:$0x3] =	sbarrier.arrive $0xFFFF  }
0x384: {  	_ =	shalt  }

</sc_bundles>
